<compile_context>
chip_gen: v7x
topology: tpu7x:2x2x1
jax: 0.10.2.dev20260603
libtpu: 0.0.44.dev20260713+nightly
codegen_flags: <defaults>
</compile_context>

<pallas_src>
import functools
import math

import jax
import jax.numpy as jnp
from jax import lax
from jax.experimental import pallas as pl
from jax.experimental.pallas import tpu as pltpu
from jax.experimental.pallas import tpu_sc as plsc

D_MODEL = 64
BPT = 128
NBUF = 4
LOOKG = 2
SCALE = math.sqrt(D_MODEL)


@functools.cache
def _build(batch: int, hist: int):
    info = plsc.get_sparse_core_info()
    nc, ns = info.num_cores, info.num_subcores
    nw = nc * ns
    assert batch == nw * BPT
    steps = hist

    mesh = plsc.VectorSubcoreMesh(core_axis_name="c", subcore_axis_name="s")

    @functools.partial(
        pl.kernel,
        mesh=mesh,
        out_type=jax.ShapeDtypeStruct(
            (hist, D_MODEL // 8, batch // 128, 8, 128), jnp.float32),
        compiler_params=pltpu.CompilerParams(
            use_tc_tiling_on_sc=False, needs_layout_passes=False),
        scratch_types=[
            pltpu.VMEM((hist, BPT), jnp.int32),
            [pltpu.VMEM((BPT, 2 * D_MODEL), jnp.float32) for _ in range(NBUF)],
            [pltpu.VMEM((D_MODEL // 8, 8, BPT), jnp.float32)
             for _ in range(NBUF)],
            [pltpu.SemaphoreType.DMA for _ in range(NBUF)],
            [pltpu.SemaphoreType.DMA for _ in range(NBUF)],
        ],
    )
    def emb(x_hbm, table_hbm, out_hbm, idx_v, gbufs, obufs, gsems, ssems):
        wid = lax.axis_index("s") * nc + lax.axis_index("c")
        pltpu.sync_copy(x_hbm.at[wid], idx_v)

        def gather(h, slot):
            pltpu.async_copy(table_hbm.at[idx_v.at[h]], gbufs[slot],
                             gsems[slot])

        for s in range(LOOKG):
            gather(s, s % NBUF)

        iota16 = lax.iota(jnp.int32, 16)
        rowvecs = [iota16 + (16 * grp) for grp in range(BPT // 16)]

        def outer(o4, carry):
            for u in range(NBUF):
                s = o4 * NBUF + u

                @pl.when(s >= NBUF)
                def _():
                    pltpu.make_async_copy(
                        obufs[u], out_hbm.at[0, :, 0], ssems[u]).wait()

                pltpu.make_async_copy(
                    table_hbm.at[idx_v.at[s]], gbufs[u], gsems[u]).wait()

                def d_body(d0, c2):
                    colvec = (d0 + iota16) & (D_MODEL - 1)
                    trvec = lax.shift_right_logical(colvec, 3)
                    rvec = colvec & 7
                    for grp in range(BPT // 16):
                        v = plsc.load_gather(gbufs[u], [rowvecs[grp], colvec])
                        plsc.store_scatter(
                            obufs[u], [trvec, rvec, rowvecs[grp]], v * SCALE)
                    return c2

                lax.fori_loop(0, D_MODEL, d_body, 0, unroll=4)

                pltpu.async_copy(obufs[u], out_hbm.at[s, :, wid], ssems[u])

                @pl.when(s + LOOKG < steps)
                def _():
                    gather(s + LOOKG, (u + LOOKG) % NBUF)
            return carry

        lax.fori_loop(0, steps // NBUF, outer, 0)

        for u in range(NBUF):
            pltpu.make_async_copy(
                obufs[u], out_hbm.at[0, :, 0], ssems[u]).wait()

    return emb


def kernel(x, table):
    b, h = x.shape
    nw = b // BPT
    xtt = x.T.reshape(h, nw, BPT).transpose(1, 0, 2)
    tpad = jnp.pad(table, ((0, 0), (0, D_MODEL)))
    out5d = _build(b, h)(xtt, tpad)
    return out5d.transpose(2, 4, 0, 1, 3).reshape(b, h, D_MODEL)

# --- scband reference (transcript-rebuilt; emitter-appended) ---
"""Pipeline reference for scband-input-embedding-6579889897778 (READ-ONLY COPY).

The authoritative reference and input builder live on the scoring server;
editing this copy changes nothing except your own understanding.
"""

import math
import jax, jax.numpy as jnp
import numpy as np

VOCAB_SIZE = 1000000
D_MODEL = 64
BATCH = 4096
HIST = 200

def setup_inputs(seed: int = 0) -> dict:
    key = jax.random.key(seed)
    k_idx, k_tab = jax.random.split(key)
    x = jax.random.randint(k_idx, (BATCH, HIST), 0, VOCAB_SIZE, dtype=jnp.int64 if jax.config.jax_enable_x64 else jnp.int32)
    # nn.Embedding default init: N(0, 1)
    table = jax.random.normal(k_tab, (VOCAB_SIZE, D_MODEL), dtype=jnp.float32)
    return {"x": x, "table": table}

def reference(x, table):
    out = jnp.take(table, x, axis=0) * math.sqrt(D_MODEL)
    return out

if __name__ == "__main__":
    import jax
    _d = setup_inputs()
    print(jax.jit(kernel)(*tuple(_d.values())))

</pallas_src>

<mosaic_0001>
#map = affine_map<(d0, d1) -> (0, 0, 0)>
#map1 = affine_map<(d0, d1) -> (0, 0)>
#map2 = affine_map<(d0, d1) -> (0, 0, 0, 0, 0)>
module attributes {stable_mosaic.version = 14 : i64} {
  func.func @emb(%arg0: i32, %arg1: i32, %arg2: memref<32x200x128xi32, #tpu.memory_space<hbm>>, %arg3: memref<1000000x128xf32, #tpu.memory_space<hbm>>, %arg4: memref<200x8x32x8x128xf32, #tpu.memory_space<hbm>>, %arg5: memref<200x128xi32, #tpu.memory_space<vmem>>, %arg6: memref<128x128xf32, #tpu.memory_space<vmem>>, %arg7: memref<128x128xf32, #tpu.memory_space<vmem>>, %arg8: memref<128x128xf32, #tpu.memory_space<vmem>>, %arg9: memref<128x128xf32, #tpu.memory_space<vmem>>, %arg10: memref<8x8x128xf32, #tpu.memory_space<vmem>>, %arg11: memref<8x8x128xf32, #tpu.memory_space<vmem>>, %arg12: memref<8x8x128xf32, #tpu.memory_space<vmem>>, %arg13: memref<8x8x128xf32, #tpu.memory_space<vmem>>, %arg14: memref<!tpu.dma_semaphore, #tpu.memory_space<semaphore_mem>>, %arg15: memref<!tpu.dma_semaphore, #tpu.memory_space<semaphore_mem>>, %arg16: memref<!tpu.dma_semaphore, #tpu.memory_space<semaphore_mem>>, %arg17: memref<!tpu.dma_semaphore, #tpu.memory_space<semaphore_mem>>, %arg18: memref<!tpu.dma_semaphore, #tpu.memory_space<semaphore_mem>>, %arg19: memref<!tpu.dma_semaphore, #tpu.memory_space<semaphore_mem>>, %arg20: memref<!tpu.dma_semaphore, #tpu.memory_space<semaphore_mem>>, %arg21: memref<!tpu.dma_semaphore, #tpu.memory_space<semaphore_mem>>) attributes {dimension_semantics = [#tpu.dimension_semantics<core_parallel>, #tpu.dimension_semantics<subcore_parallel>], iteration_bounds = array<i64: 2, 16>, scalar_prefetch = 0 : i64, scratch_operands = 17 : i64, tpu.core_type = #tpu.core_type<sc_vector_subcore>, window_params = [{transform_indices = #map}, {transform_indices = #map1}, {transform_indices = #map2}]} {
    %mul3A = arith.constant 2 : i32
    %mul3A_0 = arith.muli %arg1, %mul3A : i32
    %add3A = arith.addi %mul3A_0, %arg0 : i32
    "tpu.region"() ({
      %run_scoped3A = tpu.sem_alloc : memref<!tpu.dma_semaphore, #tpu.memory_space<semaphore_mem>>
      %dma_start3A_90 = arith.constant 0 : i32
      %dma_start3A_91 = arith.constant 0 : i32
      %dma_start3A_92 = tpu.memref_slice %arg2[%add3A, %dma_start3A_90, %dma_start3A_91] : memref<32x200x128xi32, #tpu.memory_space<hbm>> -> memref<1x200x128xi32, #tpu.memory_space<hbm>>
      %dma_start3A_93 = tpu.memref_squeeze %dma_start3A_92 : memref<1x200x128xi32, #tpu.memory_space<hbm>> -> memref<200x128xi32, #tpu.memory_space<hbm>>
      %dma_start3A_94 = arith.constant 0 : i32
      %dma_start3A_95 = arith.constant 0 : i32
      %dma_start3A_96 = tpu.memref_slice %arg2[%add3A, %dma_start3A_94, %dma_start3A_95] : memref<32x200x128xi32, #tpu.memory_space<hbm>> -> memref<1x200x128xi32, #tpu.memory_space<hbm>>
      %dma_start3A_97 = tpu.memref_squeeze %dma_start3A_96 : memref<1x200x128xi32, #tpu.memory_space<hbm>> -> memref<200x128xi32, #tpu.memory_space<hbm>>
      tpu.enqueue_dma source(%dma_start3A_97 : memref<200x128xi32, #tpu.memory_space<hbm>>) target(%arg5 : memref<200x128xi32, #tpu.memory_space<vmem>>) target_semaphore(%run_scoped3A : memref<!tpu.dma_semaphore, #tpu.memory_space<semaphore_mem>>)
      %dma_wait3A_98 = arith.constant 0 : i32
      %dma_wait3A_99 = arith.constant 0 : i32
      %dma_wait3A_100 = tpu.memref_slice %arg2[%add3A, %dma_wait3A_98, %dma_wait3A_99] : memref<32x200x128xi32, #tpu.memory_space<hbm>> -> memref<1x200x128xi32, #tpu.memory_space<hbm>>
      %dma_wait3A_101 = tpu.memref_squeeze %dma_wait3A_100 : memref<1x200x128xi32, #tpu.memory_space<hbm>> -> memref<200x128xi32, #tpu.memory_space<hbm>>
      %dma_wait3A_102 = arith.constant 0 : i32
      %dma_wait3A_103 = arith.constant 0 : i32
      %dma_wait3A_104 = tpu.memref_slice %arg2[%add3A, %dma_wait3A_102, %dma_wait3A_103] : memref<32x200x128xi32, #tpu.memory_space<hbm>> -> memref<1x200x128xi32, #tpu.memory_space<hbm>>
      %dma_wait3A_105 = tpu.memref_squeeze %dma_wait3A_104 : memref<1x200x128xi32, #tpu.memory_space<hbm>> -> memref<200x128xi32, #tpu.memory_space<hbm>>
      tpu.wait_dma2 semaphore(%run_scoped3A : memref<!tpu.dma_semaphore, #tpu.memory_space<semaphore_mem>>) src(%dma_wait3A_105 : memref<200x128xi32, #tpu.memory_space<hbm>>) dst(%arg5 : memref<200x128xi32, #tpu.memory_space<vmem>>)
      tpu.yield
    }) : () -> ()
    %dma_start3A = arith.constant 0 : i32
    %dma_start3A_1 = arith.constant 0 : i32
    %dma_start3A_2 = tpu.memref_slice %arg5[%dma_start3A, %dma_start3A_1] : memref<200x128xi32, #tpu.memory_space<vmem>> -> memref<1x128xi32, #tpu.memory_space<vmem>>
    %dma_start3A_3 = tpu.memref_squeeze %dma_start3A_2 : memref<1x128xi32, #tpu.memory_space<vmem>> -> memref<128xi32, #tpu.memory_space<vmem>>
    %dma_start3A_4 = arith.constant 0 : i32
    %dma_start3A_5 = arith.constant 0 : i32
    %dma_start3A_6 = tpu.memref_slice %arg3[%dma_start3A_4, %dma_start3A_5] : memref<1000000x128xf32, #tpu.memory_space<hbm>> -> memref<1000000x128xf32, #tpu.memory_space<hbm>>
    tpu.enqueue_indirect_dma source(%dma_start3A_6 : memref<1000000x128xf32, #tpu.memory_space<hbm>>) target(%arg6 : memref<128x128xf32, #tpu.memory_space<vmem>>) offsets(%dma_start3A_3 : memref<128xi32, #tpu.memory_space<vmem>>) semaphore(%arg14 : memref<!tpu.dma_semaphore, #tpu.memory_space<semaphore_mem>>)
    %dma_start3A_7 = arith.constant 1 : i32
    %dma_start3A_8 = arith.constant 0 : i32
    %dma_start3A_9 = tpu.memref_slice %arg5[%dma_start3A_7, %dma_start3A_8] : memref<200x128xi32, #tpu.memory_space<vmem>> -> memref<1x128xi32, #tpu.memory_space<vmem>>
    %dma_start3A_10 = tpu.memref_squeeze %dma_start3A_9 : memref<1x128xi32, #tpu.memory_space<vmem>> -> memref<128xi32, #tpu.memory_space<vmem>>
    %dma_start3A_11 = arith.constant 0 : i32
    %dma_start3A_12 = arith.constant 0 : i32
    %dma_start3A_13 = tpu.memref_slice %arg3[%dma_start3A_11, %dma_start3A_12] : memref<1000000x128xf32, #tpu.memory_space<hbm>> -> memref<1000000x128xf32, #tpu.memory_space<hbm>>
    tpu.enqueue_indirect_dma source(%dma_start3A_13 : memref<1000000x128xf32, #tpu.memory_space<hbm>>) target(%arg7 : memref<128x128xf32, #tpu.memory_space<vmem>>) offsets(%dma_start3A_10 : memref<128xi32, #tpu.memory_space<vmem>>) semaphore(%arg15 : memref<!tpu.dma_semaphore, #tpu.memory_space<semaphore_mem>>)
    %iota3A = tpu.iota {dimensions = array<i32: 0>} : vector<16xi32>
    %add3A_14 = arith.constant 0 : i32
    %add3A_15 = vector.broadcast %add3A_14 : i32 to vector<16xi32>
    %add3A_16 = arith.addi %iota3A, %add3A_15 : vector<16xi32>
    %add3A_17 = arith.constant 16 : i32
    %add3A_18 = vector.broadcast %add3A_17 : i32 to vector<16xi32>
    %add3A_19 = arith.addi %iota3A, %add3A_18 : vector<16xi32>
    %add3A_20 = arith.constant 32 : i32
    %add3A_21 = vector.broadcast %add3A_20 : i32 to vector<16xi32>
    %add3A_22 = arith.addi %iota3A, %add3A_21 : vector<16xi32>
    %add3A_23 = arith.constant 48 : i32
    %add3A_24 = vector.broadcast %add3A_23 : i32 to vector<16xi32>
    %add3A_25 = arith.addi %iota3A, %add3A_24 : vector<16xi32>
    %add3A_26 = arith.constant 64 : i32
    %add3A_27 = vector.broadcast %add3A_26 : i32 to vector<16xi32>
    %add3A_28 = arith.addi %iota3A, %add3A_27 : vector<16xi32>
    %add3A_29 = arith.constant 80 : i32
    %add3A_30 = vector.broadcast %add3A_29 : i32 to vector<16xi32>
    %add3A_31 = arith.addi %iota3A, %add3A_30 : vector<16xi32>
    %add3A_32 = arith.constant 96 : i32
    %add3A_33 = vector.broadcast %add3A_32 : i32 to vector<16xi32>
    %add3A_34 = arith.addi %iota3A, %add3A_33 : vector<16xi32>
    %add3A_35 = arith.constant 112 : i32
    %add3A_36 = vector.broadcast %add3A_35 : i32 to vector<16xi32>
    %add3A_37 = arith.addi %iota3A, %add3A_36 : vector<16xi32>
    %scan3A = arith.constant 0 : i32
    %scan3A_38 = arith.constant 0 : i32
    %scan3A_39 = arith.constant 50 : i32
    %scan3A_40 = arith.addi %scan3A_38, %scan3A_39 : i32
    %scan3A_41 = arith.constant 1 : i32
    scf.for %scan3A_90 = %scan3A_38 to %scan3A_40 step %scan3A_41  : i32 {
      %mul3A_91 = arith.constant 4 : i32
      %mul3A_92 = arith.muli %scan3A_90, %mul3A_91 : i32
      %add3A_93 = arith.constant 0 : i32
      %add3A_94 = arith.addi %mul3A_92, %add3A_93 : i32
      %ge3A = arith.constant 4 : i32
      %ge3A_95 = arith.cmpi sge, %add3A_94, %ge3A : i32
      %convert_element_type3A = arith.extui %ge3A_95 : i1 to i32
      %cond3A = arith.constant 0 : i32
      %cond3A_96 = arith.cmpi ne, %convert_element_type3A, %cond3A : i32
      scf.if %cond3A_96 {
        %dma_wait3A_239 = arith.constant 0 : i32
        %dma_wait3A_240 = arith.constant 0 : i32
        %dma_wait3A_241 = arith.constant 0 : i32
        %dma_wait3A_242 = arith.constant 0 : i32
        %dma_wait3A_243 = arith.constant 0 : i32
        %dma_wait3A_244 = tpu.memref_slice %arg4[%dma_wait3A_239, %dma_wait3A_241, %dma_wait3A_240, %dma_wait3A_242, %dma_wait3A_243] : memref<200x8x32x8x128xf32, #tpu.memory_space<hbm>> -> memref<1x8x1x8x128xf32, #tpu.memory_space<hbm>>
        %dma_wait3A_245 = tpu.memref_squeeze %dma_wait3A_244 : memref<1x8x1x8x128xf32, #tpu.memory_space<hbm>> -> memref<8x8x128xf32, #tpu.memory_space<hbm>>
        %dma_wait3A_246 = arith.constant 0 : i32
        %dma_wait3A_247 = arith.constant 0 : i32
        %dma_wait3A_248 = arith.constant 0 : i32
        %dma_wait3A_249 = tpu.memref_slice %arg4[%dma_wait3A_239, %dma_wait3A_246, %dma_wait3A_240, %dma_wait3A_247, %dma_wait3A_248] : memref<200x8x32x8x128xf32, #tpu.memory_space<hbm>> -> memref<1x8x1x8x128xf32, #tpu.memory_space<hbm>>
        %dma_wait3A_250 = tpu.memref_squeeze %dma_wait3A_249 : memref<1x8x1x8x128xf32, #tpu.memory_space<hbm>> -> memref<8x8x128xf32, #tpu.memory_space<hbm>>
        tpu.wait_dma2 semaphore(%arg18 : memref<!tpu.dma_semaphore, #tpu.memory_space<semaphore_mem>>) src(%arg10 : memref<8x8x128xf32, #tpu.memory_space<vmem>>) dst(%dma_wait3A_250 : memref<8x8x128xf32, #tpu.memory_space<hbm>>)
      } else {
      }
      %dma_wait3A_97 = arith.constant 0 : i32
      %dma_wait3A_98 = tpu.memref_slice %arg5[%add3A_94, %dma_wait3A_97] : memref<200x128xi32, #tpu.memory_space<vmem>> -> memref<1x128xi32, #tpu.memory_space<vmem>>
      %dma_wait3A_99 = tpu.memref_squeeze %dma_wait3A_98 : memref<1x128xi32, #tpu.memory_space<vmem>> -> memref<128xi32, #tpu.memory_space<vmem>>
      %dma_wait3A_100 = arith.constant 0 : i32
      %dma_wait3A_101 = arith.constant 0 : i32
      %dma_wait3A_102 = tpu.memref_slice %arg3[%dma_wait3A_100, %dma_wait3A_101] : memref<1000000x128xf32, #tpu.memory_space<hbm>> -> memref<1000000x128xf32, #tpu.memory_space<hbm>>
      tpu.wait_indirect_dma semaphore(%arg14 : memref<!tpu.dma_semaphore, #tpu.memory_space<semaphore_mem>>) src(%dma_wait3A_102 : memref<1000000x128xf32, #tpu.memory_space<hbm>>) dst(%arg6 : memref<128x128xf32, #tpu.memory_space<vmem>>)
      %scan3A_103 = arith.constant 0 : i32
      %scan3A_104 = arith.constant 0 : i32
      %scan3A_105 = arith.constant 64 : i32
      %scan3A_106 = arith.addi %scan3A_104, %scan3A_105 : i32
      %scan3A_107 = arith.constant 4 : i32
      scf.for %scan3A_239 = %scan3A_104 to %scan3A_106 step %scan3A_107  : i32 {
        %add3A_240 = vector.broadcast %scan3A_239 : i32 to vector<16xi32>
        %add3A_241 = arith.addi %add3A_240, %iota3A : vector<16xi32>
        %and3A = arith.constant 63 : i32
        %and3A_242 = vector.broadcast %and3A : i32 to vector<16xi32>
        %and3A_243 = arith.andi %add3A_241, %and3A_242 : vector<16xi32>
        %shift_right_logical3A = arith.constant 3 : i32
        %shift_right_logical3A_244 = vector.broadcast %shift_right_logical3A : i32 to vector<16xi32>
        %shift_right_logical3A_245 = arith.shrui %and3A_243, %shift_right_logical3A_244 : vector<16xi32>
        %and3A_246 = arith.constant 7 : i32
        %and3A_247 = vector.broadcast %and3A_246 : i32 to vector<16xi32>
        %and3A_248 = arith.andi %and3A_243, %and3A_247 : vector<16xi32>
        %gather3A = tpu.vector_load_idx %arg6[%add3A_16, %and3A_243] : memref<128x128xf32, #tpu.memory_space<vmem>>[vector<16xi32>, vector<16xi32>], vector<16xf32>,
        %mul3A_249 = arith.constant 8.000000e+00 : f32
        %mul3A_250 = vector.broadcast %mul3A_249 : f32 to vector<16xf32>
        %mul3A_251 = arith.mulf %gather3A, %mul3A_250 : vector<16xf32>
        tpu.vector_store_idx %arg10[%shift_right_logical3A_245, %and3A_248, %add3A_16], %mul3A_251 : memref<8x8x128xf32, #tpu.memory_space<vmem>>[vector<16xi32>, vector<16xi32>, vector<16xi32>], vector<16xf32>,
        %gather3A_252 = tpu.vector_load_idx %arg6[%add3A_19, %and3A_243] : memref<128x128xf32, #tpu.memory_space<vmem>>[vector<16xi32>, vector<16xi32>], vector<16xf32>,
        %mul3A_253 = arith.constant 8.000000e+00 : f32
        %mul3A_254 = vector.broadcast %mul3A_253 : f32 to vector<16xf32>
        %mul3A_255 = arith.mulf %gather3A_252, %mul3A_254 : vector<16xf32>
        tpu.vector_store_idx %arg10[%shift_right_logical3A_245, %and3A_248, %add3A_19], %mul3A_255 : memref<8x8x128xf32, #tpu.memory_space<vmem>>[vector<16xi32>, vector<16xi32>, vector<16xi32>], vector<16xf32>,
        %gather3A_256 = tpu.vector_load_idx %arg6[%add3A_22, %and3A_243] : memref<128x128xf32, #tpu.memory_space<vmem>>[vector<16xi32>, vector<16xi32>], vector<16xf32>,
        %mul3A_257 = arith.constant 8.000000e+00 : f32
        %mul3A_258 = vector.broadcast %mul3A_257 : f32 to vector<16xf32>
        %mul3A_259 = arith.mulf %gather3A_256, %mul3A_258 : vector<16xf32>
        tpu.vector_store_idx %arg10[%shift_right_logical3A_245, %and3A_248, %add3A_22], %mul3A_259 : memref<8x8x128xf32, #tpu.memory_space<vmem>>[vector<16xi32>, vector<16xi32>, vector<16xi32>], vector<16xf32>,
        %gather3A_260 = tpu.vector_load_idx %arg6[%add3A_25, %and3A_243] : memref<128x128xf32, #tpu.memory_space<vmem>>[vector<16xi32>, vector<16xi32>], vector<16xf32>,
        %mul3A_261 = arith.constant 8.000000e+00 : f32
        %mul3A_262 = vector.broadcast %mul3A_261 : f32 to vector<16xf32>
        %mul3A_263 = arith.mulf %gather3A_260, %mul3A_262 : vector<16xf32>
        tpu.vector_store_idx %arg10[%shift_right_logical3A_245, %and3A_248, %add3A_25], %mul3A_263 : memref<8x8x128xf32, #tpu.memory_space<vmem>>[vector<16xi32>, vector<16xi32>, vector<16xi32>], vector<16xf32>,
        %gather3A_264 = tpu.vector_load_idx %arg6[%add3A_28, %and3A_243] : memref<128x128xf32, #tpu.memory_space<vmem>>[vector<16xi32>, vector<16xi32>], vector<16xf32>,
        %mul3A_265 = arith.constant 8.000000e+00 : f32
        %mul3A_266 = vector.broadcast %mul3A_265 : f32 to vector<16xf32>
        %mul3A_267 = arith.mulf %gather3A_264, %mul3A_266 : vector<16xf32>
        tpu.vector_store_idx %arg10[%shift_right_logical3A_245, %and3A_248, %add3A_28], %mul3A_267 : memref<8x8x128xf32, #tpu.memory_space<vmem>>[vector<16xi32>, vector<16xi32>, vector<16xi32>], vector<16xf32>,
        %gather3A_268 = tpu.vector_load_idx %arg6[%add3A_31, %and3A_243] : memref<128x128xf32, #tpu.memory_space<vmem>>[vector<16xi32>, vector<16xi32>], vector<16xf32>,
        %mul3A_269 = arith.constant 8.000000e+00 : f32
        %mul3A_270 = vector.broadcast %mul3A_269 : f32 to vector<16xf32>
        %mul3A_271 = arith.mulf %gather3A_268, %mul3A_270 : vector<16xf32>
        tpu.vector_store_idx %arg10[%shift_right_logical3A_245, %and3A_248, %add3A_31], %mul3A_271 : memref<8x8x128xf32, #tpu.memory_space<vmem>>[vector<16xi32>, vector<16xi32>, vector<16xi32>], vector<16xf32>,
        %gather3A_272 = tpu.vector_load_idx %arg6[%add3A_34, %and3A_243] : memref<128x128xf32, #tpu.memory_space<vmem>>[vector<16xi32>, vector<16xi32>], vector<16xf32>,
        %mul3A_273 = arith.constant 8.000000e+00 : f32
        %mul3A_274 = vector.broadcast %mul3A_273 : f32 to vector<16xf32>
        %mul3A_275 = arith.mulf %gather3A_272, %mul3A_274 : vector<16xf32>
        tpu.vector_store_idx %arg10[%shift_right_logical3A_245, %and3A_248, %add3A_34], %mul3A_275 : memref<8x8x128xf32, #tpu.memory_space<vmem>>[vector<16xi32>, vector<16xi32>, vector<16xi32>], vector<16xf32>,
        %gather3A_276 = tpu.vector_load_idx %arg6[%add3A_37, %and3A_243] : memref<128x128xf32, #tpu.memory_space<vmem>>[vector<16xi32>, vector<16xi32>], vector<16xf32>,
        %mul3A_277 = arith.constant 8.000000e+00 : f32
        %mul3A_278 = vector.broadcast %mul3A_277 : f32 to vector<16xf32>
        %mul3A_279 = arith.mulf %gather3A_276, %mul3A_278 : vector<16xf32>
        tpu.vector_store_idx %arg10[%shift_right_logical3A_245, %and3A_248, %add3A_37], %mul3A_279 : memref<8x8x128xf32, #tpu.memory_space<vmem>>[vector<16xi32>, vector<16xi32>, vector<16xi32>], vector<16xf32>,
        %scan3A_280 = arith.constant 1 : i32
        %scan3A_281 = arith.addi %scan3A_239, %scan3A_280 : i32
        %add3A_282 = vector.broadcast %scan3A_281 : i32 to vector<16xi32>
        %add3A_283 = arith.addi %add3A_282, %iota3A : vector<16xi32>
        %and3A_284 = arith.constant 63 : i32
        %and3A_285 = vector.broadcast %and3A_284 : i32 to vector<16xi32>
        %and3A_286 = arith.andi %add3A_283, %and3A_285 : vector<16xi32>
        %shift_right_logical3A_287 = arith.constant 3 : i32
        %shift_right_logical3A_288 = vector.broadcast %shift_right_logical3A_287 : i32 to vector<16xi32>
        %shift_right_logical3A_289 = arith.shrui %and3A_286, %shift_right_logical3A_288 : vector<16xi32>
        %and3A_290 = arith.constant 7 : i32
        %and3A_291 = vector.broadcast %and3A_290 : i32 to vector<16xi32>
        %and3A_292 = arith.andi %and3A_286, %and3A_291 : vector<16xi32>
        %gather3A_293 = tpu.vector_load_idx %arg6[%add3A_16, %and3A_286] : memref<128x128xf32, #tpu.memory_space<vmem>>[vector<16xi32>, vector<16xi32>], vector<16xf32>,
        %mul3A_294 = arith.constant 8.000000e+00 : f32
        %mul3A_295 = vector.broadcast %mul3A_294 : f32 to vector<16xf32>
        %mul3A_296 = arith.mulf %gather3A_293, %mul3A_295 : vector<16xf32>
        tpu.vector_store_idx %arg10[%shift_right_logical3A_289, %and3A_292, %add3A_16], %mul3A_296 : memref<8x8x128xf32, #tpu.memory_space<vmem>>[vector<16xi32>, vector<16xi32>, vector<16xi32>], vector<16xf32>,
        %gather3A_297 = tpu.vector_load_idx %arg6[%add3A_19, %and3A_286] : memref<128x128xf32, #tpu.memory_space<vmem>>[vector<16xi32>, vector<16xi32>], vector<16xf32>,
        %mul3A_298 = arith.constant 8.000000e+00 : f32
        %mul3A_299 = vector.broadcast %mul3A_298 : f32 to vector<16xf32>
        %mul3A_300 = arith.mulf %gather3A_297, %mul3A_299 : vector<16xf32>
        tpu.vector_store_idx %arg10[%shift_right_logical3A_289, %and3A_292, %add3A_19], %mul3A_300 : memref<8x8x128xf32, #tpu.memory_space<vmem>>[vector<16xi32>, vector<16xi32>, vector<16xi32>], vector<16xf32>,
        %gather3A_301 = tpu.vector_load_idx %arg6[%add3A_22, %and3A_286] : memref<128x128xf32, #tpu.memory_space<vmem>>[vector<16xi32>, vector<16xi32>], vector<16xf32>,
        %mul3A_302 = arith.constant 8.000000e+00 : f32
        %mul3A_303 = vector.broadcast %mul3A_302 : f32 to vector<16xf32>
        %mul3A_304 = arith.mulf %gather3A_301, %mul3A_303 : vector<16xf32>
        tpu.vector_store_idx %arg10[%shift_right_logical3A_289, %and3A_292, %add3A_22], %mul3A_304 : memref<8x8x128xf32, #tpu.memory_space<vmem>>[vector<16xi32>, vector<16xi32>, vector<16xi32>], vector<16xf32>,
        %gather3A_305 = tpu.vector_load_idx %arg6[%add3A_25, %and3A_286] : memref<128x128xf32, #tpu.memory_space<vmem>>[vector<16xi32>, vector<16xi32>], vector<16xf32>,
        %mul3A_306 = arith.constant 8.000000e+00 : f32
        %mul3A_307 = vector.broadcast %mul3A_306 : f32 to vector<16xf32>
        %mul3A_308 = arith.mulf %gather3A_305, %mul3A_307 : vector<16xf32>
        tpu.vector_store_idx %arg10[%shift_right_logical3A_289, %and3A_292, %add3A_25], %mul3A_308 : memref<8x8x128xf32, #tpu.memory_space<vmem>>[vector<16xi32>, vector<16xi32>, vector<16xi32>], vector<16xf32>,
        %gather3A_309 = tpu.vector_load_idx %arg6[%add3A_28, %and3A_286] : memref<128x128xf32, #tpu.memory_space<vmem>>[vector<16xi32>, vector<16xi32>], vector<16xf32>,
        %mul3A_310 = arith.constant 8.000000e+00 : f32
        %mul3A_311 = vector.broadcast %mul3A_310 : f32 to vector<16xf32>
        %mul3A_312 = arith.mulf %gather3A_309, %mul3A_311 : vector<16xf32>
        tpu.vector_store_idx %arg10[%shift_right_logical3A_289, %and3A_292, %add3A_28], %mul3A_312 : memref<8x8x128xf32, #tpu.memory_space<vmem>>[vector<16xi32>, vector<16xi32>, vector<16xi32>], vector<16xf32>,
        %gather3A_313 = tpu.vector_load_idx %arg6[%add3A_31, %and3A_286] : memref<128x128xf32, #tpu.memory_space<vmem>>[vector<16xi32>, vector<16xi32>], vector<16xf32>,
        %mul3A_314 = arith.constant 8.000000e+00 : f32
        %mul3A_315 = vector.broadcast %mul3A_314 : f32 to vector<16xf32>
        %mul3A_316 = arith.mulf %gather3A_313, %mul3A_315 : vector<16xf32>
        tpu.vector_store_idx %arg10[%shift_right_logical3A_289, %and3A_292, %add3A_31], %mul3A_316 : memref<8x8x128xf32, #tpu.memory_space<vmem>>[vector<16xi32>, vector<16xi32>, vector<16xi32>], vector<16xf32>,
        %gather3A_317 = tpu.vector_load_idx %arg6[%add3A_34, %and3A_286] : memref<128x128xf32, #tpu.memory_space<vmem>>[vector<16xi32>, vector<16xi32>], vector<16xf32>,
        %mul3A_318 = arith.constant 8.000000e+00 : f32
        %mul3A_319 = vector.broadcast %mul3A_318 : f32 to vector<16xf32>
        %mul3A_320 = arith.mulf %gather3A_317, %mul3A_319 : vector<16xf32>
        tpu.vector_store_idx %arg10[%shift_right_logical3A_289, %and3A_292, %add3A_34], %mul3A_320 : memref<8x8x128xf32, #tpu.memory_space<vmem>>[vector<16xi32>, vector<16xi32>, vector<16xi32>], vector<16xf32>,
        %gather3A_321 = tpu.vector_load_idx %arg6[%add3A_37, %and3A_286] : memref<128x128xf32, #tpu.memory_space<vmem>>[vector<16xi32>, vector<16xi32>], vector<16xf32>,
        %mul3A_322 = arith.constant 8.000000e+00 : f32
        %mul3A_323 = vector.broadcast %mul3A_322 : f32 to vector<16xf32>
        %mul3A_324 = arith.mulf %gather3A_321, %mul3A_323 : vector<16xf32>
        tpu.vector_store_idx %arg10[%shift_right_logical3A_289, %and3A_292, %add3A_37], %mul3A_324 : memref<8x8x128xf32, #tpu.memory_space<vmem>>[vector<16xi32>, vector<16xi32>, vector<16xi32>], vector<16xf32>,
        %scan3A_325 = arith.constant 2 : i32
        %scan3A_326 = arith.addi %scan3A_239, %scan3A_325 : i32
        %add3A_327 = vector.broadcast %scan3A_326 : i32 to vector<16xi32>
        %add3A_328 = arith.addi %add3A_327, %iota3A : vector<16xi32>
        %and3A_329 = arith.constant 63 : i32
        %and3A_330 = vector.broadcast %and3A_329 : i32 to vector<16xi32>
        %and3A_331 = arith.andi %add3A_328, %and3A_330 : vector<16xi32>
        %shift_right_logical3A_332 = arith.constant 3 : i32
        %shift_right_logical3A_333 = vector.broadcast %shift_right_logical3A_332 : i32 to vector<16xi32>
        %shift_right_logical3A_334 = arith.shrui %and3A_331, %shift_right_logical3A_333 : vector<16xi32>
        %and3A_335 = arith.constant 7 : i32
        %and3A_336 = vector.broadcast %and3A_335 : i32 to vector<16xi32>
        %and3A_337 = arith.andi %and3A_331, %and3A_336 : vector<16xi32>
        %gather3A_338 = tpu.vector_load_idx %arg6[%add3A_16, %and3A_331] : memref<128x128xf32, #tpu.memory_space<vmem>>[vector<16xi32>, vector<16xi32>], vector<16xf32>,
        %mul3A_339 = arith.constant 8.000000e+00 : f32
        %mul3A_340 = vector.broadcast %mul3A_339 : f32 to vector<16xf32>
        %mul3A_341 = arith.mulf %gather3A_338, %mul3A_340 : vector<16xf32>
        tpu.vector_store_idx %arg10[%shift_right_logical3A_334, %and3A_337, %add3A_16], %mul3A_341 : memref<8x8x128xf32, #tpu.memory_space<vmem>>[vector<16xi32>, vector<16xi32>, vector<16xi32>], vector<16xf32>,
        %gather3A_342 = tpu.vector_load_idx %arg6[%add3A_19, %and3A_331] : memref<128x128xf32, #tpu.memory_space<vmem>>[vector<16xi32>, vector<16xi32>], vector<16xf32>,
        %mul3A_343 = arith.constant 8.000000e+00 : f32
        %mul3A_344 = vector.broadcast %mul3A_343 : f32 to vector<16xf32>
        %mul3A_345 = arith.mulf %gather3A_342, %mul3A_344 : vector<16xf32>
        tpu.vector_store_idx %arg10[%shift_right_logical3A_334, %and3A_337, %add3A_19], %mul3A_345 : memref<8x8x128xf32, #tpu.memory_space<vmem>>[vector<16xi32>, vector<16xi32>, vector<16xi32>], vector<16xf32>,
        %gather3A_346 = tpu.vector_load_idx %arg6[%add3A_22, %and3A_331] : memref<128x128xf32, #tpu.memory_space<vmem>>[vector<16xi32>, vector<16xi32>], vector<16xf32>,
        %mul3A_347 = arith.constant 8.000000e+00 : f32
        %mul3A_348 = vector.broadcast %mul3A_347 : f32 to vector<16xf32>
        %mul3A_349 = arith.mulf %gather3A_346, %mul3A_348 : vector<16xf32>
        tpu.vector_store_idx %arg10[%shift_right_logical3A_334, %and3A_337, %add3A_22], %mul3A_349 : memref<8x8x128xf32, #tpu.memory_space<vmem>>[vector<16xi32>, vector<16xi32>, vector<16xi32>], vector<16xf32>,
        %gather3A_350 = tpu.vector_load_idx %arg6[%add3A_25, %and3A_331] : memref<128x128xf32, #tpu.memory_space<vmem>>[vector<16xi32>, vector<16xi32>], vector<16xf32>,
        %mul3A_351 = arith.constant 8.000000e+00 : f32
        %mul3A_352 = vector.broadcast %mul3A_351 : f32 to vector<16xf32>
        %mul3A_353 = arith.mulf %gather3A_350, %mul3A_352 : vector<16xf32>
        tpu.vector_store_idx %arg10[%shift_right_logical3A_334, %and3A_337, %add3A_25], %mul3A_353 : memref<8x8x128xf32, #tpu.memory_space<vmem>>[vector<16xi32>, vector<16xi32>, vector<16xi32>], vector<16xf32>,
        %gather3A_354 = tpu.vector_load_idx %arg6[%add3A_28, %and3A_331] : memref<128x128xf32, #tpu.memory_space<vmem>>[vector<16xi32>, vector<16xi32>], vector<16xf32>,
        %mul3A_355 = arith.constant 8.000000e+00 : f32
        %mul3A_356 = vector.broadcast %mul3A_355 : f32 to vector<16xf32>
        %mul3A_357 = arith.mulf %gather3A_354, %mul3A_356 : vector<16xf32>
        tpu.vector_store_idx %arg10[%shift_right_logical3A_334, %and3A_337, %add3A_28], %mul3A_357 : memref<8x8x128xf32, #tpu.memory_space<vmem>>[vector<16xi32>, vector<16xi32>, vector<16xi32>], vector<16xf32>,
        %gather3A_358 = tpu.vector_load_idx %arg6[%add3A_31, %and3A_331] : memref<128x128xf32, #tpu.memory_space<vmem>>[vector<16xi32>, vector<16xi32>], vector<16xf32>,
        %mul3A_359 = arith.constant 8.000000e+00 : f32
        %mul3A_360 = vector.broadcast %mul3A_359 : f32 to vector<16xf32>
        %mul3A_361 = arith.mulf %gather3A_358, %mul3A_360 : vector<16xf32>
        tpu.vector_store_idx %arg10[%shift_right_logical3A_334, %and3A_337, %add3A_31], %mul3A_361 : memref<8x8x128xf32, #tpu.memory_space<vmem>>[vector<16xi32>, vector<16xi32>, vector<16xi32>], vector<16xf32>,
        %gather3A_362 = tpu.vector_load_idx %arg6[%add3A_34, %and3A_331] : memref<128x128xf32, #tpu.memory_space<vmem>>[vector<16xi32>, vector<16xi32>], vector<16xf32>,
        %mul3A_363 = arith.constant 8.000000e+00 : f32
        %mul3A_364 = vector.broadcast %mul3A_363 : f32 to vector<16xf32>
        %mul3A_365 = arith.mulf %gather3A_362, %mul3A_364 : vector<16xf32>
        tpu.vector_store_idx %arg10[%shift_right_logical3A_334, %and3A_337, %add3A_34], %mul3A_365 : memref<8x8x128xf32, #tpu.memory_space<vmem>>[vector<16xi32>, vector<16xi32>, vector<16xi32>], vector<16xf32>,
        %gather3A_366 = tpu.vector_load_idx %arg6[%add3A_37, %and3A_331] : memref<128x128xf32, #tpu.memory_space<vmem>>[vector<16xi32>, vector<16xi32>], vector<16xf32>,
        %mul3A_367 = arith.constant 8.000000e+00 : f32
        %mul3A_368 = vector.broadcast %mul3A_367 : f32 to vector<16xf32>
        %mul3A_369 = arith.mulf %gather3A_366, %mul3A_368 : vector<16xf32>
        tpu.vector_store_idx %arg10[%shift_right_logical3A_334, %and3A_337, %add3A_37], %mul3A_369 : memref<8x8x128xf32, #tpu.memory_space<vmem>>[vector<16xi32>, vector<16xi32>, vector<16xi32>], vector<16xf32>,
        %scan3A_370 = arith.constant 3 : i32
        %scan3A_371 = arith.addi %scan3A_239, %scan3A_370 : i32
        %add3A_372 = vector.broadcast %scan3A_371 : i32 to vector<16xi32>
        %add3A_373 = arith.addi %add3A_372, %iota3A : vector<16xi32>
        %and3A_374 = arith.constant 63 : i32
        %and3A_375 = vector.broadcast %and3A_374 : i32 to vector<16xi32>
        %and3A_376 = arith.andi %add3A_373, %and3A_375 : vector<16xi32>
        %shift_right_logical3A_377 = arith.constant 3 : i32
        %shift_right_logical3A_378 = vector.broadcast %shift_right_logical3A_377 : i32 to vector<16xi32>
        %shift_right_logical3A_379 = arith.shrui %and3A_376, %shift_right_logical3A_378 : vector<16xi32>
        %and3A_380 = arith.constant 7 : i32
        %and3A_381 = vector.broadcast %and3A_380 : i32 to vector<16xi32>
        %and3A_382 = arith.andi %and3A_376, %and3A_381 : vector<16xi32>
        %gather3A_383 = tpu.vector_load_idx %arg6[%add3A_16, %and3A_376] : memref<128x128xf32, #tpu.memory_space<vmem>>[vector<16xi32>, vector<16xi32>], vector<16xf32>,
        %mul3A_384 = arith.constant 8.000000e+00 : f32
        %mul3A_385 = vector.broadcast %mul3A_384 : f32 to vector<16xf32>
        %mul3A_386 = arith.mulf %gather3A_383, %mul3A_385 : vector<16xf32>
        tpu.vector_store_idx %arg10[%shift_right_logical3A_379, %and3A_382, %add3A_16], %mul3A_386 : memref<8x8x128xf32, #tpu.memory_space<vmem>>[vector<16xi32>, vector<16xi32>, vector<16xi32>], vector<16xf32>,
        %gather3A_387 = tpu.vector_load_idx %arg6[%add3A_19, %and3A_376] : memref<128x128xf32, #tpu.memory_space<vmem>>[vector<16xi32>, vector<16xi32>], vector<16xf32>,
        %mul3A_388 = arith.constant 8.000000e+00 : f32
        %mul3A_389 = vector.broadcast %mul3A_388 : f32 to vector<16xf32>
        %mul3A_390 = arith.mulf %gather3A_387, %mul3A_389 : vector<16xf32>
        tpu.vector_store_idx %arg10[%shift_right_logical3A_379, %and3A_382, %add3A_19], %mul3A_390 : memref<8x8x128xf32, #tpu.memory_space<vmem>>[vector<16xi32>, vector<16xi32>, vector<16xi32>], vector<16xf32>,
        %gather3A_391 = tpu.vector_load_idx %arg6[%add3A_22, %and3A_376] : memref<128x128xf32, #tpu.memory_space<vmem>>[vector<16xi32>, vector<16xi32>], vector<16xf32>,
        %mul3A_392 = arith.constant 8.000000e+00 : f32
        %mul3A_393 = vector.broadcast %mul3A_392 : f32 to vector<16xf32>
        %mul3A_394 = arith.mulf %gather3A_391, %mul3A_393 : vector<16xf32>
        tpu.vector_store_idx %arg10[%shift_right_logical3A_379, %and3A_382, %add3A_22], %mul3A_394 : memref<8x8x128xf32, #tpu.memory_space<vmem>>[vector<16xi32>, vector<16xi32>, vector<16xi32>], vector<16xf32>,
        %gather3A_395 = tpu.vector_load_idx %arg6[%add3A_25, %and3A_376] : memref<128x128xf32, #tpu.memory_space<vmem>>[vector<16xi32>, vector<16xi32>], vector<16xf32>,
        %mul3A_396 = arith.constant 8.000000e+00 : f32
        %mul3A_397 = vector.broadcast %mul3A_396 : f32 to vector<16xf32>
        %mul3A_398 = arith.mulf %gather3A_395, %mul3A_397 : vector<16xf32>
        tpu.vector_store_idx %arg10[%shift_right_logical3A_379, %and3A_382, %add3A_25], %mul3A_398 : memref<8x8x128xf32, #tpu.memory_space<vmem>>[vector<16xi32>, vector<16xi32>, vector<16xi32>], vector<16xf32>,
        %gather3A_399 = tpu.vector_load_idx %arg6[%add3A_28, %and3A_376] : memref<128x128xf32, #tpu.memory_space<vmem>>[vector<16xi32>, vector<16xi32>], vector<16xf32>,
        %mul3A_400 = arith.constant 8.000000e+00 : f32
        %mul3A_401 = vector.broadcast %mul3A_400 : f32 to vector<16xf32>
        %mul3A_402 = arith.mulf %gather3A_399, %mul3A_401 : vector<16xf32>
        tpu.vector_store_idx %arg10[%shift_right_logical3A_379, %and3A_382, %add3A_28], %mul3A_402 : memref<8x8x128xf32, #tpu.memory_space<vmem>>[vector<16xi32>, vector<16xi32>, vector<16xi32>], vector<16xf32>,
        %gather3A_403 = tpu.vector_load_idx %arg6[%add3A_31, %and3A_376] : memref<128x128xf32, #tpu.memory_space<vmem>>[vector<16xi32>, vector<16xi32>], vector<16xf32>,
        %mul3A_404 = arith.constant 8.000000e+00 : f32
        %mul3A_405 = vector.broadcast %mul3A_404 : f32 to vector<16xf32>
        %mul3A_406 = arith.mulf %gather3A_403, %mul3A_405 : vector<16xf32>
        tpu.vector_store_idx %arg10[%shift_right_logical3A_379, %and3A_382, %add3A_31], %mul3A_406 : memref<8x8x128xf32, #tpu.memory_space<vmem>>[vector<16xi32>, vector<16xi32>, vector<16xi32>], vector<16xf32>,
        %gather3A_407 = tpu.vector_load_idx %arg6[%add3A_34, %and3A_376] : memref<128x128xf32, #tpu.memory_space<vmem>>[vector<16xi32>, vector<16xi32>], vector<16xf32>,
        %mul3A_408 = arith.constant 8.000000e+00 : f32
        %mul3A_409 = vector.broadcast %mul3A_408 : f32 to vector<16xf32>
        %mul3A_410 = arith.mulf %gather3A_407, %mul3A_409 : vector<16xf32>
        tpu.vector_store_idx %arg10[%shift_right_logical3A_379, %and3A_382, %add3A_34], %mul3A_410 : memref<8x8x128xf32, #tpu.memory_space<vmem>>[vector<16xi32>, vector<16xi32>, vector<16xi32>], vector<16xf32>,
        %gather3A_411 = tpu.vector_load_idx %arg6[%add3A_37, %and3A_376] : memref<128x128xf32, #tpu.memory_space<vmem>>[vector<16xi32>, vector<16xi32>], vector<16xf32>,
        %mul3A_412 = arith.constant 8.000000e+00 : f32
        %mul3A_413 = vector.broadcast %mul3A_412 : f32 to vector<16xf32>
        %mul3A_414 = arith.mulf %gather3A_411, %mul3A_413 : vector<16xf32>
        tpu.vector_store_idx %arg10[%shift_right_logical3A_379, %and3A_382, %add3A_37], %mul3A_414 : memref<8x8x128xf32, #tpu.memory_space<vmem>>[vector<16xi32>, vector<16xi32>, vector<16xi32>], vector<16xf32>,
      }
      %scan3A_108 = arith.constant 64 : i32
      %dma_start3A_109 = arith.constant 0 : i32
      %dma_start3A_110 = arith.constant 0 : i32
      %dma_start3A_111 = arith.constant 0 : i32
      %dma_start3A_112 = tpu.memref_slice %arg4[%add3A_94, %dma_start3A_109, %add3A, %dma_start3A_110, %dma_start3A_111] : memref<200x8x32x8x128xf32, #tpu.memory_space<hbm>> -> memref<1x8x1x8x128xf32, #tpu.memory_space<hbm>>
      %dma_start3A_113 = tpu.memref_squeeze %dma_start3A_112 : memref<1x8x1x8x128xf32, #tpu.memory_space<hbm>> -> memref<8x8x128xf32, #tpu.memory_space<hbm>>
      %dma_start3A_114 = arith.constant 0 : i32
      %dma_start3A_115 = arith.constant 0 : i32
      %dma_start3A_116 = arith.constant 0 : i32
      %dma_start3A_117 = tpu.memref_slice %arg4[%add3A_94, %dma_start3A_114, %add3A, %dma_start3A_115, %dma_start3A_116] : memref<200x8x32x8x128xf32, #tpu.memory_space<hbm>> -> memref<1x8x1x8x128xf32, #tpu.memory_space<hbm>>
      %dma_start3A_118 = tpu.memref_squeeze %dma_start3A_117 : memref<1x8x1x8x128xf32, #tpu.memory_space<hbm>> -> memref<8x8x128xf32, #tpu.memory_space<hbm>>
      tpu.enqueue_dma source(%arg10 : memref<8x8x128xf32, #tpu.memory_space<vmem>>) target(%dma_start3A_118 : memref<8x8x128xf32, #tpu.memory_space<hbm>>) target_semaphore(%arg18 : memref<!tpu.dma_semaphore, #tpu.memory_space<semaphore_mem>>)
      %add3A_119 = arith.constant 2 : i32
      %add3A_120 = arith.addi %add3A_94, %add3A_119 : i32
      %lt3A = arith.constant 200 : i32
      %lt3A_121 = arith.cmpi slt, %add3A_120, %lt3A : i32
      %convert_element_type3A_122 = arith.extui %lt3A_121 : i1 to i32
      %cond3A_123 = arith.constant 0 : i32
      %cond3A_124 = arith.cmpi ne, %convert_element_type3A_122, %cond3A_123 : i32
      scf.if %cond3A_124 {
        %add3A_239 = arith.constant 2 : i32
        %add3A_240 = arith.addi %add3A_94, %add3A_239 : i32
        %dma_start3A_241 = arith.constant 0 : i32
        %dma_start3A_242 = tpu.memref_slice %arg5[%add3A_240, %dma_start3A_241] : memref<200x128xi32, #tpu.memory_space<vmem>> -> memref<1x128xi32, #tpu.memory_space<vmem>>
        %dma_start3A_243 = tpu.memref_squeeze %dma_start3A_242 : memref<1x128xi32, #tpu.memory_space<vmem>> -> memref<128xi32, #tpu.memory_space<vmem>>
        %dma_start3A_244 = arith.constant 0 : i32
        %dma_start3A_245 = arith.constant 0 : i32
        %dma_start3A_246 = tpu.memref_slice %arg3[%dma_start3A_244, %dma_start3A_245] : memref<1000000x128xf32, #tpu.memory_space<hbm>> -> memref<1000000x128xf32, #tpu.memory_space<hbm>>
        tpu.enqueue_indirect_dma source(%dma_start3A_246 : memref<1000000x128xf32, #tpu.memory_space<hbm>>) target(%arg8 : memref<128x128xf32, #tpu.memory_space<vmem>>) offsets(%dma_start3A_243 : memref<128xi32, #tpu.memory_space<vmem>>) semaphore(%arg16 : memref<!tpu.dma_semaphore, #tpu.memory_space<semaphore_mem>>)
      } else {
      }
      %mul3A_125 = arith.constant 4 : i32
      %mul3A_126 = arith.muli %scan3A_90, %mul3A_125 : i32
      %add3A_127 = arith.constant 1 : i32
      %add3A_128 = arith.addi %mul3A_126, %add3A_127 : i32
      %ge3A_129 = arith.constant 4 : i32
      %ge3A_130 = arith.cmpi sge, %add3A_128, %ge3A_129 : i32
      %convert_element_type3A_131 = arith.extui %ge3A_130 : i1 to i32
      %cond3A_132 = arith.constant 0 : i32
      %cond3A_133 = arith.cmpi ne, %convert_element_type3A_131, %cond3A_132 : i32
      scf.if %cond3A_133 {
        %dma_wait3A_239 = arith.constant 0 : i32
        %dma_wait3A_240 = arith.constant 0 : i32
        %dma_wait3A_241 = arith.constant 0 : i32
        %dma_wait3A_242 = arith.constant 0 : i32
        %dma_wait3A_243 = arith.constant 0 : i32
        %dma_wait3A_244 = tpu.memref_slice %arg4[%dma_wait3A_239, %dma_wait3A_241, %dma_wait3A_240, %dma_wait3A_242, %dma_wait3A_243] : memref<200x8x32x8x128xf32, #tpu.memory_space<hbm>> -> memref<1x8x1x8x128xf32, #tpu.memory_space<hbm>>
        %dma_wait3A_245 = tpu.memref_squeeze %dma_wait3A_244 : memref<1x8x1x8x128xf32, #tpu.memory_space<hbm>> -> memref<8x8x128xf32, #tpu.memory_space<hbm>>
        %dma_wait3A_246 = arith.constant 0 : i32
        %dma_wait3A_247 = arith.constant 0 : i32
        %dma_wait3A_248 = arith.constant 0 : i32
        %dma_wait3A_249 = tpu.memref_slice %arg4[%dma_wait3A_239, %dma_wait3A_246, %dma_wait3A_240, %dma_wait3A_247, %dma_wait3A_248] : memref<200x8x32x8x128xf32, #tpu.memory_space<hbm>> -> memref<1x8x1x8x128xf32, #tpu.memory_space<hbm>>
        %dma_wait3A_250 = tpu.memref_squeeze %dma_wait3A_249 : memref<1x8x1x8x128xf32, #tpu.memory_space<hbm>> -> memref<8x8x128xf32, #tpu.memory_space<hbm>>
        tpu.wait_dma2 semaphore(%arg19 : memref<!tpu.dma_semaphore, #tpu.memory_space<semaphore_mem>>) src(%arg11 : memref<8x8x128xf32, #tpu.memory_space<vmem>>) dst(%dma_wait3A_250 : memref<8x8x128xf32, #tpu.memory_space<hbm>>)
      } else {
      }
      %dma_wait3A_134 = arith.constant 0 : i32
      %dma_wait3A_135 = tpu.memref_slice %arg5[%add3A_128, %dma_wait3A_134] : memref<200x128xi32, #tpu.memory_space<vmem>> -> memref<1x128xi32, #tpu.memory_space<vmem>>
      %dma_wait3A_136 = tpu.memref_squeeze %dma_wait3A_135 : memref<1x128xi32, #tpu.memory_space<vmem>> -> memref<128xi32, #tpu.memory_space<vmem>>
      %dma_wait3A_137 = arith.constant 0 : i32
      %dma_wait3A_138 = arith.constant 0 : i32
      %dma_wait3A_139 = tpu.memref_slice %arg3[%dma_wait3A_137, %dma_wait3A_138] : memref<1000000x128xf32, #tpu.memory_space<hbm>> -> memref<1000000x128xf32, #tpu.memory_space<hbm>>
      tpu.wait_indirect_dma semaphore(%arg15 : memref<!tpu.dma_semaphore, #tpu.memory_space<semaphore_mem>>) src(%dma_wait3A_139 : memref<1000000x128xf32, #tpu.memory_space<hbm>>) dst(%arg7 : memref<128x128xf32, #tpu.memory_space<vmem>>)
      %scan3A_140 = arith.constant 0 : i32
      %scan3A_141 = arith.constant 0 : i32
      %scan3A_142 = arith.constant 64 : i32
      %scan3A_143 = arith.addi %scan3A_141, %scan3A_142 : i32
      %scan3A_144 = arith.constant 4 : i32
      scf.for %scan3A_239 = %scan3A_141 to %scan3A_143 step %scan3A_144  : i32 {
        %add3A_240 = vector.broadcast %scan3A_239 : i32 to vector<16xi32>
        %add3A_241 = arith.addi %add3A_240, %iota3A : vector<16xi32>
        %and3A = arith.constant 63 : i32
        %and3A_242 = vector.broadcast %and3A : i32 to vector<16xi32>
        %and3A_243 = arith.andi %add3A_241, %and3A_242 : vector<16xi32>
        %shift_right_logical3A = arith.constant 3 : i32
        %shift_right_logical3A_244 = vector.broadcast %shift_right_logical3A : i32 to vector<16xi32>
        %shift_right_logical3A_245 = arith.shrui %and3A_243, %shift_right_logical3A_244 : vector<16xi32>
        %and3A_246 = arith.constant 7 : i32
        %and3A_247 = vector.broadcast %and3A_246 : i32 to vector<16xi32>
        %and3A_248 = arith.andi %and3A_243, %and3A_247 : vector<16xi32>
        %gather3A = tpu.vector_load_idx %arg7[%add3A_16, %and3A_243] : memref<128x128xf32, #tpu.memory_space<vmem>>[vector<16xi32>, vector<16xi32>], vector<16xf32>,
        %mul3A_249 = arith.constant 8.000000e+00 : f32
        %mul3A_250 = vector.broadcast %mul3A_249 : f32 to vector<16xf32>
        %mul3A_251 = arith.mulf %gather3A, %mul3A_250 : vector<16xf32>
        tpu.vector_store_idx %arg11[%shift_right_logical3A_245, %and3A_248, %add3A_16], %mul3A_251 : memref<8x8x128xf32, #tpu.memory_space<vmem>>[vector<16xi32>, vector<16xi32>, vector<16xi32>], vector<16xf32>,
        %gather3A_252 = tpu.vector_load_idx %arg7[%add3A_19, %and3A_243] : memref<128x128xf32, #tpu.memory_space<vmem>>[vector<16xi32>, vector<16xi32>], vector<16xf32>,
        %mul3A_253 = arith.constant 8.000000e+00 : f32
        %mul3A_254 = vector.broadcast %mul3A_253 : f32 to vector<16xf32>
        %mul3A_255 = arith.mulf %gather3A_252, %mul3A_254 : vector<16xf32>
        tpu.vector_store_idx %arg11[%shift_right_logical3A_245, %and3A_248, %add3A_19], %mul3A_255 : memref<8x8x128xf32, #tpu.memory_space<vmem>>[vector<16xi32>, vector<16xi32>, vector<16xi32>], vector<16xf32>,
        %gather3A_256 = tpu.vector_load_idx %arg7[%add3A_22, %and3A_243] : memref<128x128xf32, #tpu.memory_space<vmem>>[vector<16xi32>, vector<16xi32>], vector<16xf32>,
        %mul3A_257 = arith.constant 8.000000e+00 : f32
        %mul3A_258 = vector.broadcast %mul3A_257 : f32 to vector<16xf32>
        %mul3A_259 = arith.mulf %gather3A_256, %mul3A_258 : vector<16xf32>
        tpu.vector_store_idx %arg11[%shift_right_logical3A_245, %and3A_248, %add3A_22], %mul3A_259 : memref<8x8x128xf32, #tpu.memory_space<vmem>>[vector<16xi32>, vector<16xi32>, vector<16xi32>], vector<16xf32>,
        %gather3A_260 = tpu.vector_load_idx %arg7[%add3A_25, %and3A_243] : memref<128x128xf32, #tpu.memory_space<vmem>>[vector<16xi32>, vector<16xi32>], vector<16xf32>,
        %mul3A_261 = arith.constant 8.000000e+00 : f32
        %mul3A_262 = vector.broadcast %mul3A_261 : f32 to vector<16xf32>
        %mul3A_263 = arith.mulf %gather3A_260, %mul3A_262 : vector<16xf32>
        tpu.vector_store_idx %arg11[%shift_right_logical3A_245, %and3A_248, %add3A_25], %mul3A_263 : memref<8x8x128xf32, #tpu.memory_space<vmem>>[vector<16xi32>, vector<16xi32>, vector<16xi32>], vector<16xf32>,
        %gather3A_264 = tpu.vector_load_idx %arg7[%add3A_28, %and3A_243] : memref<128x128xf32, #tpu.memory_space<vmem>>[vector<16xi32>, vector<16xi32>], vector<16xf32>,
        %mul3A_265 = arith.constant 8.000000e+00 : f32
        %mul3A_266 = vector.broadcast %mul3A_265 : f32 to vector<16xf32>
        %mul3A_267 = arith.mulf %gather3A_264, %mul3A_266 : vector<16xf32>
        tpu.vector_store_idx %arg11[%shift_right_logical3A_245, %and3A_248, %add3A_28], %mul3A_267 : memref<8x8x128xf32, #tpu.memory_space<vmem>>[vector<16xi32>, vector<16xi32>, vector<16xi32>], vector<16xf32>,
        %gather3A_268 = tpu.vector_load_idx %arg7[%add3A_31, %and3A_243] : memref<128x128xf32, #tpu.memory_space<vmem>>[vector<16xi32>, vector<16xi32>], vector<16xf32>,
        %mul3A_269 = arith.constant 8.000000e+00 : f32
        %mul3A_270 = vector.broadcast %mul3A_269 : f32 to vector<16xf32>
        %mul3A_271 = arith.mulf %gather3A_268, %mul3A_270 : vector<16xf32>
        tpu.vector_store_idx %arg11[%shift_right_logical3A_245, %and3A_248, %add3A_31], %mul3A_271 : memref<8x8x128xf32, #tpu.memory_space<vmem>>[vector<16xi32>, vector<16xi32>, vector<16xi32>], vector<16xf32>,
        %gather3A_272 = tpu.vector_load_idx %arg7[%add3A_34, %and3A_243] : memref<128x128xf32, #tpu.memory_space<vmem>>[vector<16xi32>, vector<16xi32>], vector<16xf32>,
        %mul3A_273 = arith.constant 8.000000e+00 : f32
        %mul3A_274 = vector.broadcast %mul3A_273 : f32 to vector<16xf32>
        %mul3A_275 = arith.mulf %gather3A_272, %mul3A_274 : vector<16xf32>
        tpu.vector_store_idx %arg11[%shift_right_logical3A_245, %and3A_248, %add3A_34], %mul3A_275 : memref<8x8x128xf32, #tpu.memory_space<vmem>>[vector<16xi32>, vector<16xi32>, vector<16xi32>], vector<16xf32>,
        %gather3A_276 = tpu.vector_load_idx %arg7[%add3A_37, %and3A_243] : memref<128x128xf32, #tpu.memory_space<vmem>>[vector<16xi32>, vector<16xi32>], vector<16xf32>,
        %mul3A_277 = arith.constant 8.000000e+00 : f32
        %mul3A_278 = vector.broadcast %mul3A_277 : f32 to vector<16xf32>
        %mul3A_279 = arith.mulf %gather3A_276, %mul3A_278 : vector<16xf32>
        tpu.vector_store_idx %arg11[%shift_right_logical3A_245, %and3A_248, %add3A_37], %mul3A_279 : memref<8x8x128xf32, #tpu.memory_space<vmem>>[vector<16xi32>, vector<16xi32>, vector<16xi32>], vector<16xf32>,
        %scan3A_280 = arith.constant 1 : i32
        %scan3A_281 = arith.addi %scan3A_239, %scan3A_280 : i32
        %add3A_282 = vector.broadcast %scan3A_281 : i32 to vector<16xi32>
        %add3A_283 = arith.addi %add3A_282, %iota3A : vector<16xi32>
        %and3A_284 = arith.constant 63 : i32
        %and3A_285 = vector.broadcast %and3A_284 : i32 to vector<16xi32>
        %and3A_286 = arith.andi %add3A_283, %and3A_285 : vector<16xi32>
        %shift_right_logical3A_287 = arith.constant 3 : i32
        %shift_right_logical3A_288 = vector.broadcast %shift_right_logical3A_287 : i32 to vector<16xi32>
        %shift_right_logical3A_289 = arith.shrui %and3A_286, %shift_right_logical3A_288 : vector<16xi32>
        %and3A_290 = arith.constant 7 : i32
        %and3A_291 = vector.broadcast %and3A_290 : i32 to vector<16xi32>
        %and3A_292 = arith.andi %and3A_286, %and3A_291 : vector<16xi32>
        %gather3A_293 = tpu.vector_load_idx %arg7[%add3A_16, %and3A_286] : memref<128x128xf32, #tpu.memory_space<vmem>>[vector<16xi32>, vector<16xi32>], vector<16xf32>,
        %mul3A_294 = arith.constant 8.000000e+00 : f32
        %mul3A_295 = vector.broadcast %mul3A_294 : f32 to vector<16xf32>
        %mul3A_296 = arith.mulf %gather3A_293, %mul3A_295 : vector<16xf32>
        tpu.vector_store_idx %arg11[%shift_right_logical3A_289, %and3A_292, %add3A_16], %mul3A_296 : memref<8x8x128xf32, #tpu.memory_space<vmem>>[vector<16xi32>, vector<16xi32>, vector<16xi32>], vector<16xf32>,
        %gather3A_297 = tpu.vector_load_idx %arg7[%add3A_19, %and3A_286] : memref<128x128xf32, #tpu.memory_space<vmem>>[vector<16xi32>, vector<16xi32>], vector<16xf32>,
        %mul3A_298 = arith.constant 8.000000e+00 : f32
        %mul3A_299 = vector.broadcast %mul3A_298 : f32 to vector<16xf32>
        %mul3A_300 = arith.mulf %gather3A_297, %mul3A_299 : vector<16xf32>
        tpu.vector_store_idx %arg11[%shift_right_logical3A_289, %and3A_292, %add3A_19], %mul3A_300 : memref<8x8x128xf32, #tpu.memory_space<vmem>>[vector<16xi32>, vector<16xi32>, vector<16xi32>], vector<16xf32>,
        %gather3A_301 = tpu.vector_load_idx %arg7[%add3A_22, %and3A_286] : memref<128x128xf32, #tpu.memory_space<vmem>>[vector<16xi32>, vector<16xi32>], vector<16xf32>,
        %mul3A_302 = arith.constant 8.000000e+00 : f32
        %mul3A_303 = vector.broadcast %mul3A_302 : f32 to vector<16xf32>
        %mul3A_304 = arith.mulf %gather3A_301, %mul3A_303 : vector<16xf32>
        tpu.vector_store_idx %arg11[%shift_right_logical3A_289, %and3A_292, %add3A_22], %mul3A_304 : memref<8x8x128xf32, #tpu.memory_space<vmem>>[vector<16xi32>, vector<16xi32>, vector<16xi32>], vector<16xf32>,
        %gather3A_305 = tpu.vector_load_idx %arg7[%add3A_25, %and3A_286] : memref<128x128xf32, #tpu.memory_space<vmem>>[vector<16xi32>, vector<16xi32>], vector<16xf32>,
        %mul3A_306 = arith.constant 8.000000e+00 : f32
        %mul3A_307 = vector.broadcast %mul3A_306 : f32 to vector<16xf32>
        %mul3A_308 = arith.mulf %gather3A_305, %mul3A_307 : vector<16xf32>
        tpu.vector_store_idx %arg11[%shift_right_logical3A_289, %and3A_292, %add3A_25], %mul3A_308 : memref<8x8x128xf32, #tpu.memory_space<vmem>>[vector<16xi32>, vector<16xi32>, vector<16xi32>], vector<16xf32>,
        %gather3A_309 = tpu.vector_load_idx %arg7[%add3A_28, %and3A_286] : memref<128x128xf32, #tpu.memory_space<vmem>>[vector<16xi32>, vector<16xi32>], vector<16xf32>,
        %mul3A_310 = arith.constant 8.000000e+00 : f32
        %mul3A_311 = vector.broadcast %mul3A_310 : f32 to vector<16xf32>
        %mul3A_312 = arith.mulf %gather3A_309, %mul3A_311 : vector<16xf32>
        tpu.vector_store_idx %arg11[%shift_right_logical3A_289, %and3A_292, %add3A_28], %mul3A_312 : memref<8x8x128xf32, #tpu.memory_space<vmem>>[vector<16xi32>, vector<16xi32>, vector<16xi32>], vector<16xf32>,
        %gather3A_313 = tpu.vector_load_idx %arg7[%add3A_31, %and3A_286] : memref<128x128xf32, #tpu.memory_space<vmem>>[vector<16xi32>, vector<16xi32>], vector<16xf32>,
        %mul3A_314 = arith.constant 8.000000e+00 : f32
        %mul3A_315 = vector.broadcast %mul3A_314 : f32 to vector<16xf32>
        %mul3A_316 = arith.mulf %gather3A_313, %mul3A_315 : vector<16xf32>
        tpu.vector_store_idx %arg11[%shift_right_logical3A_289, %and3A_292, %add3A_31], %mul3A_316 : memref<8x8x128xf32, #tpu.memory_space<vmem>>[vector<16xi32>, vector<16xi32>, vector<16xi32>], vector<16xf32>,
        %gather3A_317 = tpu.vector_load_idx %arg7[%add3A_34, %and3A_286] : memref<128x128xf32, #tpu.memory_space<vmem>>[vector<16xi32>, vector<16xi32>], vector<16xf32>,
        %mul3A_318 = arith.constant 8.000000e+00 : f32
        %mul3A_319 = vector.broadcast %mul3A_318 : f32 to vector<16xf32>
        %mul3A_320 = arith.mulf %gather3A_317, %mul3A_319 : vector<16xf32>
        tpu.vector_store_idx %arg11[%shift_right_logical3A_289, %and3A_292, %add3A_34], %mul3A_320 : memref<8x8x128xf32, #tpu.memory_space<vmem>>[vector<16xi32>, vector<16xi32>, vector<16xi32>], vector<16xf32>,
        %gather3A_321 = tpu.vector_load_idx %arg7[%add3A_37, %and3A_286] : memref<128x128xf32, #tpu.memory_space<vmem>>[vector<16xi32>, vector<16xi32>], vector<16xf32>,
        %mul3A_322 = arith.constant 8.000000e+00 : f32
        %mul3A_323 = vector.broadcast %mul3A_322 : f32 to vector<16xf32>
        %mul3A_324 = arith.mulf %gather3A_321, %mul3A_323 : vector<16xf32>
        tpu.vector_store_idx %arg11[%shift_right_logical3A_289, %and3A_292, %add3A_37], %mul3A_324 : memref<8x8x128xf32, #tpu.memory_space<vmem>>[vector<16xi32>, vector<16xi32>, vector<16xi32>], vector<16xf32>,
        %scan3A_325 = arith.constant 2 : i32
        %scan3A_326 = arith.addi %scan3A_239, %scan3A_325 : i32
        %add3A_327 = vector.broadcast %scan3A_326 : i32 to vector<16xi32>
        %add3A_328 = arith.addi %add3A_327, %iota3A : vector<16xi32>
        %and3A_329 = arith.constant 63 : i32
        %and3A_330 = vector.broadcast %and3A_329 : i32 to vector<16xi32>
        %and3A_331 = arith.andi %add3A_328, %and3A_330 : vector<16xi32>
        %shift_right_logical3A_332 = arith.constant 3 : i32
        %shift_right_logical3A_333 = vector.broadcast %shift_right_logical3A_332 : i32 to vector<16xi32>
        %shift_right_logical3A_334 = arith.shrui %and3A_331, %shift_right_logical3A_333 : vector<16xi32>
        %and3A_335 = arith.constant 7 : i32
        %and3A_336 = vector.broadcast %and3A_335 : i32 to vector<16xi32>
        %and3A_337 = arith.andi %and3A_331, %and3A_336 : vector<16xi32>
        %gather3A_338 = tpu.vector_load_idx %arg7[%add3A_16, %and3A_331] : memref<128x128xf32, #tpu.memory_space<vmem>>[vector<16xi32>, vector<16xi32>], vector<16xf32>,
        %mul3A_339 = arith.constant 8.000000e+00 : f32
        %mul3A_340 = vector.broadcast %mul3A_339 : f32 to vector<16xf32>
        %mul3A_341 = arith.mulf %gather3A_338, %mul3A_340 : vector<16xf32>
        tpu.vector_store_idx %arg11[%shift_right_logical3A_334, %and3A_337, %add3A_16], %mul3A_341 : memref<8x8x128xf32, #tpu.memory_space<vmem>>[vector<16xi32>, vector<16xi32>, vector<16xi32>], vector<16xf32>,
        %gather3A_342 = tpu.vector_load_idx %arg7[%add3A_19, %and3A_331] : memref<128x128xf32, #tpu.memory_space<vmem>>[vector<16xi32>, vector<16xi32>], vector<16xf32>,
        %mul3A_343 = arith.constant 8.000000e+00 : f32
        %mul3A_344 = vector.broadcast %mul3A_343 : f32 to vector<16xf32>
        %mul3A_345 = arith.mulf %gather3A_342, %mul3A_344 : vector<16xf32>
        tpu.vector_store_idx %arg11[%shift_right_logical3A_334, %and3A_337, %add3A_19], %mul3A_345 : memref<8x8x128xf32, #tpu.memory_space<vmem>>[vector<16xi32>, vector<16xi32>, vector<16xi32>], vector<16xf32>,
        %gather3A_346 = tpu.vector_load_idx %arg7[%add3A_22, %and3A_331] : memref<128x128xf32, #tpu.memory_space<vmem>>[vector<16xi32>, vector<16xi32>], vector<16xf32>,
        %mul3A_347 = arith.constant 8.000000e+00 : f32
        %mul3A_348 = vector.broadcast %mul3A_347 : f32 to vector<16xf32>
        %mul3A_349 = arith.mulf %gather3A_346, %mul3A_348 : vector<16xf32>
        tpu.vector_store_idx %arg11[%shift_right_logical3A_334, %and3A_337, %add3A_22], %mul3A_349 : memref<8x8x128xf32, #tpu.memory_space<vmem>>[vector<16xi32>, vector<16xi32>, vector<16xi32>], vector<16xf32>,
        %gather3A_350 = tpu.vector_load_idx %arg7[%add3A_25, %and3A_331] : memref<128x128xf32, #tpu.memory_space<vmem>>[vector<16xi32>, vector<16xi32>], vector<16xf32>,
        %mul3A_351 = arith.constant 8.000000e+00 : f32
        %mul3A_352 = vector.broadcast %mul3A_351 : f32 to vector<16xf32>
        %mul3A_353 = arith.mulf %gather3A_350, %mul3A_352 : vector<16xf32>
        tpu.vector_store_idx %arg11[%shift_right_logical3A_334, %and3A_337, %add3A_25], %mul3A_353 : memref<8x8x128xf32, #tpu.memory_space<vmem>>[vector<16xi32>, vector<16xi32>, vector<16xi32>], vector<16xf32>,
        %gather3A_354 = tpu.vector_load_idx %arg7[%add3A_28, %and3A_331] : memref<128x128xf32, #tpu.memory_space<vmem>>[vector<16xi32>, vector<16xi32>], vector<16xf32>,
        %mul3A_355 = arith.constant 8.000000e+00 : f32
        %mul3A_356 = vector.broadcast %mul3A_355 : f32 to vector<16xf32>
        %mul3A_357 = arith.mulf %gather3A_354, %mul3A_356 : vector<16xf32>
        tpu.vector_store_idx %arg11[%shift_right_logical3A_334, %and3A_337, %add3A_28], %mul3A_357 : memref<8x8x128xf32, #tpu.memory_space<vmem>>[vector<16xi32>, vector<16xi32>, vector<16xi32>], vector<16xf32>,
        %gather3A_358 = tpu.vector_load_idx %arg7[%add3A_31, %and3A_331] : memref<128x128xf32, #tpu.memory_space<vmem>>[vector<16xi32>, vector<16xi32>], vector<16xf32>,
        %mul3A_359 = arith.constant 8.000000e+00 : f32
        %mul3A_360 = vector.broadcast %mul3A_359 : f32 to vector<16xf32>
        %mul3A_361 = arith.mulf %gather3A_358, %mul3A_360 : vector<16xf32>
        tpu.vector_store_idx %arg11[%shift_right_logical3A_334, %and3A_337, %add3A_31], %mul3A_361 : memref<8x8x128xf32, #tpu.memory_space<vmem>>[vector<16xi32>, vector<16xi32>, vector<16xi32>], vector<16xf32>,
        %gather3A_362 = tpu.vector_load_idx %arg7[%add3A_34, %and3A_331] : memref<128x128xf32, #tpu.memory_space<vmem>>[vector<16xi32>, vector<16xi32>], vector<16xf32>,
        %mul3A_363 = arith.constant 8.000000e+00 : f32
        %mul3A_364 = vector.broadcast %mul3A_363 : f32 to vector<16xf32>
        %mul3A_365 = arith.mulf %gather3A_362, %mul3A_364 : vector<16xf32>
        tpu.vector_store_idx %arg11[%shift_right_logical3A_334, %and3A_337, %add3A_34], %mul3A_365 : memref<8x8x128xf32, #tpu.memory_space<vmem>>[vector<16xi32>, vector<16xi32>, vector<16xi32>], vector<16xf32>,
        %gather3A_366 = tpu.vector_load_idx %arg7[%add3A_37, %and3A_331] : memref<128x128xf32, #tpu.memory_space<vmem>>[vector<16xi32>, vector<16xi32>], vector<16xf32>,
        %mul3A_367 = arith.constant 8.000000e+00 : f32
        %mul3A_368 = vector.broadcast %mul3A_367 : f32 to vector<16xf32>
        %mul3A_369 = arith.mulf %gather3A_366, %mul3A_368 : vector<16xf32>
        tpu.vector_store_idx %arg11[%shift_right_logical3A_334, %and3A_337, %add3A_37], %mul3A_369 : memref<8x8x128xf32, #tpu.memory_space<vmem>>[vector<16xi32>, vector<16xi32>, vector<16xi32>], vector<16xf32>,
        %scan3A_370 = arith.constant 3 : i32
        %scan3A_371 = arith.addi %scan3A_239, %scan3A_370 : i32
        %add3A_372 = vector.broadcast %scan3A_371 : i32 to vector<16xi32>
        %add3A_373 = arith.addi %add3A_372, %iota3A : vector<16xi32>
        %and3A_374 = arith.constant 63 : i32
        %and3A_375 = vector.broadcast %and3A_374 : i32 to vector<16xi32>
        %and3A_376 = arith.andi %add3A_373, %and3A_375 : vector<16xi32>
        %shift_right_logical3A_377 = arith.constant 3 : i32
        %shift_right_logical3A_378 = vector.broadcast %shift_right_logical3A_377 : i32 to vector<16xi32>
        %shift_right_logical3A_379 = arith.shrui %and3A_376, %shift_right_logical3A_378 : vector<16xi32>
        %and3A_380 = arith.constant 7 : i32
        %and3A_381 = vector.broadcast %and3A_380 : i32 to vector<16xi32>
        %and3A_382 = arith.andi %and3A_376, %and3A_381 : vector<16xi32>
        %gather3A_383 = tpu.vector_load_idx %arg7[%add3A_16, %and3A_376] : memref<128x128xf32, #tpu.memory_space<vmem>>[vector<16xi32>, vector<16xi32>], vector<16xf32>,
        %mul3A_384 = arith.constant 8.000000e+00 : f32
        %mul3A_385 = vector.broadcast %mul3A_384 : f32 to vector<16xf32>
        %mul3A_386 = arith.mulf %gather3A_383, %mul3A_385 : vector<16xf32>
        tpu.vector_store_idx %arg11[%shift_right_logical3A_379, %and3A_382, %add3A_16], %mul3A_386 : memref<8x8x128xf32, #tpu.memory_space<vmem>>[vector<16xi32>, vector<16xi32>, vector<16xi32>], vector<16xf32>,
        %gather3A_387 = tpu.vector_load_idx %arg7[%add3A_19, %and3A_376] : memref<128x128xf32, #tpu.memory_space<vmem>>[vector<16xi32>, vector<16xi32>], vector<16xf32>,
        %mul3A_388 = arith.constant 8.000000e+00 : f32
        %mul3A_389 = vector.broadcast %mul3A_388 : f32 to vector<16xf32>
        %mul3A_390 = arith.mulf %gather3A_387, %mul3A_389 : vector<16xf32>
        tpu.vector_store_idx %arg11[%shift_right_logical3A_379, %and3A_382, %add3A_19], %mul3A_390 : memref<8x8x128xf32, #tpu.memory_space<vmem>>[vector<16xi32>, vector<16xi32>, vector<16xi32>], vector<16xf32>,
        %gather3A_391 = tpu.vector_load_idx %arg7[%add3A_22, %and3A_376] : memref<128x128xf32, #tpu.memory_space<vmem>>[vector<16xi32>, vector<16xi32>], vector<16xf32>,
        %mul3A_392 = arith.constant 8.000000e+00 : f32
        %mul3A_393 = vector.broadcast %mul3A_392 : f32 to vector<16xf32>
        %mul3A_394 = arith.mulf %gather3A_391, %mul3A_393 : vector<16xf32>
        tpu.vector_store_idx %arg11[%shift_right_logical3A_379, %and3A_382, %add3A_22], %mul3A_394 : memref<8x8x128xf32, #tpu.memory_space<vmem>>[vector<16xi32>, vector<16xi32>, vector<16xi32>], vector<16xf32>,
        %gather3A_395 = tpu.vector_load_idx %arg7[%add3A_25, %and3A_376] : memref<128x128xf32, #tpu.memory_space<vmem>>[vector<16xi32>, vector<16xi32>], vector<16xf32>,
        %mul3A_396 = arith.constant 8.000000e+00 : f32
        %mul3A_397 = vector.broadcast %mul3A_396 : f32 to vector<16xf32>
        %mul3A_398 = arith.mulf %gather3A_395, %mul3A_397 : vector<16xf32>
        tpu.vector_store_idx %arg11[%shift_right_logical3A_379, %and3A_382, %add3A_25], %mul3A_398 : memref<8x8x128xf32, #tpu.memory_space<vmem>>[vector<16xi32>, vector<16xi32>, vector<16xi32>], vector<16xf32>,
        %gather3A_399 = tpu.vector_load_idx %arg7[%add3A_28, %and3A_376] : memref<128x128xf32, #tpu.memory_space<vmem>>[vector<16xi32>, vector<16xi32>], vector<16xf32>,
        %mul3A_400 = arith.constant 8.000000e+00 : f32
        %mul3A_401 = vector.broadcast %mul3A_400 : f32 to vector<16xf32>
        %mul3A_402 = arith.mulf %gather3A_399, %mul3A_401 : vector<16xf32>
        tpu.vector_store_idx %arg11[%shift_right_logical3A_379, %and3A_382, %add3A_28], %mul3A_402 : memref<8x8x128xf32, #tpu.memory_space<vmem>>[vector<16xi32>, vector<16xi32>, vector<16xi32>], vector<16xf32>,
        %gather3A_403 = tpu.vector_load_idx %arg7[%add3A_31, %and3A_376] : memref<128x128xf32, #tpu.memory_space<vmem>>[vector<16xi32>, vector<16xi32>], vector<16xf32>,
        %mul3A_404 = arith.constant 8.000000e+00 : f32
        %mul3A_405 = vector.broadcast %mul3A_404 : f32 to vector<16xf32>
        %mul3A_406 = arith.mulf %gather3A_403, %mul3A_405 : vector<16xf32>
        tpu.vector_store_idx %arg11[%shift_right_logical3A_379, %and3A_382, %add3A_31], %mul3A_406 : memref<8x8x128xf32, #tpu.memory_space<vmem>>[vector<16xi32>, vector<16xi32>, vector<16xi32>], vector<16xf32>,
        %gather3A_407 = tpu.vector_load_idx %arg7[%add3A_34, %and3A_376] : memref<128x128xf32, #tpu.memory_space<vmem>>[vector<16xi32>, vector<16xi32>], vector<16xf32>,
        %mul3A_408 = arith.constant 8.000000e+00 : f32
        %mul3A_409 = vector.broadcast %mul3A_408 : f32 to vector<16xf32>
        %mul3A_410 = arith.mulf %gather3A_407, %mul3A_409 : vector<16xf32>
        tpu.vector_store_idx %arg11[%shift_right_logical3A_379, %and3A_382, %add3A_34], %mul3A_410 : memref<8x8x128xf32, #tpu.memory_space<vmem>>[vector<16xi32>, vector<16xi32>, vector<16xi32>], vector<16xf32>,
        %gather3A_411 = tpu.vector_load_idx %arg7[%add3A_37, %and3A_376] : memref<128x128xf32, #tpu.memory_space<vmem>>[vector<16xi32>, vector<16xi32>], vector<16xf32>,
        %mul3A_412 = arith.constant 8.000000e+00 : f32
        %mul3A_413 = vector.broadcast %mul3A_412 : f32 to vector<16xf32>
        %mul3A_414 = arith.mulf %gather3A_411, %mul3A_413 : vector<16xf32>
        tpu.vector_store_idx %arg11[%shift_right_logical3A_379, %and3A_382, %add3A_37], %mul3A_414 : memref<8x8x128xf32, #tpu.memory_space<vmem>>[vector<16xi32>, vector<16xi32>, vector<16xi32>], vector<16xf32>,
      }
      %scan3A_145 = arith.constant 64 : i32
      %dma_start3A_146 = arith.constant 0 : i32
      %dma_start3A_147 = arith.constant 0 : i32
      %dma_start3A_148 = arith.constant 0 : i32
      %dma_start3A_149 = tpu.memref_slice %arg4[%add3A_128, %dma_start3A_146, %add3A, %dma_start3A_147, %dma_start3A_148] : memref<200x8x32x8x128xf32, #tpu.memory_space<hbm>> -> memref<1x8x1x8x128xf32, #tpu.memory_space<hbm>>
      %dma_start3A_150 = tpu.memref_squeeze %dma_start3A_149 : memref<1x8x1x8x128xf32, #tpu.memory_space<hbm>> -> memref<8x8x128xf32, #tpu.memory_space<hbm>>
      %dma_start3A_151 = arith.constant 0 : i32
      %dma_start3A_152 = arith.constant 0 : i32
      %dma_start3A_153 = arith.constant 0 : i32
      %dma_start3A_154 = tpu.memref_slice %arg4[%add3A_128, %dma_start3A_151, %add3A, %dma_start3A_152, %dma_start3A_153] : memref<200x8x32x8x128xf32, #tpu.memory_space<hbm>> -> memref<1x8x1x8x128xf32, #tpu.memory_space<hbm>>
      %dma_start3A_155 = tpu.memref_squeeze %dma_start3A_154 : memref<1x8x1x8x128xf32, #tpu.memory_space<hbm>> -> memref<8x8x128xf32, #tpu.memory_space<hbm>>
      tpu.enqueue_dma source(%arg11 : memref<8x8x128xf32, #tpu.memory_space<vmem>>) target(%dma_start3A_155 : memref<8x8x128xf32, #tpu.memory_space<hbm>>) target_semaphore(%arg19 : memref<!tpu.dma_semaphore, #tpu.memory_space<semaphore_mem>>)
      %add3A_156 = arith.constant 2 : i32
      %add3A_157 = arith.addi %add3A_128, %add3A_156 : i32
      %lt3A_158 = arith.constant 200 : i32
      %lt3A_159 = arith.cmpi slt, %add3A_157, %lt3A_158 : i32
      %convert_element_type3A_160 = arith.extui %lt3A_159 : i1 to i32
      %cond3A_161 = arith.constant 0 : i32
      %cond3A_162 = arith.cmpi ne, %convert_element_type3A_160, %cond3A_161 : i32
      scf.if %cond3A_162 {
        %add3A_239 = arith.constant 2 : i32
        %add3A_240 = arith.addi %add3A_128, %add3A_239 : i32
        %dma_start3A_241 = arith.constant 0 : i32
        %dma_start3A_242 = tpu.memref_slice %arg5[%add3A_240, %dma_start3A_241] : memref<200x128xi32, #tpu.memory_space<vmem>> -> memref<1x128xi32, #tpu.memory_space<vmem>>
        %dma_start3A_243 = tpu.memref_squeeze %dma_start3A_242 : memref<1x128xi32, #tpu.memory_space<vmem>> -> memref<128xi32, #tpu.memory_space<vmem>>
        %dma_start3A_244 = arith.constant 0 : i32
        %dma_start3A_245 = arith.constant 0 : i32
        %dma_start3A_246 = tpu.memref_slice %arg3[%dma_start3A_244, %dma_start3A_245] : memref<1000000x128xf32, #tpu.memory_space<hbm>> -> memref<1000000x128xf32, #tpu.memory_space<hbm>>
        tpu.enqueue_indirect_dma source(%dma_start3A_246 : memref<1000000x128xf32, #tpu.memory_space<hbm>>) target(%arg9 : memref<128x128xf32, #tpu.memory_space<vmem>>) offsets(%dma_start3A_243 : memref<128xi32, #tpu.memory_space<vmem>>) semaphore(%arg17 : memref<!tpu.dma_semaphore, #tpu.memory_space<semaphore_mem>>)
      } else {
      }
      %mul3A_163 = arith.constant 4 : i32
      %mul3A_164 = arith.muli %scan3A_90, %mul3A_163 : i32
      %add3A_165 = arith.constant 2 : i32
      %add3A_166 = arith.addi %mul3A_164, %add3A_165 : i32
      %ge3A_167 = arith.constant 4 : i32
      %ge3A_168 = arith.cmpi sge, %add3A_166, %ge3A_167 : i32
      %convert_element_type3A_169 = arith.extui %ge3A_168 : i1 to i32
      %cond3A_170 = arith.constant 0 : i32
      %cond3A_171 = arith.cmpi ne, %convert_element_type3A_169, %cond3A_170 : i32
      scf.if %cond3A_171 {
        %dma_wait3A_239 = arith.constant 0 : i32
        %dma_wait3A_240 = arith.constant 0 : i32
        %dma_wait3A_241 = arith.constant 0 : i32
        %dma_wait3A_242 = arith.constant 0 : i32
        %dma_wait3A_243 = arith.constant 0 : i32
        %dma_wait3A_244 = tpu.memref_slice %arg4[%dma_wait3A_239, %dma_wait3A_241, %dma_wait3A_240, %dma_wait3A_242, %dma_wait3A_243] : memref<200x8x32x8x128xf32, #tpu.memory_space<hbm>> -> memref<1x8x1x8x128xf32, #tpu.memory_space<hbm>>
        %dma_wait3A_245 = tpu.memref_squeeze %dma_wait3A_244 : memref<1x8x1x8x128xf32, #tpu.memory_space<hbm>> -> memref<8x8x128xf32, #tpu.memory_space<hbm>>
        %dma_wait3A_246 = arith.constant 0 : i32
        %dma_wait3A_247 = arith.constant 0 : i32
        %dma_wait3A_248 = arith.constant 0 : i32
        %dma_wait3A_249 = tpu.memref_slice %arg4[%dma_wait3A_239, %dma_wait3A_246, %dma_wait3A_240, %dma_wait3A_247, %dma_wait3A_248] : memref<200x8x32x8x128xf32, #tpu.memory_space<hbm>> -> memref<1x8x1x8x128xf32, #tpu.memory_space<hbm>>
        %dma_wait3A_250 = tpu.memref_squeeze %dma_wait3A_249 : memref<1x8x1x8x128xf32, #tpu.memory_space<hbm>> -> memref<8x8x128xf32, #tpu.memory_space<hbm>>
        tpu.wait_dma2 semaphore(%arg20 : memref<!tpu.dma_semaphore, #tpu.memory_space<semaphore_mem>>) src(%arg12 : memref<8x8x128xf32, #tpu.memory_space<vmem>>) dst(%dma_wait3A_250 : memref<8x8x128xf32, #tpu.memory_space<hbm>>)
      } else {
      }
      %dma_wait3A_172 = arith.constant 0 : i32
      %dma_wait3A_173 = tpu.memref_slice %arg5[%add3A_166, %dma_wait3A_172] : memref<200x128xi32, #tpu.memory_space<vmem>> -> memref<1x128xi32, #tpu.memory_space<vmem>>
      %dma_wait3A_174 = tpu.memref_squeeze %dma_wait3A_173 : memref<1x128xi32, #tpu.memory_space<vmem>> -> memref<128xi32, #tpu.memory_space<vmem>>
      %dma_wait3A_175 = arith.constant 0 : i32
      %dma_wait3A_176 = arith.constant 0 : i32
      %dma_wait3A_177 = tpu.memref_slice %arg3[%dma_wait3A_175, %dma_wait3A_176] : memref<1000000x128xf32, #tpu.memory_space<hbm>> -> memref<1000000x128xf32, #tpu.memory_space<hbm>>
      tpu.wait_indirect_dma semaphore(%arg16 : memref<!tpu.dma_semaphore, #tpu.memory_space<semaphore_mem>>) src(%dma_wait3A_177 : memref<1000000x128xf32, #tpu.memory_space<hbm>>) dst(%arg8 : memref<128x128xf32, #tpu.memory_space<vmem>>)
      %scan3A_178 = arith.constant 0 : i32
      %scan3A_179 = arith.constant 0 : i32
      %scan3A_180 = arith.constant 64 : i32
      %scan3A_181 = arith.addi %scan3A_179, %scan3A_180 : i32
      %scan3A_182 = arith.constant 4 : i32
      scf.for %scan3A_239 = %scan3A_179 to %scan3A_181 step %scan3A_182  : i32 {
        %add3A_240 = vector.broadcast %scan3A_239 : i32 to vector<16xi32>
        %add3A_241 = arith.addi %add3A_240, %iota3A : vector<16xi32>
        %and3A = arith.constant 63 : i32
        %and3A_242 = vector.broadcast %and3A : i32 to vector<16xi32>
        %and3A_243 = arith.andi %add3A_241, %and3A_242 : vector<16xi32>
        %shift_right_logical3A = arith.constant 3 : i32
        %shift_right_logical3A_244 = vector.broadcast %shift_right_logical3A : i32 to vector<16xi32>
        %shift_right_logical3A_245 = arith.shrui %and3A_243, %shift_right_logical3A_244 : vector<16xi32>
        %and3A_246 = arith.constant 7 : i32
        %and3A_247 = vector.broadcast %and3A_246 : i32 to vector<16xi32>
        %and3A_248 = arith.andi %and3A_243, %and3A_247 : vector<16xi32>
        %gather3A = tpu.vector_load_idx %arg8[%add3A_16, %and3A_243] : memref<128x128xf32, #tpu.memory_space<vmem>>[vector<16xi32>, vector<16xi32>], vector<16xf32>,
        %mul3A_249 = arith.constant 8.000000e+00 : f32
        %mul3A_250 = vector.broadcast %mul3A_249 : f32 to vector<16xf32>
        %mul3A_251 = arith.mulf %gather3A, %mul3A_250 : vector<16xf32>
        tpu.vector_store_idx %arg12[%shift_right_logical3A_245, %and3A_248, %add3A_16], %mul3A_251 : memref<8x8x128xf32, #tpu.memory_space<vmem>>[vector<16xi32>, vector<16xi32>, vector<16xi32>], vector<16xf32>,
        %gather3A_252 = tpu.vector_load_idx %arg8[%add3A_19, %and3A_243] : memref<128x128xf32, #tpu.memory_space<vmem>>[vector<16xi32>, vector<16xi32>], vector<16xf32>,
        %mul3A_253 = arith.constant 8.000000e+00 : f32
        %mul3A_254 = vector.broadcast %mul3A_253 : f32 to vector<16xf32>
        %mul3A_255 = arith.mulf %gather3A_252, %mul3A_254 : vector<16xf32>
        tpu.vector_store_idx %arg12[%shift_right_logical3A_245, %and3A_248, %add3A_19], %mul3A_255 : memref<8x8x128xf32, #tpu.memory_space<vmem>>[vector<16xi32>, vector<16xi32>, vector<16xi32>], vector<16xf32>,
        %gather3A_256 = tpu.vector_load_idx %arg8[%add3A_22, %and3A_243] : memref<128x128xf32, #tpu.memory_space<vmem>>[vector<16xi32>, vector<16xi32>], vector<16xf32>,
        %mul3A_257 = arith.constant 8.000000e+00 : f32
        %mul3A_258 = vector.broadcast %mul3A_257 : f32 to vector<16xf32>
        %mul3A_259 = arith.mulf %gather3A_256, %mul3A_258 : vector<16xf32>
        tpu.vector_store_idx %arg12[%shift_right_logical3A_245, %and3A_248, %add3A_22], %mul3A_259 : memref<8x8x128xf32, #tpu.memory_space<vmem>>[vector<16xi32>, vector<16xi32>, vector<16xi32>], vector<16xf32>,
        %gather3A_260 = tpu.vector_load_idx %arg8[%add3A_25, %and3A_243] : memref<128x128xf32, #tpu.memory_space<vmem>>[vector<16xi32>, vector<16xi32>], vector<16xf32>,
        %mul3A_261 = arith.constant 8.000000e+00 : f32
        %mul3A_262 = vector.broadcast %mul3A_261 : f32 to vector<16xf32>
        %mul3A_263 = arith.mulf %gather3A_260, %mul3A_262 : vector<16xf32>
        tpu.vector_store_idx %arg12[%shift_right_logical3A_245, %and3A_248, %add3A_25], %mul3A_263 : memref<8x8x128xf32, #tpu.memory_space<vmem>>[vector<16xi32>, vector<16xi32>, vector<16xi32>], vector<16xf32>,
        %gather3A_264 = tpu.vector_load_idx %arg8[%add3A_28, %and3A_243] : memref<128x128xf32, #tpu.memory_space<vmem>>[vector<16xi32>, vector<16xi32>], vector<16xf32>,
        %mul3A_265 = arith.constant 8.000000e+00 : f32
        %mul3A_266 = vector.broadcast %mul3A_265 : f32 to vector<16xf32>
        %mul3A_267 = arith.mulf %gather3A_264, %mul3A_266 : vector<16xf32>
        tpu.vector_store_idx %arg12[%shift_right_logical3A_245, %and3A_248, %add3A_28], %mul3A_267 : memref<8x8x128xf32, #tpu.memory_space<vmem>>[vector<16xi32>, vector<16xi32>, vector<16xi32>], vector<16xf32>,
        %gather3A_268 = tpu.vector_load_idx %arg8[%add3A_31, %and3A_243] : memref<128x128xf32, #tpu.memory_space<vmem>>[vector<16xi32>, vector<16xi32>], vector<16xf32>,
        %mul3A_269 = arith.constant 8.000000e+00 : f32
        %mul3A_270 = vector.broadcast %mul3A_269 : f32 to vector<16xf32>
        %mul3A_271 = arith.mulf %gather3A_268, %mul3A_270 : vector<16xf32>
        tpu.vector_store_idx %arg12[%shift_right_logical3A_245, %and3A_248, %add3A_31], %mul3A_271 : memref<8x8x128xf32, #tpu.memory_space<vmem>>[vector<16xi32>, vector<16xi32>, vector<16xi32>], vector<16xf32>,
        %gather3A_272 = tpu.vector_load_idx %arg8[%add3A_34, %and3A_243] : memref<128x128xf32, #tpu.memory_space<vmem>>[vector<16xi32>, vector<16xi32>], vector<16xf32>,
        %mul3A_273 = arith.constant 8.000000e+00 : f32
        %mul3A_274 = vector.broadcast %mul3A_273 : f32 to vector<16xf32>
        %mul3A_275 = arith.mulf %gather3A_272, %mul3A_274 : vector<16xf32>
        tpu.vector_store_idx %arg12[%shift_right_logical3A_245, %and3A_248, %add3A_34], %mul3A_275 : memref<8x8x128xf32, #tpu.memory_space<vmem>>[vector<16xi32>, vector<16xi32>, vector<16xi32>], vector<16xf32>,
        %gather3A_276 = tpu.vector_load_idx %arg8[%add3A_37, %and3A_243] : memref<128x128xf32, #tpu.memory_space<vmem>>[vector<16xi32>, vector<16xi32>], vector<16xf32>,
        %mul3A_277 = arith.constant 8.000000e+00 : f32
        %mul3A_278 = vector.broadcast %mul3A_277 : f32 to vector<16xf32>
        %mul3A_279 = arith.mulf %gather3A_276, %mul3A_278 : vector<16xf32>
        tpu.vector_store_idx %arg12[%shift_right_logical3A_245, %and3A_248, %add3A_37], %mul3A_279 : memref<8x8x128xf32, #tpu.memory_space<vmem>>[vector<16xi32>, vector<16xi32>, vector<16xi32>], vector<16xf32>,
        %scan3A_280 = arith.constant 1 : i32
        %scan3A_281 = arith.addi %scan3A_239, %scan3A_280 : i32
        %add3A_282 = vector.broadcast %scan3A_281 : i32 to vector<16xi32>
        %add3A_283 = arith.addi %add3A_282, %iota3A : vector<16xi32>
        %and3A_284 = arith.constant 63 : i32
        %and3A_285 = vector.broadcast %and3A_284 : i32 to vector<16xi32>
        %and3A_286 = arith.andi %add3A_283, %and3A_285 : vector<16xi32>
        %shift_right_logical3A_287 = arith.constant 3 : i32
        %shift_right_logical3A_288 = vector.broadcast %shift_right_logical3A_287 : i32 to vector<16xi32>
        %shift_right_logical3A_289 = arith.shrui %and3A_286, %shift_right_logical3A_288 : vector<16xi32>
        %and3A_290 = arith.constant 7 : i32
        %and3A_291 = vector.broadcast %and3A_290 : i32 to vector<16xi32>
        %and3A_292 = arith.andi %and3A_286, %and3A_291 : vector<16xi32>
        %gather3A_293 = tpu.vector_load_idx %arg8[%add3A_16, %and3A_286] : memref<128x128xf32, #tpu.memory_space<vmem>>[vector<16xi32>, vector<16xi32>], vector<16xf32>,
        %mul3A_294 = arith.constant 8.000000e+00 : f32
        %mul3A_295 = vector.broadcast %mul3A_294 : f32 to vector<16xf32>
        %mul3A_296 = arith.mulf %gather3A_293, %mul3A_295 : vector<16xf32>
        tpu.vector_store_idx %arg12[%shift_right_logical3A_289, %and3A_292, %add3A_16], %mul3A_296 : memref<8x8x128xf32, #tpu.memory_space<vmem>>[vector<16xi32>, vector<16xi32>, vector<16xi32>], vector<16xf32>,
        %gather3A_297 = tpu.vector_load_idx %arg8[%add3A_19, %and3A_286] : memref<128x128xf32, #tpu.memory_space<vmem>>[vector<16xi32>, vector<16xi32>], vector<16xf32>,
        %mul3A_298 = arith.constant 8.000000e+00 : f32
        %mul3A_299 = vector.broadcast %mul3A_298 : f32 to vector<16xf32>
        %mul3A_300 = arith.mulf %gather3A_297, %mul3A_299 : vector<16xf32>
        tpu.vector_store_idx %arg12[%shift_right_logical3A_289, %and3A_292, %add3A_19], %mul3A_300 : memref<8x8x128xf32, #tpu.memory_space<vmem>>[vector<16xi32>, vector<16xi32>, vector<16xi32>], vector<16xf32>,
        %gather3A_301 = tpu.vector_load_idx %arg8[%add3A_22, %and3A_286] : memref<128x128xf32, #tpu.memory_space<vmem>>[vector<16xi32>, vector<16xi32>], vector<16xf32>,
        %mul3A_302 = arith.constant 8.000000e+00 : f32
        %mul3A_303 = vector.broadcast %mul3A_302 : f32 to vector<16xf32>
        %mul3A_304 = arith.mulf %gather3A_301, %mul3A_303 : vector<16xf32>
        tpu.vector_store_idx %arg12[%shift_right_logical3A_289, %and3A_292, %add3A_22], %mul3A_304 : memref<8x8x128xf32, #tpu.memory_space<vmem>>[vector<16xi32>, vector<16xi32>, vector<16xi32>], vector<16xf32>,
        %gather3A_305 = tpu.vector_load_idx %arg8[%add3A_25, %and3A_286] : memref<128x128xf32, #tpu.memory_space<vmem>>[vector<16xi32>, vector<16xi32>], vector<16xf32>,
        %mul3A_306 = arith.constant 8.000000e+00 : f32
        %mul3A_307 = vector.broadcast %mul3A_306 : f32 to vector<16xf32>
        %mul3A_308 = arith.mulf %gather3A_305, %mul3A_307 : vector<16xf32>
        tpu.vector_store_idx %arg12[%shift_right_logical3A_289, %and3A_292, %add3A_25], %mul3A_308 : memref<8x8x128xf32, #tpu.memory_space<vmem>>[vector<16xi32>, vector<16xi32>, vector<16xi32>], vector<16xf32>,
        %gather3A_309 = tpu.vector_load_idx %arg8[%add3A_28, %and3A_286] : memref<128x128xf32, #tpu.memory_space<vmem>>[vector<16xi32>, vector<16xi32>], vector<16xf32>,
        %mul3A_310 = arith.constant 8.000000e+00 : f32
        %mul3A_311 = vector.broadcast %mul3A_310 : f32 to vector<16xf32>
        %mul3A_312 = arith.mulf %gather3A_309, %mul3A_311 : vector<16xf32>
        tpu.vector_store_idx %arg12[%shift_right_logical3A_289, %and3A_292, %add3A_28], %mul3A_312 : memref<8x8x128xf32, #tpu.memory_space<vmem>>[vector<16xi32>, vector<16xi32>, vector<16xi32>], vector<16xf32>,
        %gather3A_313 = tpu.vector_load_idx %arg8[%add3A_31, %and3A_286] : memref<128x128xf32, #tpu.memory_space<vmem>>[vector<16xi32>, vector<16xi32>], vector<16xf32>,
        %mul3A_314 = arith.constant 8.000000e+00 : f32
        %mul3A_315 = vector.broadcast %mul3A_314 : f32 to vector<16xf32>
        %mul3A_316 = arith.mulf %gather3A_313, %mul3A_315 : vector<16xf32>
        tpu.vector_store_idx %arg12[%shift_right_logical3A_289, %and3A_292, %add3A_31], %mul3A_316 : memref<8x8x128xf32, #tpu.memory_space<vmem>>[vector<16xi32>, vector<16xi32>, vector<16xi32>], vector<16xf32>,
        %gather3A_317 = tpu.vector_load_idx %arg8[%add3A_34, %and3A_286] : memref<128x128xf32, #tpu.memory_space<vmem>>[vector<16xi32>, vector<16xi32>], vector<16xf32>,
        %mul3A_318 = arith.constant 8.000000e+00 : f32
        %mul3A_319 = vector.broadcast %mul3A_318 : f32 to vector<16xf32>
        %mul3A_320 = arith.mulf %gather3A_317, %mul3A_319 : vector<16xf32>
        tpu.vector_store_idx %arg12[%shift_right_logical3A_289, %and3A_292, %add3A_34], %mul3A_320 : memref<8x8x128xf32, #tpu.memory_space<vmem>>[vector<16xi32>, vector<16xi32>, vector<16xi32>], vector<16xf32>,
        %gather3A_321 = tpu.vector_load_idx %arg8[%add3A_37, %and3A_286] : memref<128x128xf32, #tpu.memory_space<vmem>>[vector<16xi32>, vector<16xi32>], vector<16xf32>,
        %mul3A_322 = arith.constant 8.000000e+00 : f32
        %mul3A_323 = vector.broadcast %mul3A_322 : f32 to vector<16xf32>
        %mul3A_324 = arith.mulf %gather3A_321, %mul3A_323 : vector<16xf32>
        tpu.vector_store_idx %arg12[%shift_right_logical3A_289, %and3A_292, %add3A_37], %mul3A_324 : memref<8x8x128xf32, #tpu.memory_space<vmem>>[vector<16xi32>, vector<16xi32>, vector<16xi32>], vector<16xf32>,
        %scan3A_325 = arith.constant 2 : i32
        %scan3A_326 = arith.addi %scan3A_239, %scan3A_325 : i32
        %add3A_327 = vector.broadcast %scan3A_326 : i32 to vector<16xi32>
        %add3A_328 = arith.addi %add3A_327, %iota3A : vector<16xi32>
        %and3A_329 = arith.constant 63 : i32
        %and3A_330 = vector.broadcast %and3A_329 : i32 to vector<16xi32>
        %and3A_331 = arith.andi %add3A_328, %and3A_330 : vector<16xi32>
        %shift_right_logical3A_332 = arith.constant 3 : i32
        %shift_right_logical3A_333 = vector.broadcast %shift_right_logical3A_332 : i32 to vector<16xi32>
        %shift_right_logical3A_334 = arith.shrui %and3A_331, %shift_right_logical3A_333 : vector<16xi32>
        %and3A_335 = arith.constant 7 : i32
        %and3A_336 = vector.broadcast %and3A_335 : i32 to vector<16xi32>
        %and3A_337 = arith.andi %and3A_331, %and3A_336 : vector<16xi32>
        %gather3A_338 = tpu.vector_load_idx %arg8[%add3A_16, %and3A_331] : memref<128x128xf32, #tpu.memory_space<vmem>>[vector<16xi32>, vector<16xi32>], vector<16xf32>,
        %mul3A_339 = arith.constant 8.000000e+00 : f32
        %mul3A_340 = vector.broadcast %mul3A_339 : f32 to vector<16xf32>
        %mul3A_341 = arith.mulf %gather3A_338, %mul3A_340 : vector<16xf32>
        tpu.vector_store_idx %arg12[%shift_right_logical3A_334, %and3A_337, %add3A_16], %mul3A_341 : memref<8x8x128xf32, #tpu.memory_space<vmem>>[vector<16xi32>, vector<16xi32>, vector<16xi32>], vector<16xf32>,
        %gather3A_342 = tpu.vector_load_idx %arg8[%add3A_19, %and3A_331] : memref<128x128xf32, #tpu.memory_space<vmem>>[vector<16xi32>, vector<16xi32>], vector<16xf32>,
        %mul3A_343 = arith.constant 8.000000e+00 : f32
        %mul3A_344 = vector.broadcast %mul3A_343 : f32 to vector<16xf32>
        %mul3A_345 = arith.mulf %gather3A_342, %mul3A_344 : vector<16xf32>
        tpu.vector_store_idx %arg12[%shift_right_logical3A_334, %and3A_337, %add3A_19], %mul3A_345 : memref<8x8x128xf32, #tpu.memory_space<vmem>>[vector<16xi32>, vector<16xi32>, vector<16xi32>], vector<16xf32>,
        %gather3A_346 = tpu.vector_load_idx %arg8[%add3A_22, %and3A_331] : memref<128x128xf32, #tpu.memory_space<vmem>>[vector<16xi32>, vector<16xi32>], vector<16xf32>,
        %mul3A_347 = arith.constant 8.000000e+00 : f32
        %mul3A_348 = vector.broadcast %mul3A_347 : f32 to vector<16xf32>
        %mul3A_349 = arith.mulf %gather3A_346, %mul3A_348 : vector<16xf32>
        tpu.vector_store_idx %arg12[%shift_right_logical3A_334, %and3A_337, %add3A_22], %mul3A_349 : memref<8x8x128xf32, #tpu.memory_space<vmem>>[vector<16xi32>, vector<16xi32>, vector<16xi32>], vector<16xf32>,
        %gather3A_350 = tpu.vector_load_idx %arg8[%add3A_25, %and3A_331] : memref<128x128xf32, #tpu.memory_space<vmem>>[vector<16xi32>, vector<16xi32>], vector<16xf32>,
        %mul3A_351 = arith.constant 8.000000e+00 : f32
        %mul3A_352 = vector.broadcast %mul3A_351 : f32 to vector<16xf32>
        %mul3A_353 = arith.mulf %gather3A_350, %mul3A_352 : vector<16xf32>
        tpu.vector_store_idx %arg12[%shift_right_logical3A_334, %and3A_337, %add3A_25], %mul3A_353 : memref<8x8x128xf32, #tpu.memory_space<vmem>>[vector<16xi32>, vector<16xi32>, vector<16xi32>], vector<16xf32>,
        %gather3A_354 = tpu.vector_load_idx %arg8[%add3A_28, %and3A_331] : memref<128x128xf32, #tpu.memory_space<vmem>>[vector<16xi32>, vector<16xi32>], vector<16xf32>,
        %mul3A_355 = arith.constant 8.000000e+00 : f32
        %mul3A_356 = vector.broadcast %mul3A_355 : f32 to vector<16xf32>
        %mul3A_357 = arith.mulf %gather3A_354, %mul3A_356 : vector<16xf32>
        tpu.vector_store_idx %arg12[%shift_right_logical3A_334, %and3A_337, %add3A_28], %mul3A_357 : memref<8x8x128xf32, #tpu.memory_space<vmem>>[vector<16xi32>, vector<16xi32>, vector<16xi32>], vector<16xf32>,
        %gather3A_358 = tpu.vector_load_idx %arg8[%add3A_31, %and3A_331] : memref<128x128xf32, #tpu.memory_space<vmem>>[vector<16xi32>, vector<16xi32>], vector<16xf32>,
        %mul3A_359 = arith.constant 8.000000e+00 : f32
        %mul3A_360 = vector.broadcast %mul3A_359 : f32 to vector<16xf32>
        %mul3A_361 = arith.mulf %gather3A_358, %mul3A_360 : vector<16xf32>
        tpu.vector_store_idx %arg12[%shift_right_logical3A_334, %and3A_337, %add3A_31], %mul3A_361 : memref<8x8x128xf32, #tpu.memory_space<vmem>>[vector<16xi32>, vector<16xi32>, vector<16xi32>], vector<16xf32>,
        %gather3A_362 = tpu.vector_load_idx %arg8[%add3A_34, %and3A_331] : memref<128x128xf32, #tpu.memory_space<vmem>>[vector<16xi32>, vector<16xi32>], vector<16xf32>,
        %mul3A_363 = arith.constant 8.000000e+00 : f32
        %mul3A_364 = vector.broadcast %mul3A_363 : f32 to vector<16xf32>
        %mul3A_365 = arith.mulf %gather3A_362, %mul3A_364 : vector<16xf32>
        tpu.vector_store_idx %arg12[%shift_right_logical3A_334, %and3A_337, %add3A_34], %mul3A_365 : memref<8x8x128xf32, #tpu.memory_space<vmem>>[vector<16xi32>, vector<16xi32>, vector<16xi32>], vector<16xf32>,
        %gather3A_366 = tpu.vector_load_idx %arg8[%add3A_37, %and3A_331] : memref<128x128xf32, #tpu.memory_space<vmem>>[vector<16xi32>, vector<16xi32>], vector<16xf32>,
        %mul3A_367 = arith.constant 8.000000e+00 : f32
        %mul3A_368 = vector.broadcast %mul3A_367 : f32 to vector<16xf32>
        %mul3A_369 = arith.mulf %gather3A_366, %mul3A_368 : vector<16xf32>
        tpu.vector_store_idx %arg12[%shift_right_logical3A_334, %and3A_337, %add3A_37], %mul3A_369 : memref<8x8x128xf32, #tpu.memory_space<vmem>>[vector<16xi32>, vector<16xi32>, vector<16xi32>], vector<16xf32>,
        %scan3A_370 = arith.constant 3 : i32
        %scan3A_371 = arith.addi %scan3A_239, %scan3A_370 : i32
        %add3A_372 = vector.broadcast %scan3A_371 : i32 to vector<16xi32>
        %add3A_373 = arith.addi %add3A_372, %iota3A : vector<16xi32>
        %and3A_374 = arith.constant 63 : i32
        %and3A_375 = vector.broadcast %and3A_374 : i32 to vector<16xi32>
        %and3A_376 = arith.andi %add3A_373, %and3A_375 : vector<16xi32>
        %shift_right_logical3A_377 = arith.constant 3 : i32
        %shift_right_logical3A_378 = vector.broadcast %shift_right_logical3A_377 : i32 to vector<16xi32>
        %shift_right_logical3A_379 = arith.shrui %and3A_376, %shift_right_logical3A_378 : vector<16xi32>
        %and3A_380 = arith.constant 7 : i32
        %and3A_381 = vector.broadcast %and3A_380 : i32 to vector<16xi32>
        %and3A_382 = arith.andi %and3A_376, %and3A_381 : vector<16xi32>
        %gather3A_383 = tpu.vector_load_idx %arg8[%add3A_16, %and3A_376] : memref<128x128xf32, #tpu.memory_space<vmem>>[vector<16xi32>, vector<16xi32>], vector<16xf32>,
        %mul3A_384 = arith.constant 8.000000e+00 : f32
        %mul3A_385 = vector.broadcast %mul3A_384 : f32 to vector<16xf32>
        %mul3A_386 = arith.mulf %gather3A_383, %mul3A_385 : vector<16xf32>
        tpu.vector_store_idx %arg12[%shift_right_logical3A_379, %and3A_382, %add3A_16], %mul3A_386 : memref<8x8x128xf32, #tpu.memory_space<vmem>>[vector<16xi32>, vector<16xi32>, vector<16xi32>], vector<16xf32>,
        %gather3A_387 = tpu.vector_load_idx %arg8[%add3A_19, %and3A_376] : memref<128x128xf32, #tpu.memory_space<vmem>>[vector<16xi32>, vector<16xi32>], vector<16xf32>,
        %mul3A_388 = arith.constant 8.000000e+00 : f32
        %mul3A_389 = vector.broadcast %mul3A_388 : f32 to vector<16xf32>
        %mul3A_390 = arith.mulf %gather3A_387, %mul3A_389 : vector<16xf32>
        tpu.vector_store_idx %arg12[%shift_right_logical3A_379, %and3A_382, %add3A_19], %mul3A_390 : memref<8x8x128xf32, #tpu.memory_space<vmem>>[vector<16xi32>, vector<16xi32>, vector<16xi32>], vector<16xf32>,
        %gather3A_391 = tpu.vector_load_idx %arg8[%add3A_22, %and3A_376] : memref<128x128xf32, #tpu.memory_space<vmem>>[vector<16xi32>, vector<16xi32>], vector<16xf32>,
        %mul3A_392 = arith.constant 8.000000e+00 : f32
        %mul3A_393 = vector.broadcast %mul3A_392 : f32 to vector<16xf32>
        %mul3A_394 = arith.mulf %gather3A_391, %mul3A_393 : vector<16xf32>
        tpu.vector_store_idx %arg12[%shift_right_logical3A_379, %and3A_382, %add3A_22], %mul3A_394 : memref<8x8x128xf32, #tpu.memory_space<vmem>>[vector<16xi32>, vector<16xi32>, vector<16xi32>], vector<16xf32>,
        %gather3A_395 = tpu.vector_load_idx %arg8[%add3A_25, %and3A_376] : memref<128x128xf32, #tpu.memory_space<vmem>>[vector<16xi32>, vector<16xi32>], vector<16xf32>,
        %mul3A_396 = arith.constant 8.000000e+00 : f32
        %mul3A_397 = vector.broadcast %mul3A_396 : f32 to vector<16xf32>
        %mul3A_398 = arith.mulf %gather3A_395, %mul3A_397 : vector<16xf32>
        tpu.vector_store_idx %arg12[%shift_right_logical3A_379, %and3A_382, %add3A_25], %mul3A_398 : memref<8x8x128xf32, #tpu.memory_space<vmem>>[vector<16xi32>, vector<16xi32>, vector<16xi32>], vector<16xf32>,
        %gather3A_399 = tpu.vector_load_idx %arg8[%add3A_28, %and3A_376] : memref<128x128xf32, #tpu.memory_space<vmem>>[vector<16xi32>, vector<16xi32>], vector<16xf32>,
        %mul3A_400 = arith.constant 8.000000e+00 : f32
        %mul3A_401 = vector.broadcast %mul3A_400 : f32 to vector<16xf32>
        %mul3A_402 = arith.mulf %gather3A_399, %mul3A_401 : vector<16xf32>
        tpu.vector_store_idx %arg12[%shift_right_logical3A_379, %and3A_382, %add3A_28], %mul3A_402 : memref<8x8x128xf32, #tpu.memory_space<vmem>>[vector<16xi32>, vector<16xi32>, vector<16xi32>], vector<16xf32>,
        %gather3A_403 = tpu.vector_load_idx %arg8[%add3A_31, %and3A_376] : memref<128x128xf32, #tpu.memory_space<vmem>>[vector<16xi32>, vector<16xi32>], vector<16xf32>,
        %mul3A_404 = arith.constant 8.000000e+00 : f32
        %mul3A_405 = vector.broadcast %mul3A_404 : f32 to vector<16xf32>
        %mul3A_406 = arith.mulf %gather3A_403, %mul3A_405 : vector<16xf32>
        tpu.vector_store_idx %arg12[%shift_right_logical3A_379, %and3A_382, %add3A_31], %mul3A_406 : memref<8x8x128xf32, #tpu.memory_space<vmem>>[vector<16xi32>, vector<16xi32>, vector<16xi32>], vector<16xf32>,
        %gather3A_407 = tpu.vector_load_idx %arg8[%add3A_34, %and3A_376] : memref<128x128xf32, #tpu.memory_space<vmem>>[vector<16xi32>, vector<16xi32>], vector<16xf32>,
        %mul3A_408 = arith.constant 8.000000e+00 : f32
        %mul3A_409 = vector.broadcast %mul3A_408 : f32 to vector<16xf32>
        %mul3A_410 = arith.mulf %gather3A_407, %mul3A_409 : vector<16xf32>
        tpu.vector_store_idx %arg12[%shift_right_logical3A_379, %and3A_382, %add3A_34], %mul3A_410 : memref<8x8x128xf32, #tpu.memory_space<vmem>>[vector<16xi32>, vector<16xi32>, vector<16xi32>], vector<16xf32>,
        %gather3A_411 = tpu.vector_load_idx %arg8[%add3A_37, %and3A_376] : memref<128x128xf32, #tpu.memory_space<vmem>>[vector<16xi32>, vector<16xi32>], vector<16xf32>,
        %mul3A_412 = arith.constant 8.000000e+00 : f32
        %mul3A_413 = vector.broadcast %mul3A_412 : f32 to vector<16xf32>
        %mul3A_414 = arith.mulf %gather3A_411, %mul3A_413 : vector<16xf32>
        tpu.vector_store_idx %arg12[%shift_right_logical3A_379, %and3A_382, %add3A_37], %mul3A_414 : memref<8x8x128xf32, #tpu.memory_space<vmem>>[vector<16xi32>, vector<16xi32>, vector<16xi32>], vector<16xf32>,
      }
      %scan3A_183 = arith.constant 64 : i32
      %dma_start3A_184 = arith.constant 0 : i32
      %dma_start3A_185 = arith.constant 0 : i32
      %dma_start3A_186 = arith.constant 0 : i32
      %dma_start3A_187 = tpu.memref_slice %arg4[%add3A_166, %dma_start3A_184, %add3A, %dma_start3A_185, %dma_start3A_186] : memref<200x8x32x8x128xf32, #tpu.memory_space<hbm>> -> memref<1x8x1x8x128xf32, #tpu.memory_space<hbm>>
      %dma_start3A_188 = tpu.memref_squeeze %dma_start3A_187 : memref<1x8x1x8x128xf32, #tpu.memory_space<hbm>> -> memref<8x8x128xf32, #tpu.memory_space<hbm>>
      %dma_start3A_189 = arith.constant 0 : i32
      %dma_start3A_190 = arith.constant 0 : i32
      %dma_start3A_191 = arith.constant 0 : i32
      %dma_start3A_192 = tpu.memref_slice %arg4[%add3A_166, %dma_start3A_189, %add3A, %dma_start3A_190, %dma_start3A_191] : memref<200x8x32x8x128xf32, #tpu.memory_space<hbm>> -> memref<1x8x1x8x128xf32, #tpu.memory_space<hbm>>
      %dma_start3A_193 = tpu.memref_squeeze %dma_start3A_192 : memref<1x8x1x8x128xf32, #tpu.memory_space<hbm>> -> memref<8x8x128xf32, #tpu.memory_space<hbm>>
      tpu.enqueue_dma source(%arg12 : memref<8x8x128xf32, #tpu.memory_space<vmem>>) target(%dma_start3A_193 : memref<8x8x128xf32, #tpu.memory_space<hbm>>) target_semaphore(%arg20 : memref<!tpu.dma_semaphore, #tpu.memory_space<semaphore_mem>>)
      %add3A_194 = arith.constant 2 : i32
      %add3A_195 = arith.addi %add3A_166, %add3A_194 : i32
      %lt3A_196 = arith.constant 200 : i32
      %lt3A_197 = arith.cmpi slt, %add3A_195, %lt3A_196 : i32
      %convert_element_type3A_198 = arith.extui %lt3A_197 : i1 to i32
      %cond3A_199 = arith.constant 0 : i32
      %cond3A_200 = arith.cmpi ne, %convert_element_type3A_198, %cond3A_199 : i32
      scf.if %cond3A_200 {
        %add3A_239 = arith.constant 2 : i32
        %add3A_240 = arith.addi %add3A_166, %add3A_239 : i32
        %dma_start3A_241 = arith.constant 0 : i32
        %dma_start3A_242 = tpu.memref_slice %arg5[%add3A_240, %dma_start3A_241] : memref<200x128xi32, #tpu.memory_space<vmem>> -> memref<1x128xi32, #tpu.memory_space<vmem>>
        %dma_start3A_243 = tpu.memref_squeeze %dma_start3A_242 : memref<1x128xi32, #tpu.memory_space<vmem>> -> memref<128xi32, #tpu.memory_space<vmem>>
        %dma_start3A_244 = arith.constant 0 : i32
        %dma_start3A_245 = arith.constant 0 : i32
        %dma_start3A_246 = tpu.memref_slice %arg3[%dma_start3A_244, %dma_start3A_245] : memref<1000000x128xf32, #tpu.memory_space<hbm>> -> memref<1000000x128xf32, #tpu.memory_space<hbm>>
        tpu.enqueue_indirect_dma source(%dma_start3A_246 : memref<1000000x128xf32, #tpu.memory_space<hbm>>) target(%arg6 : memref<128x128xf32, #tpu.memory_space<vmem>>) offsets(%dma_start3A_243 : memref<128xi32, #tpu.memory_space<vmem>>) semaphore(%arg14 : memref<!tpu.dma_semaphore, #tpu.memory_space<semaphore_mem>>)
      } else {
      }
      %mul3A_201 = arith.constant 4 : i32
      %mul3A_202 = arith.muli %scan3A_90, %mul3A_201 : i32
      %add3A_203 = arith.constant 3 : i32
      %add3A_204 = arith.addi %mul3A_202, %add3A_203 : i32
      %ge3A_205 = arith.constant 4 : i32
      %ge3A_206 = arith.cmpi sge, %add3A_204, %ge3A_205 : i32
      %convert_element_type3A_207 = arith.extui %ge3A_206 : i1 to i32
      %cond3A_208 = arith.constant 0 : i32
      %cond3A_209 = arith.cmpi ne, %convert_element_type3A_207, %cond3A_208 : i32
      scf.if %cond3A_209 {
        %dma_wait3A_239 = arith.constant 0 : i32
        %dma_wait3A_240 = arith.constant 0 : i32
        %dma_wait3A_241 = arith.constant 0 : i32
        %dma_wait3A_242 = arith.constant 0 : i32
        %dma_wait3A_243 = arith.constant 0 : i32
        %dma_wait3A_244 = tpu.memref_slice %arg4[%dma_wait3A_239, %dma_wait3A_241, %dma_wait3A_240, %dma_wait3A_242, %dma_wait3A_243] : memref<200x8x32x8x128xf32, #tpu.memory_space<hbm>> -> memref<1x8x1x8x128xf32, #tpu.memory_space<hbm>>
        %dma_wait3A_245 = tpu.memref_squeeze %dma_wait3A_244 : memref<1x8x1x8x128xf32, #tpu.memory_space<hbm>> -> memref<8x8x128xf32, #tpu.memory_space<hbm>>
        %dma_wait3A_246 = arith.constant 0 : i32
        %dma_wait3A_247 = arith.constant 0 : i32
        %dma_wait3A_248 = arith.constant 0 : i32
        %dma_wait3A_249 = tpu.memref_slice %arg4[%dma_wait3A_239, %dma_wait3A_246, %dma_wait3A_240, %dma_wait3A_247, %dma_wait3A_248] : memref<200x8x32x8x128xf32, #tpu.memory_space<hbm>> -> memref<1x8x1x8x128xf32, #tpu.memory_space<hbm>>
        %dma_wait3A_250 = tpu.memref_squeeze %dma_wait3A_249 : memref<1x8x1x8x128xf32, #tpu.memory_space<hbm>> -> memref<8x8x128xf32, #tpu.memory_space<hbm>>
        tpu.wait_dma2 semaphore(%arg21 : memref<!tpu.dma_semaphore, #tpu.memory_space<semaphore_mem>>) src(%arg13 : memref<8x8x128xf32, #tpu.memory_space<vmem>>) dst(%dma_wait3A_250 : memref<8x8x128xf32, #tpu.memory_space<hbm>>)
      } else {
      }
      %dma_wait3A_210 = arith.constant 0 : i32
      %dma_wait3A_211 = tpu.memref_slice %arg5[%add3A_204, %dma_wait3A_210] : memref<200x128xi32, #tpu.memory_space<vmem>> -> memref<1x128xi32, #tpu.memory_space<vmem>>
      %dma_wait3A_212 = tpu.memref_squeeze %dma_wait3A_211 : memref<1x128xi32, #tpu.memory_space<vmem>> -> memref<128xi32, #tpu.memory_space<vmem>>
      %dma_wait3A_213 = arith.constant 0 : i32
      %dma_wait3A_214 = arith.constant 0 : i32
      %dma_wait3A_215 = tpu.memref_slice %arg3[%dma_wait3A_213, %dma_wait3A_214] : memref<1000000x128xf32, #tpu.memory_space<hbm>> -> memref<1000000x128xf32, #tpu.memory_space<hbm>>
      tpu.wait_indirect_dma semaphore(%arg17 : memref<!tpu.dma_semaphore, #tpu.memory_space<semaphore_mem>>) src(%dma_wait3A_215 : memref<1000000x128xf32, #tpu.memory_space<hbm>>) dst(%arg9 : memref<128x128xf32, #tpu.memory_space<vmem>>)
      %scan3A_216 = arith.constant 0 : i32
      %scan3A_217 = arith.constant 0 : i32
      %scan3A_218 = arith.constant 64 : i32
      %scan3A_219 = arith.addi %scan3A_217, %scan3A_218 : i32
      %scan3A_220 = arith.constant 4 : i32
      scf.for %scan3A_239 = %scan3A_217 to %scan3A_219 step %scan3A_220  : i32 {
        %add3A_240 = vector.broadcast %scan3A_239 : i32 to vector<16xi32>
        %add3A_241 = arith.addi %add3A_240, %iota3A : vector<16xi32>
        %and3A = arith.constant 63 : i32
        %and3A_242 = vector.broadcast %and3A : i32 to vector<16xi32>
        %and3A_243 = arith.andi %add3A_241, %and3A_242 : vector<16xi32>
        %shift_right_logical3A = arith.constant 3 : i32
        %shift_right_logical3A_244 = vector.broadcast %shift_right_logical3A : i32 to vector<16xi32>
        %shift_right_logical3A_245 = arith.shrui %and3A_243, %shift_right_logical3A_244 : vector<16xi32>
        %and3A_246 = arith.constant 7 : i32
        %and3A_247 = vector.broadcast %and3A_246 : i32 to vector<16xi32>
        %and3A_248 = arith.andi %and3A_243, %and3A_247 : vector<16xi32>
        %gather3A = tpu.vector_load_idx %arg9[%add3A_16, %and3A_243] : memref<128x128xf32, #tpu.memory_space<vmem>>[vector<16xi32>, vector<16xi32>], vector<16xf32>,
        %mul3A_249 = arith.constant 8.000000e+00 : f32
        %mul3A_250 = vector.broadcast %mul3A_249 : f32 to vector<16xf32>
        %mul3A_251 = arith.mulf %gather3A, %mul3A_250 : vector<16xf32>
        tpu.vector_store_idx %arg13[%shift_right_logical3A_245, %and3A_248, %add3A_16], %mul3A_251 : memref<8x8x128xf32, #tpu.memory_space<vmem>>[vector<16xi32>, vector<16xi32>, vector<16xi32>], vector<16xf32>,
        %gather3A_252 = tpu.vector_load_idx %arg9[%add3A_19, %and3A_243] : memref<128x128xf32, #tpu.memory_space<vmem>>[vector<16xi32>, vector<16xi32>], vector<16xf32>,
        %mul3A_253 = arith.constant 8.000000e+00 : f32
        %mul3A_254 = vector.broadcast %mul3A_253 : f32 to vector<16xf32>
        %mul3A_255 = arith.mulf %gather3A_252, %mul3A_254 : vector<16xf32>
        tpu.vector_store_idx %arg13[%shift_right_logical3A_245, %and3A_248, %add3A_19], %mul3A_255 : memref<8x8x128xf32, #tpu.memory_space<vmem>>[vector<16xi32>, vector<16xi32>, vector<16xi32>], vector<16xf32>,
        %gather3A_256 = tpu.vector_load_idx %arg9[%add3A_22, %and3A_243] : memref<128x128xf32, #tpu.memory_space<vmem>>[vector<16xi32>, vector<16xi32>], vector<16xf32>,
        %mul3A_257 = arith.constant 8.000000e+00 : f32
        %mul3A_258 = vector.broadcast %mul3A_257 : f32 to vector<16xf32>
        %mul3A_259 = arith.mulf %gather3A_256, %mul3A_258 : vector<16xf32>
        tpu.vector_store_idx %arg13[%shift_right_logical3A_245, %and3A_248, %add3A_22], %mul3A_259 : memref<8x8x128xf32, #tpu.memory_space<vmem>>[vector<16xi32>, vector<16xi32>, vector<16xi32>], vector<16xf32>,
        %gather3A_260 = tpu.vector_load_idx %arg9[%add3A_25, %and3A_243] : memref<128x128xf32, #tpu.memory_space<vmem>>[vector<16xi32>, vector<16xi32>], vector<16xf32>,
        %mul3A_261 = arith.constant 8.000000e+00 : f32
        %mul3A_262 = vector.broadcast %mul3A_261 : f32 to vector<16xf32>
        %mul3A_263 = arith.mulf %gather3A_260, %mul3A_262 : vector<16xf32>
        tpu.vector_store_idx %arg13[%shift_right_logical3A_245, %and3A_248, %add3A_25], %mul3A_263 : memref<8x8x128xf32, #tpu.memory_space<vmem>>[vector<16xi32>, vector<16xi32>, vector<16xi32>], vector<16xf32>,
        %gather3A_264 = tpu.vector_load_idx %arg9[%add3A_28, %and3A_243] : memref<128x128xf32, #tpu.memory_space<vmem>>[vector<16xi32>, vector<16xi32>], vector<16xf32>,
        %mul3A_265 = arith.constant 8.000000e+00 : f32
        %mul3A_266 = vector.broadcast %mul3A_265 : f32 to vector<16xf32>
        %mul3A_267 = arith.mulf %gather3A_264, %mul3A_266 : vector<16xf32>
        tpu.vector_store_idx %arg13[%shift_right_logical3A_245, %and3A_248, %add3A_28], %mul3A_267 : memref<8x8x128xf32, #tpu.memory_space<vmem>>[vector<16xi32>, vector<16xi32>, vector<16xi32>], vector<16xf32>,
        %gather3A_268 = tpu.vector_load_idx %arg9[%add3A_31, %and3A_243] : memref<128x128xf32, #tpu.memory_space<vmem>>[vector<16xi32>, vector<16xi32>], vector<16xf32>,
        %mul3A_269 = arith.constant 8.000000e+00 : f32
        %mul3A_270 = vector.broadcast %mul3A_269 : f32 to vector<16xf32>
        %mul3A_271 = arith.mulf %gather3A_268, %mul3A_270 : vector<16xf32>
        tpu.vector_store_idx %arg13[%shift_right_logical3A_245, %and3A_248, %add3A_31], %mul3A_271 : memref<8x8x128xf32, #tpu.memory_space<vmem>>[vector<16xi32>, vector<16xi32>, vector<16xi32>], vector<16xf32>,
        %gather3A_272 = tpu.vector_load_idx %arg9[%add3A_34, %and3A_243] : memref<128x128xf32, #tpu.memory_space<vmem>>[vector<16xi32>, vector<16xi32>], vector<16xf32>,
        %mul3A_273 = arith.constant 8.000000e+00 : f32
        %mul3A_274 = vector.broadcast %mul3A_273 : f32 to vector<16xf32>
        %mul3A_275 = arith.mulf %gather3A_272, %mul3A_274 : vector<16xf32>
        tpu.vector_store_idx %arg13[%shift_right_logical3A_245, %and3A_248, %add3A_34], %mul3A_275 : memref<8x8x128xf32, #tpu.memory_space<vmem>>[vector<16xi32>, vector<16xi32>, vector<16xi32>], vector<16xf32>,
        %gather3A_276 = tpu.vector_load_idx %arg9[%add3A_37, %and3A_243] : memref<128x128xf32, #tpu.memory_space<vmem>>[vector<16xi32>, vector<16xi32>], vector<16xf32>,
        %mul3A_277 = arith.constant 8.000000e+00 : f32
        %mul3A_278 = vector.broadcast %mul3A_277 : f32 to vector<16xf32>
        %mul3A_279 = arith.mulf %gather3A_276, %mul3A_278 : vector<16xf32>
        tpu.vector_store_idx %arg13[%shift_right_logical3A_245, %and3A_248, %add3A_37], %mul3A_279 : memref<8x8x128xf32, #tpu.memory_space<vmem>>[vector<16xi32>, vector<16xi32>, vector<16xi32>], vector<16xf32>,
        %scan3A_280 = arith.constant 1 : i32
        %scan3A_281 = arith.addi %scan3A_239, %scan3A_280 : i32
        %add3A_282 = vector.broadcast %scan3A_281 : i32 to vector<16xi32>
        %add3A_283 = arith.addi %add3A_282, %iota3A : vector<16xi32>
        %and3A_284 = arith.constant 63 : i32
        %and3A_285 = vector.broadcast %and3A_284 : i32 to vector<16xi32>
        %and3A_286 = arith.andi %add3A_283, %and3A_285 : vector<16xi32>
        %shift_right_logical3A_287 = arith.constant 3 : i32
        %shift_right_logical3A_288 = vector.broadcast %shift_right_logical3A_287 : i32 to vector<16xi32>
        %shift_right_logical3A_289 = arith.shrui %and3A_286, %shift_right_logical3A_288 : vector<16xi32>
        %and3A_290 = arith.constant 7 : i32
        %and3A_291 = vector.broadcast %and3A_290 : i32 to vector<16xi32>
        %and3A_292 = arith.andi %and3A_286, %and3A_291 : vector<16xi32>
        %gather3A_293 = tpu.vector_load_idx %arg9[%add3A_16, %and3A_286] : memref<128x128xf32, #tpu.memory_space<vmem>>[vector<16xi32>, vector<16xi32>], vector<16xf32>,
        %mul3A_294 = arith.constant 8.000000e+00 : f32
        %mul3A_295 = vector.broadcast %mul3A_294 : f32 to vector<16xf32>
        %mul3A_296 = arith.mulf %gather3A_293, %mul3A_295 : vector<16xf32>
        tpu.vector_store_idx %arg13[%shift_right_logical3A_289, %and3A_292, %add3A_16], %mul3A_296 : memref<8x8x128xf32, #tpu.memory_space<vmem>>[vector<16xi32>, vector<16xi32>, vector<16xi32>], vector<16xf32>,
        %gather3A_297 = tpu.vector_load_idx %arg9[%add3A_19, %and3A_286] : memref<128x128xf32, #tpu.memory_space<vmem>>[vector<16xi32>, vector<16xi32>], vector<16xf32>,
        %mul3A_298 = arith.constant 8.000000e+00 : f32
        %mul3A_299 = vector.broadcast %mul3A_298 : f32 to vector<16xf32>
        %mul3A_300 = arith.mulf %gather3A_297, %mul3A_299 : vector<16xf32>
        tpu.vector_store_idx %arg13[%shift_right_logical3A_289, %and3A_292, %add3A_19], %mul3A_300 : memref<8x8x128xf32, #tpu.memory_space<vmem>>[vector<16xi32>, vector<16xi32>, vector<16xi32>], vector<16xf32>,
        %gather3A_301 = tpu.vector_load_idx %arg9[%add3A_22, %and3A_286] : memref<128x128xf32, #tpu.memory_space<vmem>>[vector<16xi32>, vector<16xi32>], vector<16xf32>,
        %mul3A_302 = arith.constant 8.000000e+00 : f32
        %mul3A_303 = vector.broadcast %mul3A_302 : f32 to vector<16xf32>
        %mul3A_304 = arith.mulf %gather3A_301, %mul3A_303 : vector<16xf32>
        tpu.vector_store_idx %arg13[%shift_right_logical3A_289, %and3A_292, %add3A_22], %mul3A_304 : memref<8x8x128xf32, #tpu.memory_space<vmem>>[vector<16xi32>, vector<16xi32>, vector<16xi32>], vector<16xf32>,
        %gather3A_305 = tpu.vector_load_idx %arg9[%add3A_25, %and3A_286] : memref<128x128xf32, #tpu.memory_space<vmem>>[vector<16xi32>, vector<16xi32>], vector<16xf32>,
        %mul3A_306 = arith.constant 8.000000e+00 : f32
        %mul3A_307 = vector.broadcast %mul3A_306 : f32 to vector<16xf32>
        %mul3A_308 = arith.mulf %gather3A_305, %mul3A_307 : vector<16xf32>
        tpu.vector_store_idx %arg13[%shift_right_logical3A_289, %and3A_292, %add3A_25], %mul3A_308 : memref<8x8x128xf32, #tpu.memory_space<vmem>>[vector<16xi32>, vector<16xi32>, vector<16xi32>], vector<16xf32>,
        %gather3A_309 = tpu.vector_load_idx %arg9[%add3A_28, %and3A_286] : memref<128x128xf32, #tpu.memory_space<vmem>>[vector<16xi32>, vector<16xi32>], vector<16xf32>,
        %mul3A_310 = arith.constant 8.000000e+00 : f32
        %mul3A_311 = vector.broadcast %mul3A_310 : f32 to vector<16xf32>
        %mul3A_312 = arith.mulf %gather3A_309, %mul3A_311 : vector<16xf32>
        tpu.vector_store_idx %arg13[%shift_right_logical3A_289, %and3A_292, %add3A_28], %mul3A_312 : memref<8x8x128xf32, #tpu.memory_space<vmem>>[vector<16xi32>, vector<16xi32>, vector<16xi32>], vector<16xf32>,
        %gather3A_313 = tpu.vector_load_idx %arg9[%add3A_31, %and3A_286] : memref<128x128xf32, #tpu.memory_space<vmem>>[vector<16xi32>, vector<16xi32>], vector<16xf32>,
        %mul3A_314 = arith.constant 8.000000e+00 : f32
        %mul3A_315 = vector.broadcast %mul3A_314 : f32 to vector<16xf32>
        %mul3A_316 = arith.mulf %gather3A_313, %mul3A_315 : vector<16xf32>
        tpu.vector_store_idx %arg13[%shift_right_logical3A_289, %and3A_292, %add3A_31], %mul3A_316 : memref<8x8x128xf32, #tpu.memory_space<vmem>>[vector<16xi32>, vector<16xi32>, vector<16xi32>], vector<16xf32>,
        %gather3A_317 = tpu.vector_load_idx %arg9[%add3A_34, %and3A_286] : memref<128x128xf32, #tpu.memory_space<vmem>>[vector<16xi32>, vector<16xi32>], vector<16xf32>,
        %mul3A_318 = arith.constant 8.000000e+00 : f32
        %mul3A_319 = vector.broadcast %mul3A_318 : f32 to vector<16xf32>
        %mul3A_320 = arith.mulf %gather3A_317, %mul3A_319 : vector<16xf32>
        tpu.vector_store_idx %arg13[%shift_right_logical3A_289, %and3A_292, %add3A_34], %mul3A_320 : memref<8x8x128xf32, #tpu.memory_space<vmem>>[vector<16xi32>, vector<16xi32>, vector<16xi32>], vector<16xf32>,
        %gather3A_321 = tpu.vector_load_idx %arg9[%add3A_37, %and3A_286] : memref<128x128xf32, #tpu.memory_space<vmem>>[vector<16xi32>, vector<16xi32>], vector<16xf32>,
        %mul3A_322 = arith.constant 8.000000e+00 : f32
        %mul3A_323 = vector.broadcast %mul3A_322 : f32 to vector<16xf32>
        %mul3A_324 = arith.mulf %gather3A_321, %mul3A_323 : vector<16xf32>
        tpu.vector_store_idx %arg13[%shift_right_logical3A_289, %and3A_292, %add3A_37], %mul3A_324 : memref<8x8x128xf32, #tpu.memory_space<vmem>>[vector<16xi32>, vector<16xi32>, vector<16xi32>], vector<16xf32>,
        %scan3A_325 = arith.constant 2 : i32
        %scan3A_326 = arith.addi %scan3A_239, %scan3A_325 : i32
        %add3A_327 = vector.broadcast %scan3A_326 : i32 to vector<16xi32>
        %add3A_328 = arith.addi %add3A_327, %iota3A : vector<16xi32>
        %and3A_329 = arith.constant 63 : i32
        %and3A_330 = vector.broadcast %and3A_329 : i32 to vector<16xi32>
        %and3A_331 = arith.andi %add3A_328, %and3A_330 : vector<16xi32>
        %shift_right_logical3A_332 = arith.constant 3 : i32
        %shift_right_logical3A_333 = vector.broadcast %shift_right_logical3A_332 : i32 to vector<16xi32>
        %shift_right_logical3A_334 = arith.shrui %and3A_331, %shift_right_logical3A_333 : vector<16xi32>
        %and3A_335 = arith.constant 7 : i32
        %and3A_336 = vector.broadcast %and3A_335 : i32 to vector<16xi32>
        %and3A_337 = arith.andi %and3A_331, %and3A_336 : vector<16xi32>
        %gather3A_338 = tpu.vector_load_idx %arg9[%add3A_16, %and3A_331] : memref<128x128xf32, #tpu.memory_space<vmem>>[vector<16xi32>, vector<16xi32>], vector<16xf32>,
        %mul3A_339 = arith.constant 8.000000e+00 : f32
        %mul3A_340 = vector.broadcast %mul3A_339 : f32 to vector<16xf32>
        %mul3A_341 = arith.mulf %gather3A_338, %mul3A_340 : vector<16xf32>
        tpu.vector_store_idx %arg13[%shift_right_logical3A_334, %and3A_337, %add3A_16], %mul3A_341 : memref<8x8x128xf32, #tpu.memory_space<vmem>>[vector<16xi32>, vector<16xi32>, vector<16xi32>], vector<16xf32>,
        %gather3A_342 = tpu.vector_load_idx %arg9[%add3A_19, %and3A_331] : memref<128x128xf32, #tpu.memory_space<vmem>>[vector<16xi32>, vector<16xi32>], vector<16xf32>,
        %mul3A_343 = arith.constant 8.000000e+00 : f32
        %mul3A_344 = vector.broadcast %mul3A_343 : f32 to vector<16xf32>
        %mul3A_345 = arith.mulf %gather3A_342, %mul3A_344 : vector<16xf32>
        tpu.vector_store_idx %arg13[%shift_right_logical3A_334, %and3A_337, %add3A_19], %mul3A_345 : memref<8x8x128xf32, #tpu.memory_space<vmem>>[vector<16xi32>, vector<16xi32>, vector<16xi32>], vector<16xf32>,
        %gather3A_346 = tpu.vector_load_idx %arg9[%add3A_22, %and3A_331] : memref<128x128xf32, #tpu.memory_space<vmem>>[vector<16xi32>, vector<16xi32>], vector<16xf32>,
        %mul3A_347 = arith.constant 8.000000e+00 : f32
        %mul3A_348 = vector.broadcast %mul3A_347 : f32 to vector<16xf32>
        %mul3A_349 = arith.mulf %gather3A_346, %mul3A_348 : vector<16xf32>
        tpu.vector_store_idx %arg13[%shift_right_logical3A_334, %and3A_337, %add3A_22], %mul3A_349 : memref<8x8x128xf32, #tpu.memory_space<vmem>>[vector<16xi32>, vector<16xi32>, vector<16xi32>], vector<16xf32>,
        %gather3A_350 = tpu.vector_load_idx %arg9[%add3A_25, %and3A_331] : memref<128x128xf32, #tpu.memory_space<vmem>>[vector<16xi32>, vector<16xi32>], vector<16xf32>,
        %mul3A_351 = arith.constant 8.000000e+00 : f32
        %mul3A_352 = vector.broadcast %mul3A_351 : f32 to vector<16xf32>
        %mul3A_353 = arith.mulf %gather3A_350, %mul3A_352 : vector<16xf32>
        tpu.vector_store_idx %arg13[%shift_right_logical3A_334, %and3A_337, %add3A_25], %mul3A_353 : memref<8x8x128xf32, #tpu.memory_space<vmem>>[vector<16xi32>, vector<16xi32>, vector<16xi32>], vector<16xf32>,
        %gather3A_354 = tpu.vector_load_idx %arg9[%add3A_28, %and3A_331] : memref<128x128xf32, #tpu.memory_space<vmem>>[vector<16xi32>, vector<16xi32>], vector<16xf32>,
        %mul3A_355 = arith.constant 8.000000e+00 : f32
        %mul3A_356 = vector.broadcast %mul3A_355 : f32 to vector<16xf32>
        %mul3A_357 = arith.mulf %gather3A_354, %mul3A_356 : vector<16xf32>
        tpu.vector_store_idx %arg13[%shift_right_logical3A_334, %and3A_337, %add3A_28], %mul3A_357 : memref<8x8x128xf32, #tpu.memory_space<vmem>>[vector<16xi32>, vector<16xi32>, vector<16xi32>], vector<16xf32>,
        %gather3A_358 = tpu.vector_load_idx %arg9[%add3A_31, %and3A_331] : memref<128x128xf32, #tpu.memory_space<vmem>>[vector<16xi32>, vector<16xi32>], vector<16xf32>,
        %mul3A_359 = arith.constant 8.000000e+00 : f32
        %mul3A_360 = vector.broadcast %mul3A_359 : f32 to vector<16xf32>
        %mul3A_361 = arith.mulf %gather3A_358, %mul3A_360 : vector<16xf32>
        tpu.vector_store_idx %arg13[%shift_right_logical3A_334, %and3A_337, %add3A_31], %mul3A_361 : memref<8x8x128xf32, #tpu.memory_space<vmem>>[vector<16xi32>, vector<16xi32>, vector<16xi32>], vector<16xf32>,
        %gather3A_362 = tpu.vector_load_idx %arg9[%add3A_34, %and3A_331] : memref<128x128xf32, #tpu.memory_space<vmem>>[vector<16xi32>, vector<16xi32>], vector<16xf32>,
        %mul3A_363 = arith.constant 8.000000e+00 : f32
        %mul3A_364 = vector.broadcast %mul3A_363 : f32 to vector<16xf32>
        %mul3A_365 = arith.mulf %gather3A_362, %mul3A_364 : vector<16xf32>
        tpu.vector_store_idx %arg13[%shift_right_logical3A_334, %and3A_337, %add3A_34], %mul3A_365 : memref<8x8x128xf32, #tpu.memory_space<vmem>>[vector<16xi32>, vector<16xi32>, vector<16xi32>], vector<16xf32>,
        %gather3A_366 = tpu.vector_load_idx %arg9[%add3A_37, %and3A_331] : memref<128x128xf32, #tpu.memory_space<vmem>>[vector<16xi32>, vector<16xi32>], vector<16xf32>,
        %mul3A_367 = arith.constant 8.000000e+00 : f32
        %mul3A_368 = vector.broadcast %mul3A_367 : f32 to vector<16xf32>
        %mul3A_369 = arith.mulf %gather3A_366, %mul3A_368 : vector<16xf32>
        tpu.vector_store_idx %arg13[%shift_right_logical3A_334, %and3A_337, %add3A_37], %mul3A_369 : memref<8x8x128xf32, #tpu.memory_space<vmem>>[vector<16xi32>, vector<16xi32>, vector<16xi32>], vector<16xf32>,
        %scan3A_370 = arith.constant 3 : i32
        %scan3A_371 = arith.addi %scan3A_239, %scan3A_370 : i32
        %add3A_372 = vector.broadcast %scan3A_371 : i32 to vector<16xi32>
        %add3A_373 = arith.addi %add3A_372, %iota3A : vector<16xi32>
        %and3A_374 = arith.constant 63 : i32
        %and3A_375 = vector.broadcast %and3A_374 : i32 to vector<16xi32>
        %and3A_376 = arith.andi %add3A_373, %and3A_375 : vector<16xi32>
        %shift_right_logical3A_377 = arith.constant 3 : i32
        %shift_right_logical3A_378 = vector.broadcast %shift_right_logical3A_377 : i32 to vector<16xi32>
        %shift_right_logical3A_379 = arith.shrui %and3A_376, %shift_right_logical3A_378 : vector<16xi32>
        %and3A_380 = arith.constant 7 : i32
        %and3A_381 = vector.broadcast %and3A_380 : i32 to vector<16xi32>
        %and3A_382 = arith.andi %and3A_376, %and3A_381 : vector<16xi32>
        %gather3A_383 = tpu.vector_load_idx %arg9[%add3A_16, %and3A_376] : memref<128x128xf32, #tpu.memory_space<vmem>>[vector<16xi32>, vector<16xi32>], vector<16xf32>,
        %mul3A_384 = arith.constant 8.000000e+00 : f32
        %mul3A_385 = vector.broadcast %mul3A_384 : f32 to vector<16xf32>
        %mul3A_386 = arith.mulf %gather3A_383, %mul3A_385 : vector<16xf32>
        tpu.vector_store_idx %arg13[%shift_right_logical3A_379, %and3A_382, %add3A_16], %mul3A_386 : memref<8x8x128xf32, #tpu.memory_space<vmem>>[vector<16xi32>, vector<16xi32>, vector<16xi32>], vector<16xf32>,
        %gather3A_387 = tpu.vector_load_idx %arg9[%add3A_19, %and3A_376] : memref<128x128xf32, #tpu.memory_space<vmem>>[vector<16xi32>, vector<16xi32>], vector<16xf32>,
        %mul3A_388 = arith.constant 8.000000e+00 : f32
        %mul3A_389 = vector.broadcast %mul3A_388 : f32 to vector<16xf32>
        %mul3A_390 = arith.mulf %gather3A_387, %mul3A_389 : vector<16xf32>
        tpu.vector_store_idx %arg13[%shift_right_logical3A_379, %and3A_382, %add3A_19], %mul3A_390 : memref<8x8x128xf32, #tpu.memory_space<vmem>>[vector<16xi32>, vector<16xi32>, vector<16xi32>], vector<16xf32>,
        %gather3A_391 = tpu.vector_load_idx %arg9[%add3A_22, %and3A_376] : memref<128x128xf32, #tpu.memory_space<vmem>>[vector<16xi32>, vector<16xi32>], vector<16xf32>,
        %mul3A_392 = arith.constant 8.000000e+00 : f32
        %mul3A_393 = vector.broadcast %mul3A_392 : f32 to vector<16xf32>
        %mul3A_394 = arith.mulf %gather3A_391, %mul3A_393 : vector<16xf32>
        tpu.vector_store_idx %arg13[%shift_right_logical3A_379, %and3A_382, %add3A_22], %mul3A_394 : memref<8x8x128xf32, #tpu.memory_space<vmem>>[vector<16xi32>, vector<16xi32>, vector<16xi32>], vector<16xf32>,
        %gather3A_395 = tpu.vector_load_idx %arg9[%add3A_25, %and3A_376] : memref<128x128xf32, #tpu.memory_space<vmem>>[vector<16xi32>, vector<16xi32>], vector<16xf32>,
        %mul3A_396 = arith.constant 8.000000e+00 : f32
        %mul3A_397 = vector.broadcast %mul3A_396 : f32 to vector<16xf32>
        %mul3A_398 = arith.mulf %gather3A_395, %mul3A_397 : vector<16xf32>
        tpu.vector_store_idx %arg13[%shift_right_logical3A_379, %and3A_382, %add3A_25], %mul3A_398 : memref<8x8x128xf32, #tpu.memory_space<vmem>>[vector<16xi32>, vector<16xi32>, vector<16xi32>], vector<16xf32>,
        %gather3A_399 = tpu.vector_load_idx %arg9[%add3A_28, %and3A_376] : memref<128x128xf32, #tpu.memory_space<vmem>>[vector<16xi32>, vector<16xi32>], vector<16xf32>,
        %mul3A_400 = arith.constant 8.000000e+00 : f32
        %mul3A_401 = vector.broadcast %mul3A_400 : f32 to vector<16xf32>
        %mul3A_402 = arith.mulf %gather3A_399, %mul3A_401 : vector<16xf32>
        tpu.vector_store_idx %arg13[%shift_right_logical3A_379, %and3A_382, %add3A_28], %mul3A_402 : memref<8x8x128xf32, #tpu.memory_space<vmem>>[vector<16xi32>, vector<16xi32>, vector<16xi32>], vector<16xf32>,
        %gather3A_403 = tpu.vector_load_idx %arg9[%add3A_31, %and3A_376] : memref<128x128xf32, #tpu.memory_space<vmem>>[vector<16xi32>, vector<16xi32>], vector<16xf32>,
        %mul3A_404 = arith.constant 8.000000e+00 : f32
        %mul3A_405 = vector.broadcast %mul3A_404 : f32 to vector<16xf32>
        %mul3A_406 = arith.mulf %gather3A_403, %mul3A_405 : vector<16xf32>
        tpu.vector_store_idx %arg13[%shift_right_logical3A_379, %and3A_382, %add3A_31], %mul3A_406 : memref<8x8x128xf32, #tpu.memory_space<vmem>>[vector<16xi32>, vector<16xi32>, vector<16xi32>], vector<16xf32>,
        %gather3A_407 = tpu.vector_load_idx %arg9[%add3A_34, %and3A_376] : memref<128x128xf32, #tpu.memory_space<vmem>>[vector<16xi32>, vector<16xi32>], vector<16xf32>,
        %mul3A_408 = arith.constant 8.000000e+00 : f32
        %mul3A_409 = vector.broadcast %mul3A_408 : f32 to vector<16xf32>
        %mul3A_410 = arith.mulf %gather3A_407, %mul3A_409 : vector<16xf32>
        tpu.vector_store_idx %arg13[%shift_right_logical3A_379, %and3A_382, %add3A_34], %mul3A_410 : memref<8x8x128xf32, #tpu.memory_space<vmem>>[vector<16xi32>, vector<16xi32>, vector<16xi32>], vector<16xf32>,
        %gather3A_411 = tpu.vector_load_idx %arg9[%add3A_37, %and3A_376] : memref<128x128xf32, #tpu.memory_space<vmem>>[vector<16xi32>, vector<16xi32>], vector<16xf32>,
        %mul3A_412 = arith.constant 8.000000e+00 : f32
        %mul3A_413 = vector.broadcast %mul3A_412 : f32 to vector<16xf32>
        %mul3A_414 = arith.mulf %gather3A_411, %mul3A_413 : vector<16xf32>
        tpu.vector_store_idx %arg13[%shift_right_logical3A_379, %and3A_382, %add3A_37], %mul3A_414 : memref<8x8x128xf32, #tpu.memory_space<vmem>>[vector<16xi32>, vector<16xi32>, vector<16xi32>], vector<16xf32>,
      }
      %scan3A_221 = arith.constant 64 : i32
      %dma_start3A_222 = arith.constant 0 : i32
      %dma_start3A_223 = arith.constant 0 : i32
      %dma_start3A_224 = arith.constant 0 : i32
      %dma_start3A_225 = tpu.memref_slice %arg4[%add3A_204, %dma_start3A_222, %add3A, %dma_start3A_223, %dma_start3A_224] : memref<200x8x32x8x128xf32, #tpu.memory_space<hbm>> -> memref<1x8x1x8x128xf32, #tpu.memory_space<hbm>>
      %dma_start3A_226 = tpu.memref_squeeze %dma_start3A_225 : memref<1x8x1x8x128xf32, #tpu.memory_space<hbm>> -> memref<8x8x128xf32, #tpu.memory_space<hbm>>
      %dma_start3A_227 = arith.constant 0 : i32
      %dma_start3A_228 = arith.constant 0 : i32
      %dma_start3A_229 = arith.constant 0 : i32
      %dma_start3A_230 = tpu.memref_slice %arg4[%add3A_204, %dma_start3A_227, %add3A, %dma_start3A_228, %dma_start3A_229] : memref<200x8x32x8x128xf32, #tpu.memory_space<hbm>> -> memref<1x8x1x8x128xf32, #tpu.memory_space<hbm>>
      %dma_start3A_231 = tpu.memref_squeeze %dma_start3A_230 : memref<1x8x1x8x128xf32, #tpu.memory_space<hbm>> -> memref<8x8x128xf32, #tpu.memory_space<hbm>>
      tpu.enqueue_dma source(%arg13 : memref<8x8x128xf32, #tpu.memory_space<vmem>>) target(%dma_start3A_231 : memref<8x8x128xf32, #tpu.memory_space<hbm>>) target_semaphore(%arg21 : memref<!tpu.dma_semaphore, #tpu.memory_space<semaphore_mem>>)
      %add3A_232 = arith.constant 2 : i32
      %add3A_233 = arith.addi %add3A_204, %add3A_232 : i32
      %lt3A_234 = arith.constant 200 : i32
      %lt3A_235 = arith.cmpi slt, %add3A_233, %lt3A_234 : i32
      %convert_element_type3A_236 = arith.extui %lt3A_235 : i1 to i32
      %cond3A_237 = arith.constant 0 : i32
      %cond3A_238 = arith.cmpi ne, %convert_element_type3A_236, %cond3A_237 : i32
      scf.if %cond3A_238 {
        %add3A_239 = arith.constant 2 : i32
        %add3A_240 = arith.addi %add3A_204, %add3A_239 : i32
        %dma_start3A_241 = arith.constant 0 : i32
        %dma_start3A_242 = tpu.memref_slice %arg5[%add3A_240, %dma_start3A_241] : memref<200x128xi32, #tpu.memory_space<vmem>> -> memref<1x128xi32, #tpu.memory_space<vmem>>
        %dma_start3A_243 = tpu.memref_squeeze %dma_start3A_242 : memref<1x128xi32, #tpu.memory_space<vmem>> -> memref<128xi32, #tpu.memory_space<vmem>>
        %dma_start3A_244 = arith.constant 0 : i32
        %dma_start3A_245 = arith.constant 0 : i32
        %dma_start3A_246 = tpu.memref_slice %arg3[%dma_start3A_244, %dma_start3A_245] : memref<1000000x128xf32, #tpu.memory_space<hbm>> -> memref<1000000x128xf32, #tpu.memory_space<hbm>>
        tpu.enqueue_indirect_dma source(%dma_start3A_246 : memref<1000000x128xf32, #tpu.memory_space<hbm>>) target(%arg7 : memref<128x128xf32, #tpu.memory_space<vmem>>) offsets(%dma_start3A_243 : memref<128xi32, #tpu.memory_space<vmem>>) semaphore(%arg15 : memref<!tpu.dma_semaphore, #tpu.memory_space<semaphore_mem>>)
      } else {
      }
    }
    %scan3A_42 = arith.constant 50 : i32
    %dma_wait3A = arith.constant 0 : i32
    %dma_wait3A_43 = arith.constant 0 : i32
    %dma_wait3A_44 = arith.constant 0 : i32
    %dma_wait3A_45 = arith.constant 0 : i32
    %dma_wait3A_46 = arith.constant 0 : i32
    %dma_wait3A_47 = tpu.memref_slice %arg4[%dma_wait3A, %dma_wait3A_44, %dma_wait3A_43, %dma_wait3A_45, %dma_wait3A_46] : memref<200x8x32x8x128xf32, #tpu.memory_space<hbm>> -> memref<1x8x1x8x128xf32, #tpu.memory_space<hbm>>
    %dma_wait3A_48 = tpu.memref_squeeze %dma_wait3A_47 : memref<1x8x1x8x128xf32, #tpu.memory_space<hbm>> -> memref<8x8x128xf32, #tpu.memory_space<hbm>>
    %dma_wait3A_49 = arith.constant 0 : i32
    %dma_wait3A_50 = arith.constant 0 : i32
    %dma_wait3A_51 = arith.constant 0 : i32
    %dma_wait3A_52 = tpu.memref_slice %arg4[%dma_wait3A, %dma_wait3A_49, %dma_wait3A_43, %dma_wait3A_50, %dma_wait3A_51] : memref<200x8x32x8x128xf32, #tpu.memory_space<hbm>> -> memref<1x8x1x8x128xf32, #tpu.memory_space<hbm>>
    %dma_wait3A_53 = tpu.memref_squeeze %dma_wait3A_52 : memref<1x8x1x8x128xf32, #tpu.memory_space<hbm>> -> memref<8x8x128xf32, #tpu.memory_space<hbm>>
    tpu.wait_dma2 semaphore(%arg18 : memref<!tpu.dma_semaphore, #tpu.memory_space<semaphore_mem>>) src(%arg10 : memref<8x8x128xf32, #tpu.memory_space<vmem>>) dst(%dma_wait3A_53 : memref<8x8x128xf32, #tpu.memory_space<hbm>>)
    %dma_wait3A_54 = arith.constant 0 : i32
    %dma_wait3A_55 = arith.constant 0 : i32
    %dma_wait3A_56 = arith.constant 0 : i32
    %dma_wait3A_57 = arith.constant 0 : i32
    %dma_wait3A_58 = arith.constant 0 : i32
    %dma_wait3A_59 = tpu.memref_slice %arg4[%dma_wait3A_54, %dma_wait3A_56, %dma_wait3A_55, %dma_wait3A_57, %dma_wait3A_58] : memref<200x8x32x8x128xf32, #tpu.memory_space<hbm>> -> memref<1x8x1x8x128xf32, #tpu.memory_space<hbm>>
    %dma_wait3A_60 = tpu.memref_squeeze %dma_wait3A_59 : memref<1x8x1x8x128xf32, #tpu.memory_space<hbm>> -> memref<8x8x128xf32, #tpu.memory_space<hbm>>
    %dma_wait3A_61 = arith.constant 0 : i32
    %dma_wait3A_62 = arith.constant 0 : i32
    %dma_wait3A_63 = arith.constant 0 : i32
    %dma_wait3A_64 = tpu.memref_slice %arg4[%dma_wait3A_54, %dma_wait3A_61, %dma_wait3A_55, %dma_wait3A_62, %dma_wait3A_63] : memref<200x8x32x8x128xf32, #tpu.memory_space<hbm>> -> memref<1x8x1x8x128xf32, #tpu.memory_space<hbm>>
    %dma_wait3A_65 = tpu.memref_squeeze %dma_wait3A_64 : memref<1x8x1x8x128xf32, #tpu.memory_space<hbm>> -> memref<8x8x128xf32, #tpu.memory_space<hbm>>
    tpu.wait_dma2 semaphore(%arg19 : memref<!tpu.dma_semaphore, #tpu.memory_space<semaphore_mem>>) src(%arg11 : memref<8x8x128xf32, #tpu.memory_space<vmem>>) dst(%dma_wait3A_65 : memref<8x8x128xf32, #tpu.memory_space<hbm>>)
    %dma_wait3A_66 = arith.constant 0 : i32
    %dma_wait3A_67 = arith.constant 0 : i32
    %dma_wait3A_68 = arith.constant 0 : i32
    %dma_wait3A_69 = arith.constant 0 : i32
    %dma_wait3A_70 = arith.constant 0 : i32
    %dma_wait3A_71 = tpu.memref_slice %arg4[%dma_wait3A_66, %dma_wait3A_68, %dma_wait3A_67, %dma_wait3A_69, %dma_wait3A_70] : memref<200x8x32x8x128xf32, #tpu.memory_space<hbm>> -> memref<1x8x1x8x128xf32, #tpu.memory_space<hbm>>
    %dma_wait3A_72 = tpu.memref_squeeze %dma_wait3A_71 : memref<1x8x1x8x128xf32, #tpu.memory_space<hbm>> -> memref<8x8x128xf32, #tpu.memory_space<hbm>>
    %dma_wait3A_73 = arith.constant 0 : i32
    %dma_wait3A_74 = arith.constant 0 : i32
    %dma_wait3A_75 = arith.constant 0 : i32
    %dma_wait3A_76 = tpu.memref_slice %arg4[%dma_wait3A_66, %dma_wait3A_73, %dma_wait3A_67, %dma_wait3A_74, %dma_wait3A_75] : memref<200x8x32x8x128xf32, #tpu.memory_space<hbm>> -> memref<1x8x1x8x128xf32, #tpu.memory_space<hbm>>
    %dma_wait3A_77 = tpu.memref_squeeze %dma_wait3A_76 : memref<1x8x1x8x128xf32, #tpu.memory_space<hbm>> -> memref<8x8x128xf32, #tpu.memory_space<hbm>>
    tpu.wait_dma2 semaphore(%arg20 : memref<!tpu.dma_semaphore, #tpu.memory_space<semaphore_mem>>) src(%arg12 : memref<8x8x128xf32, #tpu.memory_space<vmem>>) dst(%dma_wait3A_77 : memref<8x8x128xf32, #tpu.memory_space<hbm>>)
    %dma_wait3A_78 = arith.constant 0 : i32
    %dma_wait3A_79 = arith.constant 0 : i32
    %dma_wait3A_80 = arith.constant 0 : i32
    %dma_wait3A_81 = arith.constant 0 : i32
    %dma_wait3A_82 = arith.constant 0 : i32
    %dma_wait3A_83 = tpu.memref_slice %arg4[%dma_wait3A_78, %dma_wait3A_80, %dma_wait3A_79, %dma_wait3A_81, %dma_wait3A_82] : memref<200x8x32x8x128xf32, #tpu.memory_space<hbm>> -> memref<1x8x1x8x128xf32, #tpu.memory_space<hbm>>
    %dma_wait3A_84 = tpu.memref_squeeze %dma_wait3A_83 : memref<1x8x1x8x128xf32, #tpu.memory_space<hbm>> -> memref<8x8x128xf32, #tpu.memory_space<hbm>>
    %dma_wait3A_85 = arith.constant 0 : i32
    %dma_wait3A_86 = arith.constant 0 : i32
    %dma_wait3A_87 = arith.constant 0 : i32
    %dma_wait3A_88 = tpu.memref_slice %arg4[%dma_wait3A_78, %dma_wait3A_85, %dma_wait3A_79, %dma_wait3A_86, %dma_wait3A_87] : memref<200x8x32x8x128xf32, #tpu.memory_space<hbm>> -> memref<1x8x1x8x128xf32, #tpu.memory_space<hbm>>
    %dma_wait3A_89 = tpu.memref_squeeze %dma_wait3A_88 : memref<1x8x1x8x128xf32, #tpu.memory_space<hbm>> -> memref<8x8x128xf32, #tpu.memory_space<hbm>>
    tpu.wait_dma2 semaphore(%arg21 : memref<!tpu.dma_semaphore, #tpu.memory_space<semaphore_mem>>) src(%arg13 : memref<8x8x128xf32, #tpu.memory_space<vmem>>) dst(%dma_wait3A_89 : memref<8x8x128xf32, #tpu.memory_space<hbm>>)
    return
  }
}

</mosaic_0001>

<sc_bundles>
// kernel: kernel.3.cloned.1.call-start
scs
__scs_entry_jumppad:
0x0: {  	(pc) =	sbr.rel $0x88, $3  }
0x1: {  	(tag) =	ssettag $0x0;
	lr =	simm.s32 $0x1  }
0x2: {  	[smem:$0x3F9F] =	sst lr;
	_ =	strace $0xD0000000  }
0x3: {  	_ = 	snop  }
0x4: {  	_ = 	snop  }
0x5: {  	_ = 	snop  }
0x6: {  	_ = 	snop  }
0x7: {  	_ = 	snop  }
__scs_overlays_trampoline_lowered:
0x8: {  	[smem:$0x3FAE] =	sst s0  }
0x9: {  	[smem:$0x3FAF] =	sst s1  }
0xa: {  	[smem:$0x3FB0] =	sst s2  }
0xb: {  	[smem:$0x3FB1] =	sst s3  }
0xc: {  	[smem:$0x3FB2] =	sst s4  }
0xd: {  	[smem:$0x3FB3] =	sst s5  }
0xe: {  	[smem:$0x3FB4] =	sst s6  }
0xf: {  	[smem:$0x3FB5] =	sst s7  }
0x10: {  	[smem:$0x3FB6] =	sst s8  }
0x11: {  	[smem:$0x3FB7] =	sst s9;
	s0 =	simm.s32 @!p0 $0x0  }
0x12: {  	s1 =	sld [smem:$0x3F9D];
	s0 =	simm.s32 @p0 $0x1  }
0x13: {  	[smem:$0x3FB8] =	sst s0;
	s0 =	simm.s32 @!p1 $0x0  }
0x14: {  	s2 =	sld [smem:$0x3F9C];
	s0 =	simm.s32 @p1 $0x1  }
0x15: {  	[smem:$0x3FB9] =	sst s0;
	s0 =	simm.s32 @!p2 $0x0  }
0x16: {  	s3 =	sld [smem:$0x3FDB];
	s0 =	simm.s32 @p2 $0x1  }
0x17: {  	s4 =	simm.s32 $0x1BF5;
	[smem:$0x3FBB] =	sst s0  }
0x18: {  	s0 =	sld [smem:$0x3F9E];
	_ =	swait.ge [sflag:s4], $0x0  }
0x19: {  	s7 =	sld [smem:$0x3F9F]  }
0x1a: {  	s8 =	sadd.s32 $0xFFFFE003, lr  }
0x1b: {  	s9 =	sadd.s32 $0xFFFFFEF7, lr;
	s5 =	simm.s32 $0xFFFFFFFF;
	p2 =	slt.u32 s8, $0xFFFFF086  }
0x1c: {  	p1 =	slt.u32 s9, $0xF7A;
	s5 =	simm.s32 @!p2 $0x0  }
0x1d: {  	s5 =	simm.s32 @p1 $0x1;
	p0 =	seq.s32 s7, s2  }
0x1e: {  	s7 =	smul.u32 @!p0 $0xF7A, s2;
	p2 =	seq.s32 @!p0 s5, $0x0  }
0x1f: {  	s9 =	smul.u32 $0xF7A, s1;
	s8 =	simm.s32 @!p0 $0x1BF5;
	p2 =	por !p2, p0  }
0x20: {  	[sflag:s8] =	ssyncset.s32 @!p0 $0xFFFFF086;
	s6 =	sadd.s32 @!p0 s3, s7;
	s7 =	simm.s32 @!p0 $0x108  }
0x21: {  	s3 =	sadd.s32 s3, s9;
	s6 =	sadd.s32 @!p0 $0x88, s6;
	s7 =	simm.s32 @p2 $0x1082  }
0x22: {  	[simem:s7], [sflag:s8] =	dma.local @!p0 [hbm:s6], $0xF7A  }
0x23: {  	s9 =	sor.u32 $0xD0000000, s2;
	s6 =	simm.s32 $0x108;
	_ =	swait.ge @!p0 [sflag:s8], $0x0  }
0x24: {  	s3 =	sadd.s32 $0x88, s3;
	s6 =	simm.s32 @!p1 $0x1082;
	[sflag:s4] =	ssyncset.s32 $0xFFFFF086  }
0x25: {  	[simem:s6], [sflag:s4] =	dma.local [hbm:s3], $0xF7A  }
0x26: {  	[smem:$0x3F9F] =	sst s1;
	(tag) =	ssettag s2;
	_ =	strace s9  }
0x27: {  	s1 =	sld [smem:$0x3FAF]  }
0x28: {  	s2 =	sld [smem:$0x3FB0]  }
0x29: {  	s4 =	sld [smem:$0x3FB2]  }
0x2a: {  	p0 =	seq.s32 s5, $0x0;
	s5 =	sld [smem:$0x3FB3]  }
0x2b: {  	s6 =	sld [smem:$0x3FB4]  }
0x2c: {  	s7 =	sld [smem:$0x3FB5]  }
0x2d: {  	s3 =	simm.s32 $0x108;
	s8 =	sld [smem:$0x3FB6]  }
0x2e: {  	s3 =	simm.s32 @!p0 $0x1082;
	s9 =	sld [smem:$0x3FB7]  }
0x2f: {  	lr =	sadd.s32 s0, s3;
	s0 =	sld [smem:$0x3FAE]  }
0x30: {  	s3 =	sld [smem:$0x3FB1]  }
0x31: {  	[smem:$0x3FBA] =	sst s10  }
0x32: {  	s10 =	sld [smem:$0x3FB8];
	_ =	sdelay $0x3  }
0x33: {  	p0 =	seq.s32 s10, $0x1;
	s10 =	sld [smem:$0x3FBA];
	_ =	sdelay $0x3  }
0x34: {  	[smem:$0x3FBA] =	sst s10  }
0x35: {  	s10 =	sld [smem:$0x3FB9];
	_ =	sdelay $0x3  }
0x36: {  	p1 =	seq.s32 s10, $0x1;
	s10 =	sld [smem:$0x3FBA];
	_ =	sdelay $0x3  }
0x37: {  	[smem:$0x3FBA] =	sst s10  }
0x38: {  	s10 =	sld [smem:$0x3FBB]  }
0x39: {  	_ = 	snop;
	(pc) =	sbr.ind lr, $3  }
0x3a: {  	_ = 	snop  }
0x3b: {  	_ = 	snop  }
0x3c: {  	p2 =	seq.s32 s10, $0x1;
	s10 =	sld [smem:$0x3FBA]  }
0x3d: {  	_ =	shalt  }
0x3e: {  	_ =	shalt  }
0x3f: {  	_ =	shalt  }
0x40: {  	_ =	shalt  }
0x41: {  	_ =	shalt  }
0x42: {  	_ =	shalt  }
0x43: {  	_ =	shalt  }
0x44: {  	_ =	shalt  }
0x45: {  	_ =	shalt  }
0x46: {  	_ =	shalt  }
0x47: {  	_ =	shalt  }
0x48: {  	_ =	shalt  }
0x49: {  	_ =	shalt  }
0x4a: {  	_ =	shalt  }
0x4b: {  	_ =	shalt  }
0x4c: {  	_ =	shalt  }
0x4d: {  	_ =	shalt  }
0x4e: {  	_ =	shalt  }
0x4f: {  	_ =	shalt  }
0x50: {  	_ =	shalt  }
0x51: {  	_ =	shalt  }
0x52: {  	_ =	shalt  }
0x53: {  	_ =	shalt  }
0x54: {  	_ =	shalt  }
0x55: {  	_ =	shalt  }
0x56: {  	_ =	shalt  }
0x57: {  	_ =	shalt  }
0x58: {  	_ =	shalt  }
0x59: {  	_ =	shalt  }
0x5a: {  	_ =	shalt  }
0x5b: {  	_ =	shalt  }
0x5c: {  	_ =	shalt  }
0x5d: {  	_ =	shalt  }
0x5e: {  	_ =	shalt  }
0x5f: {  	_ =	shalt  }
0x60: {  	_ =	shalt  }
0x61: {  	_ =	shalt  }
0x62: {  	_ =	shalt  }
0x63: {  	_ =	shalt  }
0x64: {  	_ =	shalt  }
0x65: {  	_ =	shalt  }
0x66: {  	_ =	shalt  }
0x67: {  	_ =	shalt  }
0x68: {  	_ =	shalt  }
0x69: {  	_ =	shalt  }
0x6a: {  	_ =	shalt  }
0x6b: {  	_ =	shalt  }
0x6c: {  	_ =	shalt  }
0x6d: {  	_ =	shalt  }
0x6e: {  	_ =	shalt  }
0x6f: {  	_ =	shalt  }
0x70: {  	_ =	shalt  }
0x71: {  	_ =	shalt  }
0x72: {  	_ =	shalt  }
0x73: {  	_ =	shalt  }
0x74: {  	_ =	shalt  }
0x75: {  	_ =	shalt  }
0x76: {  	_ =	shalt  }
0x77: {  	_ =	shalt  }
0x78: {  	_ =	shalt  }
0x79: {  	_ =	shalt  }
0x7a: {  	_ =	shalt  }
0x7b: {  	_ =	shalt  }
0x7c: {  	_ =	shalt  }
0x7d: {  	_ =	shalt  }
0x7e: {  	_ =	shalt  }
0x7f: {  	_ =	shalt  }
0x80: {  	_ =	shalt  }
0x81: {  	_ =	shalt  }
0x82: {  	_ =	shalt  }
0x83: {  	_ =	shalt  }
0x84: {  	_ =	shalt  }
0x85: {  	_ =	shalt  }
0x86: {  	_ =	shalt  }
0x87: {  	_ =	shalt  }
.Lfunc_end0:
.L_simem_size_0:
called_computation_lowered:
.L_overlay_start_0:
0x88: {  	s2 =	sld [smem:$0x3FD9]  }
0x89: {  	s3 =	sld [smem:$0x3FFE];
	_ =	sdelay $0x1  }
0x8a: {  	s1 =	srdreg.scid  }
0x8b: {  	s0 =	sand.u32 $0x1, s1  }
0x8c: {  	s17 =	sshll.u32 s0, $0xA;
	s2 =	sadd.s32 s3, s2  }
0x8d: {  	s2 =	sadd.s32 s2, s17  }
0x8e: {  	[smem:$0x3FC6] =	sst s2  }
0x8f: {  	_ = 	snop  }
0x90: {  	s2 =	sld [smem:$0x3FD0];
	(tm) =	ssettm $0x1  }
0x91: {  	s18 =	sld [smem:$0x3FFB];
	_ =	sdelay $0x3  }
0x92: {  	_ =	strace s18  }
0x93: {  	s3 =	sld [smem:$0x3FFC];
	_ =	sdelay $0x3  }
0x94: {  	_ =	strace s3  }
0x95: {  	s3 =	sld [smem:$0x3FFD];
	_ =	sdelay $0x3  }
0x96: {  	_ =	strace s3  }
0x97: {  	_ =	strace $0x8FFFFFFF  }
0x98: {  	s19 =	sld [smem:$0x3FDB];
	_ =	sdelay $0x1  }
0x99: {  	s4 =	simm.s32 $_scs_section_size  }
0x9a: {  	s5 =	simm.s32 $_size__tile_overlayer_lowered;
	s6 =	simm.s32 $_tile_overlayer_lowered  }
0x9b: {  	s22 =	simm.s32 $0x1BFF;
	s21 =	sshll.u32 s6, $0x1;
	s3 =	sadd.s32 s4, s19  }
0x9c: {  	s7 =	simm.s32 $0x0;
	s20 =	sshll.u32 s5, $0x1;
	s5 =	sadd.s32 s21, s3  }
0x9d: {  	[timem:s7], [sflag:s22] =	dma.local [hbm:s5], s20  }
0x9e: {  	_ =	swait.ge [sflag:s22], s20  }
0x9f: {  	s4 =	ssub.s32 $0x0, s20;
	[sflag:s22] =	ssyncset.done $0x0  }
0xa0: {  	[sflag:s22] =	ssyncadd.s32 s4;
	_ =	sdelay $0x1  }
0xa1: {  	s23 =	simm.s32 $0x1B8B  }
0xa2: {  	_ =	swait.ge [sflag:s23], $0x1  }
0xa3: {  	[sflag:s23] =	ssyncset.done $0x0  }
0xa4: {  	s25 =	simm.s32 $0x1B8E;
	s24 =	sld [smem:$0x3FFE];
	[sflag:s23] =	ssyncadd.s32 $0xFFFFFFFF  }
0xa5: {  	s26 =	simm.s32 $execute0_lowered;
	[smem:$0x3FD2] =	sst s25  }
0xa6: {  	s5 =	sshll.u32 s26, $0x1;
	_ =	strace $0x80000046;
	[dreg:$0x1] =	wrdreg $0xFFFFFFFF  }
0xa7: {  	s28 =	simm.s32 $_size_execute0_lowered;
	s3 =	sadd.s32 s3, s5;
	[dreg:$0x0] =	wrdreg $0x0  }
0xa8: {  	s5 =	sshll.u32 s28, $0x1;
	[dreg:$0x2] =	wrdreg s3  }
0xa9: {  	[dreg:$0x3] =	wrdreg s5  }
0xaa: {  	[dreg:$0x4] =	wrdreg $0xC0  }
0xab: {  	_ =	task [dreg:s7], $0x5FFFF  }
0xac: {  	[dreg:$0x1] =	wrdreg $0xFFFFFFFF  }
0xad: {  	[dreg:$0x0] =	wrdreg $0x60  }
0xae: {  	[dreg:$0x2] =	wrdreg s24  }
0xaf: {  	[dreg:$0x3] =	wrdreg s2  }
0xb0: {  	[dreg:$0x4] =	wrdreg $0x9  }
0xb1: {  	_ =	task.clear_ibuf [dreg:s7], $0x5FFFF;
	_ =	strace $0x90000046  }
0xb2: {  	s29 =	simm.s32 $0x9;
	_ =	strace $0x80000048  }
0xb3: {  	_ =	swait.ge [sflag:s29], $0x1  }
0xb4: {  	[sflag:s29] =	ssyncadd.s32 $0xFFFFFFFF  }
0xb5: {  	_ =	strace $0x90000048  }
0xb6: {  	_ =	sfence  }
0xb7: {  	s30 =	sld [smem:$0x0];
	_ =	sdelay $0x2  }
0xb8: {  	s31 =	sshll.u32 s1, $0xD;
	s1 =	sshrl.u32 s1, $0x2  }
0xb9: {  	s3 =	sand.u32 $0x4000, s31;
	s1 =	sadd.s32 s1, s30  }
0xba: {  	s0 =	sor.u32 s3, s0;
	s1 =	sshll.u32 s1, $0x11  }
0xbb: {  	s0 =	sor.u32 s1, s0  }
0xbc: {  	s0 =	sadd.s32 $0x8F2B, s0  }
0xbd: {  	[sflag:s0] =	ssyncadd.remote.s32 $0x1  }
0xbe: {  	_ =	sfence.sel $0xFFFF  }
0xbf: {  	[dreg:$0x0] =	wrdreg $0xFFFFFFFF;
	(pc) =	sbr.abs _section_cstart, $3  }
0xc0: {  	[dreg:$0x1] =	wrdreg $0xFFFFFFFF  }
0xc1: {  	_ =	task.clear_ibuf [dreg:s7], $0x2FFFF;
	_ =	strace $0x9FFFFFFF  }
0xc2: {  	(tm) =	ssettm $0x7FFFFFFF  }
0xc3: {  	_ =	shalt  }
tec
execute0_lowered:
.L_overlay_start_1:
0x0: {  	(tag) =	ssettag $0x1  }
0x1: {  	s0 =	srdreg.scid  }
0x2: {  	s2 =	stileid.u32;
	s1 =	rddreg [dreg:$0x0]  }
0x3: {  	s5 =	simm.s32 $0x0;
	s10 =	simm.s32 $0x80;
	s11 =	simm.s32 $0x6400  }
0x4: {  	s12 =	simm.s32 $0xA400;
	s13 =	simm.s32 $0x1;
	s14 =	simm.s32 $0x16400  }
0x5: {  	s15 =	simm.s32 $0x400;
	s16 =	simm.s32 $0x8000;
	s17 =	simm.s32 $0xE400  }
0x6: {  	s18 =	simm.s32 $0x2;
	s19 =	simm.s32 $0x18400;
	s20 =	simm.s32 $0x12400  }
0x7: {  	s21 =	simm.s32 $0x3;
	s22 =	simm.s32 $0x1A400;
	s23 =	simm.s32 $0x4  }
0x8: {  	s24 =	simm.s32 $0x1C400;
	s0 =	sand.u32 $0x1, s0;
	s3 =	sshll.u32 s2, $0x1  }
0x9: {  	s28 =	simm.s32 $0x7;
	s29 =	simm.s32 $0x8;
	s3 =	sor.u32 s0, s3  }
0xa: {  	v0 =	vlaneseq.u32;
	s30 =	simm.s32 $0x0;
	s0 =	ssub.s32 $0x2, s0;
	s4 =	smul.u32 $0xC80, s3  }
.Ltmp0:
0xb: {  	[smem:$0x7FF] =	sst s5;
	v1 =	vmul.u32 $0x80, v0;
	v3 =	vor.u32 $0x10, v0;
	v5 =	vor.u32 $0x20, v0;
	s6 =	sshrl.u32 s0, $0x1;
	(pc) =	sbr.rel .LBB2_1-.Ltmp0, $4  }
0xc: {  	s2 =	rddreg [dreg:$0x1];
	v7 =	vor.u32 $0x30, v0;
	v9 =	vor.u32 $0x40, v0;
	v11 =	vor.u32 $0x50, v0;
	_ =	strace $0x80000047;
	s0 =	ssub.s32 s0, s6  }
0xd: {  	v13 =	vor.u32 $0x60, v0;
	v15 =	vor.u32 $0x70, v0;
	s7 =	sadd.s32 $0x8000, s2;
	v2 =	vor.u32 $0x800, v1;
	s26 =	sadd.s32 s4, s1;
	s0 =	smax.u32 s0, $0x1  }
0xe: {  	v4 =	vor.u32 $0x1000, v1;
	v6 =	vor.u32 $0x1800, v1;
	v8 =	vor.u32 $0x2000, v1;
	s6 =	sshll.u32 s3, $0xA;
	s31 =	sadd.s32 $0xF42A00, s26;
	[dreg:$0x4] =	wrdreg s0  }
0xf: {  	v10 =	vor.u32 $0x2800, v1;
	v12 =	vor.u32 $0x3000, v1;
	v14 =	vor.u32 $0x3800, v1;
	s4 =	sadd.s32 $0xF5BA00, s1;
	s26 =	simm.s32 $0x6;
	[dreg:$0x3] =	wrdreg s31  }
.LBB2_12:
0x10: {  	s0 =	simm.s32 $0x5  }
0x11: {  	_ =	swait.ge [sflag:s0], $0x2000  }
0x12: {  	[sflag:s0] =	ssyncset.done $0x0  }
0x13: {  	[sflag:s0] =	ssyncadd.s32 $0xFFFFE000  }
0x14: {  	_ =	swait.ge [sflag:s26], $0x2000  }
0x15: {  	[sflag:s26] =	ssyncset.done $0x0  }
0x16: {  	[sflag:s26] =	ssyncadd.s32 $0xFFFFE000  }
0x17: {  	_ =	swait.ge [sflag:s28], $0x2000  }
0x18: {  	[sflag:s28] =	ssyncset.done $0x0  }
0x19: {  	[sflag:s28] =	ssyncadd.s32 $0xFFFFE000  }
0x1a: {  	_ =	swait.ge [sflag:s29], $0x2000  }
0x1b: {  	s30 =	sadd.s32 $0x1, s30;
	s31 =	rddreg [dreg:$0x4]  }
0x1c: {  	p0 =	sne.s32 s30, s31  }
.Ltmp1:
0x1d: {  	_ = 	snop;
	(pc) =	sbr.rel @!p0 .LBB2_13-.Ltmp1, $3  }
0x1e: {  	_ =	sdelay $0x1  }
0x1f: {  	[sflag:s29] =	ssyncset.done $0x0  }
0x20: {  	[sflag:s29] =	ssyncadd.s32 $0xFFFFE000  }
.LBB2_1:
0x21: {  	s0 =	simm.s32 $0x0;
	s1 =	rddreg [dreg:$0x3];
	s25 =	simm.s32 $0x9  }
0x22: {  	[tilespmem:s0], [sflag:$0x9] =	stream.linear.gather [hbm4b:s1+s0], $0x6400, $0x38;
	[tilespmem:$0x1E400] =	vst v63  }
0x23: {  	_ =	swait.ge [sflag:s25], $0x6400  }
0x24: {  	[sflag:s25] =	ssyncset.done $0x0  }
0x25: {  	[sflag:s25] =	ssyncadd.s32 $0xFFFF9C00  }
0x26: {  	[tilespmem:s11], [sflag:$0x1] =	stream.indirect.gather [hbm4b:s4+s10], $0x80, s0, s10, $0xb8;
	[tilespmem:$0x1E400] =	vst v63  }
0x27: {  	s31 =	simm.s32 $0x0  }
0x28: {  	[tilespmem:s12], [sflag:$0x2] =	stream.indirect.gather [hbm4b:s4+s10], $0x80, s10, s10, $0xb8;
	[tilespmem:$0x1E400] =	vst v63  }
.LBB2_2:
0x29: {  	p0 =	seq.s32 s31, $0x0;
	s0 =	simm.s32 $0x0  }
0x2a: {  	s1 =	simm.s32 @!p0 $0x5;
	v16 =	vadd.s32 s0, v0  }
0x2b: {  	_ =	swait.ge @!p0 [sflag:s1], $0x2000;
	v17 =	vand.u32 $0x3F, v16  }
0x2c: {  	[sflag:s1] =	ssyncset.done @!p0 $0x0;
	v18 =	vor.u32 v1, v17  }
0x2d: {  	[sflag:s1] =	ssyncadd.s32 @!p0 $0xFFFFE000  }
0x2e: {  	_ =	swait.ge [sflag:s13], $0x4000  }
0x2f: {  	[sflag:s13] =	ssyncset.done $0x0  }
0x30: {  	[sflag:s13] =	ssyncadd.s32 $0xFFFFC000  }
0x31: {  	v16 =	vshll.u32 v16, $0x7;
	v18 =	vld.idx.msk [tilespmem:v18+s11+$0x0], $0xffff  }
0x32: {  	v16 =	vand.u32 $0x1F80, v16  }
0x33: {  	v19 =	vor.u32 v0, v16  }
0x34: {  	v20 =	vor.u32 v2, v17;
	_ =	sdelay $0x1  }
0x35: {  	v18 =	vmul.f32 $8.000000000e+00, v18;
	_ =	sdelay $0x1  }
0x36: {  	[tilespmem:v19+s14+$0x0] =	vst.idx.msk $0xffff, v18  }
0x37: {  	v18 =	vld.idx.msk [tilespmem:v20+s11+$0x0], $0xffff;
	_ =	sdelay $0x1  }
0x38: {  	v19 =	vor.u32 v3, v16  }
0x39: {  	v20 =	vor.u32 v4, v17;
	_ =	sdelay $0x1  }
0x3a: {  	v18 =	vmul.f32 $8.000000000e+00, v18;
	_ =	sdelay $0x1  }
0x3b: {  	[tilespmem:v19+s14+$0x0] =	vst.idx.msk $0xffff, v18  }
0x3c: {  	v18 =	vld.idx.msk [tilespmem:v20+s11+$0x0], $0xffff;
	_ =	sdelay $0x1  }
0x3d: {  	v19 =	vor.u32 v5, v16  }
0x3e: {  	v20 =	vor.u32 v6, v17;
	_ =	sdelay $0x1  }
0x3f: {  	v18 =	vmul.f32 $8.000000000e+00, v18;
	_ =	sdelay $0x1  }
0x40: {  	[tilespmem:v19+s14+$0x0] =	vst.idx.msk $0xffff, v18  }
0x41: {  	v18 =	vld.idx.msk [tilespmem:v20+s11+$0x0], $0xffff;
	_ =	sdelay $0x1  }
0x42: {  	v19 =	vor.u32 v7, v16  }
0x43: {  	v20 =	vor.u32 v8, v17;
	_ =	sdelay $0x1  }
0x44: {  	v18 =	vmul.f32 $8.000000000e+00, v18;
	_ =	sdelay $0x1  }
0x45: {  	[tilespmem:v19+s14+$0x0] =	vst.idx.msk $0xffff, v18  }
0x46: {  	v18 =	vld.idx.msk [tilespmem:v20+s11+$0x0], $0xffff;
	_ =	sdelay $0x1  }
0x47: {  	v19 =	vor.u32 v9, v16  }
0x48: {  	v20 =	vor.u32 v10, v17;
	_ =	sdelay $0x1  }
0x49: {  	v18 =	vmul.f32 $8.000000000e+00, v18;
	_ =	sdelay $0x1  }
0x4a: {  	[tilespmem:v19+s14+$0x0] =	vst.idx.msk $0xffff, v18  }
0x4b: {  	v18 =	vld.idx.msk [tilespmem:v20+s11+$0x0], $0xffff;
	_ =	sdelay $0x1  }
0x4c: {  	v19 =	vor.u32 v11, v16  }
0x4d: {  	v20 =	vor.u32 v12, v17;
	_ =	sdelay $0x1  }
0x4e: {  	v18 =	vmul.f32 $8.000000000e+00, v18;
	_ =	sdelay $0x1  }
0x4f: {  	[tilespmem:v19+s14+$0x0] =	vst.idx.msk $0xffff, v18  }
0x50: {  	v18 =	vld.idx.msk [tilespmem:v20+s11+$0x0], $0xffff;
	_ =	sdelay $0x1  }
0x51: {  	v19 =	vor.u32 v13, v16  }
0x52: {  	v17 =	vor.u32 v14, v17;
	_ =	sdelay $0x1  }
0x53: {  	v18 =	vmul.f32 $8.000000000e+00, v18;
	_ =	sdelay $0x1  }
0x54: {  	[tilespmem:v19+s14+$0x0] =	vst.idx.msk $0xffff, v18  }
0x55: {  	s8 =	simm.s32 $0x1;
	v17 =	vld.idx.msk [tilespmem:v17+s11+$0x0], $0xffff  }
0x56: {  	v18 =	vadd.s32 s8, v0  }
0x57: {  	v16 =	vor.u32 v15, v16;
	v19 =	vand.u32 $0x3F, v18  }
0x58: {  	v20 =	vor.u32 v1, v19;
	_ =	sdelay $0x1  }
0x59: {  	v17 =	vmul.f32 $8.000000000e+00, v17;
	_ =	sdelay $0x1  }
0x5a: {  	[tilespmem:v16+s14+$0x0] =	vst.idx.msk $0xffff, v17  }
0x5b: {  	v16 =	vshll.u32 v18, $0x7;
	v17 =	vld.idx.msk [tilespmem:v20+s11+$0x0], $0xffff  }
0x5c: {  	v16 =	vand.u32 $0x1F80, v16  }
0x5d: {  	v18 =	vor.u32 v0, v16  }
0x5e: {  	v20 =	vor.u32 v2, v19;
	_ =	sdelay $0x1  }
0x5f: {  	v17 =	vmul.f32 $8.000000000e+00, v17;
	_ =	sdelay $0x1  }
0x60: {  	[tilespmem:v18+s14+$0x0] =	vst.idx.msk $0xffff, v17  }
0x61: {  	v17 =	vld.idx.msk [tilespmem:v20+s11+$0x0], $0xffff;
	_ =	sdelay $0x1  }
0x62: {  	v18 =	vor.u32 v3, v16  }
0x63: {  	v20 =	vor.u32 v4, v19;
	_ =	sdelay $0x1  }
0x64: {  	v17 =	vmul.f32 $8.000000000e+00, v17;
	_ =	sdelay $0x1  }
0x65: {  	[tilespmem:v18+s14+$0x0] =	vst.idx.msk $0xffff, v17  }
0x66: {  	v17 =	vld.idx.msk [tilespmem:v20+s11+$0x0], $0xffff;
	_ =	sdelay $0x1  }
0x67: {  	v18 =	vor.u32 v5, v16  }
0x68: {  	v20 =	vor.u32 v6, v19;
	_ =	sdelay $0x1  }
0x69: {  	v17 =	vmul.f32 $8.000000000e+00, v17;
	_ =	sdelay $0x1  }
0x6a: {  	[tilespmem:v18+s14+$0x0] =	vst.idx.msk $0xffff, v17  }
0x6b: {  	v17 =	vld.idx.msk [tilespmem:v20+s11+$0x0], $0xffff;
	_ =	sdelay $0x1  }
0x6c: {  	v18 =	vor.u32 v7, v16  }
0x6d: {  	v20 =	vor.u32 v8, v19;
	_ =	sdelay $0x1  }
0x6e: {  	v17 =	vmul.f32 $8.000000000e+00, v17;
	_ =	sdelay $0x1  }
0x6f: {  	[tilespmem:v18+s14+$0x0] =	vst.idx.msk $0xffff, v17  }
0x70: {  	v17 =	vld.idx.msk [tilespmem:v20+s11+$0x0], $0xffff;
	_ =	sdelay $0x1  }
0x71: {  	v18 =	vor.u32 v9, v16  }
0x72: {  	v20 =	vor.u32 v10, v19;
	_ =	sdelay $0x1  }
0x73: {  	v17 =	vmul.f32 $8.000000000e+00, v17;
	_ =	sdelay $0x1  }
0x74: {  	[tilespmem:v18+s14+$0x0] =	vst.idx.msk $0xffff, v17  }
0x75: {  	v17 =	vld.idx.msk [tilespmem:v20+s11+$0x0], $0xffff;
	_ =	sdelay $0x1  }
0x76: {  	v18 =	vor.u32 v11, v16  }
0x77: {  	v20 =	vor.u32 v12, v19;
	_ =	sdelay $0x1  }
0x78: {  	v17 =	vmul.f32 $8.000000000e+00, v17;
	_ =	sdelay $0x1  }
0x79: {  	[tilespmem:v18+s14+$0x0] =	vst.idx.msk $0xffff, v17  }
0x7a: {  	v17 =	vld.idx.msk [tilespmem:v20+s11+$0x0], $0xffff;
	_ =	sdelay $0x1  }
0x7b: {  	v18 =	vor.u32 v13, v16  }
0x7c: {  	v19 =	vor.u32 v14, v19;
	_ =	sdelay $0x1  }
0x7d: {  	v17 =	vmul.f32 $8.000000000e+00, v17;
	_ =	sdelay $0x1  }
0x7e: {  	[tilespmem:v18+s14+$0x0] =	vst.idx.msk $0xffff, v17  }
0x7f: {  	s9 =	simm.s32 $0x2;
	v17 =	vld.idx.msk [tilespmem:v19+s11+$0x0], $0xffff  }
0x80: {  	v18 =	vadd.s32 s9, v0  }
0x81: {  	v16 =	vor.u32 v15, v16;
	v19 =	vand.u32 $0x3F, v18  }
0x82: {  	v20 =	vor.u32 v1, v19;
	_ =	sdelay $0x1  }
0x83: {  	v17 =	vmul.f32 $8.000000000e+00, v17;
	_ =	sdelay $0x1  }
0x84: {  	[tilespmem:v16+s14+$0x0] =	vst.idx.msk $0xffff, v17  }
0x85: {  	v16 =	vshll.u32 v18, $0x7;
	v17 =	vld.idx.msk [tilespmem:v20+s11+$0x0], $0xffff  }
0x86: {  	v16 =	vand.u32 $0x1F80, v16  }
0x87: {  	v18 =	vor.u32 v0, v16  }
0x88: {  	v20 =	vor.u32 v2, v19;
	_ =	sdelay $0x1  }
0x89: {  	v17 =	vmul.f32 $8.000000000e+00, v17;
	_ =	sdelay $0x1  }
0x8a: {  	[tilespmem:v18+s14+$0x0] =	vst.idx.msk $0xffff, v17  }
0x8b: {  	v17 =	vld.idx.msk [tilespmem:v20+s11+$0x0], $0xffff;
	_ =	sdelay $0x1  }
0x8c: {  	v18 =	vor.u32 v3, v16  }
0x8d: {  	v20 =	vor.u32 v4, v19;
	_ =	sdelay $0x1  }
0x8e: {  	v17 =	vmul.f32 $8.000000000e+00, v17;
	_ =	sdelay $0x1  }
0x8f: {  	[tilespmem:v18+s14+$0x0] =	vst.idx.msk $0xffff, v17  }
0x90: {  	v17 =	vld.idx.msk [tilespmem:v20+s11+$0x0], $0xffff;
	_ =	sdelay $0x1  }
0x91: {  	v18 =	vor.u32 v5, v16  }
0x92: {  	v20 =	vor.u32 v6, v19;
	_ =	sdelay $0x1  }
0x93: {  	v17 =	vmul.f32 $8.000000000e+00, v17;
	_ =	sdelay $0x1  }
0x94: {  	[tilespmem:v18+s14+$0x0] =	vst.idx.msk $0xffff, v17  }
0x95: {  	v17 =	vld.idx.msk [tilespmem:v20+s11+$0x0], $0xffff;
	_ =	sdelay $0x1  }
0x96: {  	v18 =	vor.u32 v7, v16  }
0x97: {  	v20 =	vor.u32 v8, v19;
	_ =	sdelay $0x1  }
0x98: {  	v17 =	vmul.f32 $8.000000000e+00, v17;
	_ =	sdelay $0x1  }
0x99: {  	[tilespmem:v18+s14+$0x0] =	vst.idx.msk $0xffff, v17  }
0x9a: {  	v17 =	vld.idx.msk [tilespmem:v20+s11+$0x0], $0xffff;
	_ =	sdelay $0x1  }
0x9b: {  	v18 =	vor.u32 v9, v16  }
0x9c: {  	v20 =	vor.u32 v10, v19;
	_ =	sdelay $0x1  }
0x9d: {  	v17 =	vmul.f32 $8.000000000e+00, v17;
	_ =	sdelay $0x1  }
0x9e: {  	[tilespmem:v18+s14+$0x0] =	vst.idx.msk $0xffff, v17  }
0x9f: {  	v17 =	vld.idx.msk [tilespmem:v20+s11+$0x0], $0xffff;
	_ =	sdelay $0x1  }
0xa0: {  	v18 =	vor.u32 v11, v16  }
0xa1: {  	v20 =	vor.u32 v12, v19;
	_ =	sdelay $0x1  }
0xa2: {  	v17 =	vmul.f32 $8.000000000e+00, v17;
	_ =	sdelay $0x1  }
0xa3: {  	[tilespmem:v18+s14+$0x0] =	vst.idx.msk $0xffff, v17  }
0xa4: {  	v17 =	vld.idx.msk [tilespmem:v20+s11+$0x0], $0xffff;
	_ =	sdelay $0x1  }
0xa5: {  	v18 =	vor.u32 v13, v16  }
0xa6: {  	v19 =	vor.u32 v14, v19;
	_ =	sdelay $0x1  }
0xa7: {  	v17 =	vmul.f32 $8.000000000e+00, v17;
	_ =	sdelay $0x1  }
0xa8: {  	[tilespmem:v18+s14+$0x0] =	vst.idx.msk $0xffff, v17  }
0xa9: {  	s25 =	simm.s32 $0x3;
	v17 =	vld.idx.msk [tilespmem:v19+s11+$0x0], $0xffff  }
0xaa: {  	v18 =	vadd.s32 s25, v0  }
0xab: {  	v16 =	vor.u32 v15, v16;
	v19 =	vand.u32 $0x3F, v18  }
0xac: {  	v20 =	vor.u32 v1, v19;
	_ =	sdelay $0x1  }
0xad: {  	v17 =	vmul.f32 $8.000000000e+00, v17;
	_ =	sdelay $0x1  }
0xae: {  	[tilespmem:v16+s14+$0x0] =	vst.idx.msk $0xffff, v17  }
0xaf: {  	v16 =	vshll.u32 v18, $0x7;
	v17 =	vld.idx.msk [tilespmem:v20+s11+$0x0], $0xffff  }
0xb0: {  	v16 =	vand.u32 $0x1F80, v16  }
0xb1: {  	v18 =	vor.u32 v0, v16  }
0xb2: {  	v20 =	vor.u32 v2, v19;
	_ =	sdelay $0x1  }
0xb3: {  	v17 =	vmul.f32 $8.000000000e+00, v17;
	_ =	sdelay $0x1  }
0xb4: {  	[tilespmem:v18+s14+$0x0] =	vst.idx.msk $0xffff, v17  }
0xb5: {  	v17 =	vld.idx.msk [tilespmem:v20+s11+$0x0], $0xffff;
	_ =	sdelay $0x1  }
0xb6: {  	v18 =	vor.u32 v3, v16  }
0xb7: {  	v20 =	vor.u32 v4, v19;
	_ =	sdelay $0x1  }
0xb8: {  	v17 =	vmul.f32 $8.000000000e+00, v17;
	_ =	sdelay $0x1  }
0xb9: {  	[tilespmem:v18+s14+$0x0] =	vst.idx.msk $0xffff, v17  }
0xba: {  	v17 =	vld.idx.msk [tilespmem:v20+s11+$0x0], $0xffff;
	_ =	sdelay $0x1  }
0xbb: {  	v18 =	vor.u32 v5, v16  }
0xbc: {  	v20 =	vor.u32 v6, v19;
	_ =	sdelay $0x1  }
0xbd: {  	v17 =	vmul.f32 $8.000000000e+00, v17;
	_ =	sdelay $0x1  }
0xbe: {  	[tilespmem:v18+s14+$0x0] =	vst.idx.msk $0xffff, v17  }
0xbf: {  	v17 =	vld.idx.msk [tilespmem:v20+s11+$0x0], $0xffff;
	_ =	sdelay $0x1  }
0xc0: {  	v18 =	vor.u32 v7, v16  }
0xc1: {  	v20 =	vor.u32 v8, v19;
	_ =	sdelay $0x1  }
0xc2: {  	v17 =	vmul.f32 $8.000000000e+00, v17;
	_ =	sdelay $0x1  }
0xc3: {  	[tilespmem:v18+s14+$0x0] =	vst.idx.msk $0xffff, v17  }
0xc4: {  	v17 =	vld.idx.msk [tilespmem:v20+s11+$0x0], $0xffff;
	_ =	sdelay $0x1  }
0xc5: {  	v18 =	vor.u32 v9, v16  }
0xc6: {  	v20 =	vor.u32 v10, v19;
	_ =	sdelay $0x1  }
0xc7: {  	v17 =	vmul.f32 $8.000000000e+00, v17;
	_ =	sdelay $0x1  }
0xc8: {  	[tilespmem:v18+s14+$0x0] =	vst.idx.msk $0xffff, v17  }
0xc9: {  	v17 =	vld.idx.msk [tilespmem:v20+s11+$0x0], $0xffff;
	_ =	sdelay $0x1  }
0xca: {  	v18 =	vor.u32 v11, v16  }
0xcb: {  	v20 =	vor.u32 v12, v19;
	_ =	sdelay $0x1  }
0xcc: {  	v17 =	vmul.f32 $8.000000000e+00, v17;
	_ =	sdelay $0x1  }
0xcd: {  	[tilespmem:v18+s14+$0x0] =	vst.idx.msk $0xffff, v17  }
0xce: {  	v17 =	vld.idx.msk [tilespmem:v20+s11+$0x0], $0xffff;
	_ =	sdelay $0x1  }
0xcf: {  	v18 =	vor.u32 v13, v16  }
0xd0: {  	v19 =	vor.u32 v14, v19;
	_ =	sdelay $0x1  }
0xd1: {  	v17 =	vmul.f32 $8.000000000e+00, v17;
	_ =	sdelay $0x1  }
0xd2: {  	[tilespmem:v18+s14+$0x0] =	vst.idx.msk $0xffff, v17  }
0xd3: {  	s0 =	simm.s32 $0x4;
	v20 =	vld.idx.msk [tilespmem:v19+s11+$0x0], $0xffff  }
0xd4: {  	v18 =	vadd.s32 s0, v0  }
0xd5: {  	v17 =	vand.u32 $0x3F, v18;
	v21 =	vshll.u32 v18, $0x7;
	v18 =	vor.u32 v15, v16  }
0xd6: {  	v19 =	vor.u32 v1, v17;
	_ =	sdelay $0x1  }
0xd7: {  	s3 =	simm.s32 $0x8;
	s1 =	sshll.u32 s31, $0x2;
	v16 =	vand.u32 $0x1F80, v21;
	v20 =	vmul.f32 $8.000000000e+00, v20  }
.LBB2_3:
0xd8: {  	_ = 	snop  }
0xd9: {  	p1 =	slt.u32 s3, $0x3C;
	s5 =	smov.u32 s3;
	s3 =	sadd.s32 $0x4, s3;
	[tilespmem:v18+s14+$0x0] =	vst.idx.msk $0xffff, v20  }
0xda: {  	v18 =	vld.idx.msk [tilespmem:v19+s11+$0x0], $0xffff;
	_ =	sdelay $0x2  }
0xdb: {  	v19 =	vor.u32 v0, v16  }
0xdc: {  	v20 =	vor.u32 v2, v17;
	_ =	sdelay $0x1  }
0xdd: {  	v18 =	vmul.f32 $8.000000000e+00, v18;
	_ =	sdelay $0x1  }
0xde: {  	[tilespmem:v19+s14+$0x0] =	vst.idx.msk $0xffff, v18  }
0xdf: {  	v18 =	vld.idx.msk [tilespmem:v20+s11+$0x0], $0xffff;
	_ =	sdelay $0x2  }
0xe0: {  	v19 =	vor.u32 v3, v16  }
0xe1: {  	v20 =	vor.u32 v4, v17;
	_ =	sdelay $0x1  }
0xe2: {  	v18 =	vmul.f32 $8.000000000e+00, v18;
	_ =	sdelay $0x1  }
0xe3: {  	[tilespmem:v19+s14+$0x0] =	vst.idx.msk $0xffff, v18  }
0xe4: {  	v18 =	vld.idx.msk [tilespmem:v20+s11+$0x0], $0xffff;
	_ =	sdelay $0x2  }
0xe5: {  	v19 =	vor.u32 v5, v16  }
0xe6: {  	v20 =	vor.u32 v6, v17;
	_ =	sdelay $0x1  }
0xe7: {  	v18 =	vmul.f32 $8.000000000e+00, v18;
	_ =	sdelay $0x1  }
0xe8: {  	[tilespmem:v19+s14+$0x0] =	vst.idx.msk $0xffff, v18  }
0xe9: {  	v18 =	vld.idx.msk [tilespmem:v20+s11+$0x0], $0xffff;
	_ =	sdelay $0x2  }
0xea: {  	v19 =	vor.u32 v7, v16  }
0xeb: {  	v20 =	vor.u32 v8, v17;
	_ =	sdelay $0x1  }
0xec: {  	v18 =	vmul.f32 $8.000000000e+00, v18;
	_ =	sdelay $0x1  }
0xed: {  	[tilespmem:v19+s14+$0x0] =	vst.idx.msk $0xffff, v18  }
0xee: {  	v18 =	vld.idx.msk [tilespmem:v20+s11+$0x0], $0xffff;
	_ =	sdelay $0x2  }
0xef: {  	v19 =	vor.u32 v9, v16  }
0xf0: {  	v20 =	vor.u32 v10, v17;
	_ =	sdelay $0x1  }
0xf1: {  	v18 =	vmul.f32 $8.000000000e+00, v18;
	_ =	sdelay $0x1  }
0xf2: {  	[tilespmem:v19+s14+$0x0] =	vst.idx.msk $0xffff, v18  }
0xf3: {  	v18 =	vld.idx.msk [tilespmem:v20+s11+$0x0], $0xffff;
	_ =	sdelay $0x2  }
0xf4: {  	v19 =	vor.u32 v11, v16  }
0xf5: {  	v20 =	vor.u32 v12, v17;
	_ =	sdelay $0x1  }
0xf6: {  	v18 =	vmul.f32 $8.000000000e+00, v18;
	_ =	sdelay $0x1  }
0xf7: {  	[tilespmem:v19+s14+$0x0] =	vst.idx.msk $0xffff, v18  }
0xf8: {  	v18 =	vld.idx.msk [tilespmem:v20+s11+$0x0], $0xffff;
	_ =	sdelay $0x2  }
0xf9: {  	v19 =	vor.u32 v13, v16  }
0xfa: {  	v17 =	vor.u32 v14, v17;
	_ =	sdelay $0x1  }
0xfb: {  	v18 =	vmul.f32 $8.000000000e+00, v18;
	_ =	sdelay $0x1  }
0xfc: {  	[tilespmem:v19+s14+$0x0] =	vst.idx.msk $0xffff, v18  }
0xfd: {  	v17 =	vld.idx.msk [tilespmem:v17+s11+$0x0], $0xffff  }
0xfe: {  	s8 =	sadd.s32 $0x1, s0  }
0xff: {  	v18 =	vadd.s32 s8, v0  }
0x100: {  	v16 =	vor.u32 v15, v16;
	v19 =	vand.u32 $0x3F, v18;
	v18 =	vshll.u32 v18, $0x7  }
0x101: {  	v20 =	vor.u32 v1, v19;
	v18 =	vand.u32 $0x1F80, v18;
	_ =	sdelay $0x1  }
0x102: {  	v17 =	vmul.f32 $8.000000000e+00, v17;
	_ =	sdelay $0x1  }
0x103: {  	[tilespmem:v16+s14+$0x0] =	vst.idx.msk $0xffff, v17  }
0x104: {  	v16 =	vld.idx.msk [tilespmem:v20+s11+$0x0], $0xffff;
	_ =	sdelay $0x2  }
0x105: {  	v17 =	vor.u32 v0, v18  }
0x106: {  	v20 =	vor.u32 v2, v19;
	_ =	sdelay $0x1  }
0x107: {  	v16 =	vmul.f32 $8.000000000e+00, v16;
	_ =	sdelay $0x1  }
0x108: {  	[tilespmem:v17+s14+$0x0] =	vst.idx.msk $0xffff, v16  }
0x109: {  	v16 =	vld.idx.msk [tilespmem:v20+s11+$0x0], $0xffff;
	_ =	sdelay $0x2  }
0x10a: {  	v17 =	vor.u32 v3, v18  }
0x10b: {  	v20 =	vor.u32 v4, v19;
	_ =	sdelay $0x1  }
0x10c: {  	v16 =	vmul.f32 $8.000000000e+00, v16;
	_ =	sdelay $0x1  }
0x10d: {  	[tilespmem:v17+s14+$0x0] =	vst.idx.msk $0xffff, v16  }
0x10e: {  	v16 =	vld.idx.msk [tilespmem:v20+s11+$0x0], $0xffff;
	_ =	sdelay $0x2  }
0x10f: {  	v17 =	vor.u32 v5, v18  }
0x110: {  	v20 =	vor.u32 v6, v19;
	_ =	sdelay $0x1  }
0x111: {  	v16 =	vmul.f32 $8.000000000e+00, v16;
	_ =	sdelay $0x1  }
0x112: {  	[tilespmem:v17+s14+$0x0] =	vst.idx.msk $0xffff, v16  }
0x113: {  	v16 =	vld.idx.msk [tilespmem:v20+s11+$0x0], $0xffff;
	_ =	sdelay $0x2  }
0x114: {  	v17 =	vor.u32 v7, v18  }
0x115: {  	v20 =	vor.u32 v8, v19;
	_ =	sdelay $0x1  }
0x116: {  	v16 =	vmul.f32 $8.000000000e+00, v16;
	_ =	sdelay $0x1  }
0x117: {  	[tilespmem:v17+s14+$0x0] =	vst.idx.msk $0xffff, v16  }
0x118: {  	v16 =	vld.idx.msk [tilespmem:v20+s11+$0x0], $0xffff;
	_ =	sdelay $0x2  }
0x119: {  	v17 =	vor.u32 v9, v18  }
0x11a: {  	v20 =	vor.u32 v10, v19;
	_ =	sdelay $0x1  }
0x11b: {  	v16 =	vmul.f32 $8.000000000e+00, v16;
	_ =	sdelay $0x1  }
0x11c: {  	[tilespmem:v17+s14+$0x0] =	vst.idx.msk $0xffff, v16  }
0x11d: {  	v16 =	vld.idx.msk [tilespmem:v20+s11+$0x0], $0xffff;
	_ =	sdelay $0x2  }
0x11e: {  	v17 =	vor.u32 v11, v18  }
0x11f: {  	v20 =	vor.u32 v12, v19;
	_ =	sdelay $0x1  }
0x120: {  	v16 =	vmul.f32 $8.000000000e+00, v16;
	_ =	sdelay $0x1  }
0x121: {  	[tilespmem:v17+s14+$0x0] =	vst.idx.msk $0xffff, v16  }
0x122: {  	v16 =	vld.idx.msk [tilespmem:v20+s11+$0x0], $0xffff;
	_ =	sdelay $0x2  }
0x123: {  	v17 =	vor.u32 v13, v18  }
0x124: {  	v19 =	vor.u32 v14, v19;
	_ =	sdelay $0x1  }
0x125: {  	v16 =	vmul.f32 $8.000000000e+00, v16;
	_ =	sdelay $0x1  }
0x126: {  	[tilespmem:v17+s14+$0x0] =	vst.idx.msk $0xffff, v16  }
0x127: {  	v16 =	vld.idx.msk [tilespmem:v19+s11+$0x0], $0xffff  }
0x128: {  	s8 =	sadd.s32 $0x2, s0  }
0x129: {  	v17 =	vadd.s32 s8, v0  }
0x12a: {  	v18 =	vor.u32 v15, v18;
	v19 =	vand.u32 $0x3F, v17;
	v17 =	vshll.u32 v17, $0x7  }
0x12b: {  	v20 =	vor.u32 v1, v19;
	v17 =	vand.u32 $0x1F80, v17;
	_ =	sdelay $0x1  }
0x12c: {  	v16 =	vmul.f32 $8.000000000e+00, v16;
	_ =	sdelay $0x1  }
0x12d: {  	[tilespmem:v18+s14+$0x0] =	vst.idx.msk $0xffff, v16  }
0x12e: {  	v16 =	vld.idx.msk [tilespmem:v20+s11+$0x0], $0xffff;
	_ =	sdelay $0x2  }
0x12f: {  	v18 =	vor.u32 v0, v17  }
0x130: {  	v20 =	vor.u32 v2, v19;
	_ =	sdelay $0x1  }
0x131: {  	v16 =	vmul.f32 $8.000000000e+00, v16;
	_ =	sdelay $0x1  }
0x132: {  	[tilespmem:v18+s14+$0x0] =	vst.idx.msk $0xffff, v16  }
0x133: {  	v16 =	vld.idx.msk [tilespmem:v20+s11+$0x0], $0xffff;
	_ =	sdelay $0x2  }
0x134: {  	v18 =	vor.u32 v3, v17  }
0x135: {  	v20 =	vor.u32 v4, v19;
	_ =	sdelay $0x1  }
0x136: {  	v16 =	vmul.f32 $8.000000000e+00, v16;
	_ =	sdelay $0x1  }
0x137: {  	[tilespmem:v18+s14+$0x0] =	vst.idx.msk $0xffff, v16  }
0x138: {  	v16 =	vld.idx.msk [tilespmem:v20+s11+$0x0], $0xffff;
	_ =	sdelay $0x2  }
0x139: {  	v18 =	vor.u32 v5, v17  }
0x13a: {  	v20 =	vor.u32 v6, v19;
	_ =	sdelay $0x1  }
0x13b: {  	v16 =	vmul.f32 $8.000000000e+00, v16;
	_ =	sdelay $0x1  }
0x13c: {  	[tilespmem:v18+s14+$0x0] =	vst.idx.msk $0xffff, v16  }
0x13d: {  	v16 =	vld.idx.msk [tilespmem:v20+s11+$0x0], $0xffff;
	_ =	sdelay $0x2  }
0x13e: {  	v18 =	vor.u32 v7, v17  }
0x13f: {  	v20 =	vor.u32 v8, v19;
	_ =	sdelay $0x1  }
0x140: {  	v16 =	vmul.f32 $8.000000000e+00, v16;
	_ =	sdelay $0x1  }
0x141: {  	[tilespmem:v18+s14+$0x0] =	vst.idx.msk $0xffff, v16  }
0x142: {  	v16 =	vld.idx.msk [tilespmem:v20+s11+$0x0], $0xffff;
	_ =	sdelay $0x2  }
0x143: {  	v18 =	vor.u32 v9, v17  }
0x144: {  	v20 =	vor.u32 v10, v19;
	_ =	sdelay $0x1  }
0x145: {  	v16 =	vmul.f32 $8.000000000e+00, v16;
	_ =	sdelay $0x1  }
0x146: {  	[tilespmem:v18+s14+$0x0] =	vst.idx.msk $0xffff, v16  }
0x147: {  	v16 =	vld.idx.msk [tilespmem:v20+s11+$0x0], $0xffff;
	_ =	sdelay $0x2  }
0x148: {  	v18 =	vor.u32 v11, v17  }
0x149: {  	v20 =	vor.u32 v12, v19;
	_ =	sdelay $0x1  }
0x14a: {  	v16 =	vmul.f32 $8.000000000e+00, v16;
	_ =	sdelay $0x1  }
0x14b: {  	[tilespmem:v18+s14+$0x0] =	vst.idx.msk $0xffff, v16  }
0x14c: {  	v16 =	vld.idx.msk [tilespmem:v20+s11+$0x0], $0xffff;
	_ =	sdelay $0x2  }
0x14d: {  	v18 =	vor.u32 v13, v17  }
0x14e: {  	v19 =	vor.u32 v14, v19;
	_ =	sdelay $0x1  }
0x14f: {  	v16 =	vmul.f32 $8.000000000e+00, v16;
	_ =	sdelay $0x1  }
0x150: {  	[tilespmem:v18+s14+$0x0] =	vst.idx.msk $0xffff, v16  }
0x151: {  	v16 =	vld.idx.msk [tilespmem:v19+s11+$0x0], $0xffff  }
0x152: {  	s8 =	sadd.s32 $0x3, s0;
	s0 =	smov.u32 s5  }
0x153: {  	v18 =	vadd.s32 s8, v0  }
0x154: {  	v17 =	vor.u32 v15, v17;
	v19 =	vand.u32 $0x3F, v18;
	v18 =	vshll.u32 v18, $0x7  }
0x155: {  	v20 =	vor.u32 v1, v19;
	v18 =	vand.u32 $0x1F80, v18;
	_ =	sdelay $0x1  }
0x156: {  	v16 =	vmul.f32 $8.000000000e+00, v16;
	_ =	sdelay $0x1  }
0x157: {  	[tilespmem:v17+s14+$0x0] =	vst.idx.msk $0xffff, v16  }
0x158: {  	v16 =	vld.idx.msk [tilespmem:v20+s11+$0x0], $0xffff;
	_ =	sdelay $0x2  }
0x159: {  	v17 =	vor.u32 v0, v18  }
0x15a: {  	v20 =	vor.u32 v2, v19;
	_ =	sdelay $0x1  }
0x15b: {  	v16 =	vmul.f32 $8.000000000e+00, v16;
	_ =	sdelay $0x1  }
0x15c: {  	[tilespmem:v17+s14+$0x0] =	vst.idx.msk $0xffff, v16  }
0x15d: {  	v16 =	vld.idx.msk [tilespmem:v20+s11+$0x0], $0xffff;
	_ =	sdelay $0x2  }
0x15e: {  	v17 =	vor.u32 v3, v18  }
0x15f: {  	v20 =	vor.u32 v4, v19;
	_ =	sdelay $0x1  }
0x160: {  	v16 =	vmul.f32 $8.000000000e+00, v16;
	_ =	sdelay $0x1  }
0x161: {  	[tilespmem:v17+s14+$0x0] =	vst.idx.msk $0xffff, v16  }
0x162: {  	v16 =	vld.idx.msk [tilespmem:v20+s11+$0x0], $0xffff;
	_ =	sdelay $0x2  }
0x163: {  	v17 =	vor.u32 v5, v18  }
0x164: {  	v20 =	vor.u32 v6, v19;
	_ =	sdelay $0x1  }
0x165: {  	v16 =	vmul.f32 $8.000000000e+00, v16;
	_ =	sdelay $0x1  }
0x166: {  	[tilespmem:v17+s14+$0x0] =	vst.idx.msk $0xffff, v16  }
0x167: {  	v16 =	vld.idx.msk [tilespmem:v20+s11+$0x0], $0xffff;
	_ =	sdelay $0x2  }
0x168: {  	v17 =	vor.u32 v7, v18  }
0x169: {  	v20 =	vor.u32 v8, v19;
	_ =	sdelay $0x1  }
0x16a: {  	v16 =	vmul.f32 $8.000000000e+00, v16;
	_ =	sdelay $0x1  }
0x16b: {  	[tilespmem:v17+s14+$0x0] =	vst.idx.msk $0xffff, v16  }
0x16c: {  	v16 =	vld.idx.msk [tilespmem:v20+s11+$0x0], $0xffff;
	_ =	sdelay $0x2  }
0x16d: {  	v17 =	vor.u32 v9, v18  }
0x16e: {  	v20 =	vor.u32 v10, v19;
	_ =	sdelay $0x1  }
0x16f: {  	v16 =	vmul.f32 $8.000000000e+00, v16;
	_ =	sdelay $0x1  }
0x170: {  	[tilespmem:v17+s14+$0x0] =	vst.idx.msk $0xffff, v16  }
0x171: {  	v16 =	vld.idx.msk [tilespmem:v20+s11+$0x0], $0xffff;
	_ =	sdelay $0x2  }
0x172: {  	v17 =	vor.u32 v11, v18  }
0x173: {  	v20 =	vor.u32 v12, v19;
	_ =	sdelay $0x1  }
0x174: {  	v16 =	vmul.f32 $8.000000000e+00, v16;
	_ =	sdelay $0x1  }
0x175: {  	[tilespmem:v17+s14+$0x0] =	vst.idx.msk $0xffff, v16  }
0x176: {  	v16 =	vld.idx.msk [tilespmem:v20+s11+$0x0], $0xffff;
	_ =	sdelay $0x2  }
0x177: {  	v17 =	vor.u32 v13, v18  }
0x178: {  	v19 =	vor.u32 v14, v19;
	_ =	sdelay $0x1  }
0x179: {  	v16 =	vmul.f32 $8.000000000e+00, v16;
	_ =	sdelay $0x1  }
0x17a: {  	[tilespmem:v17+s14+$0x0] =	vst.idx.msk $0xffff, v16  }
0x17b: {  	v20 =	vld.idx.msk [tilespmem:v19+s11+$0x0], $0xffff;
	_ =	sdelay $0x1  }
.Ltmp2:
0x17c: {  	v16 =	vadd.s32 s0, v0;
	(pc) =	sbr.rel @p1 .LBB2_3-.Ltmp2, $3  }
0x17d: {  	v18 =	vor.u32 v15, v18;
	v17 =	vand.u32 $0x3F, v16;
	v16 =	vshll.u32 v16, $0x7  }
0x17e: {  	v19 =	vor.u32 v1, v17;
	v16 =	vand.u32 $0x1F80, v16;
	_ =	sdelay $0x1  }
0x17f: {  	v20 =	vmul.f32 $8.000000000e+00, v20  }
0x180: {  	_ =	sdelay $0x3  }
0x181: {  	[tilespmem:v18+s14+$0x0] =	vst.idx.msk $0xffff, v20  }
0x182: {  	v18 =	vld.idx.msk [tilespmem:v19+s11+$0x0], $0xffff;
	_ =	sdelay $0x1  }
0x183: {  	v19 =	vor.u32 v0, v16  }
0x184: {  	v20 =	vor.u32 v2, v17;
	_ =	sdelay $0x1  }
0x185: {  	v18 =	vmul.f32 $8.000000000e+00, v18;
	_ =	sdelay $0x1  }
0x186: {  	[tilespmem:v19+s14+$0x0] =	vst.idx.msk $0xffff, v18  }
0x187: {  	v18 =	vld.idx.msk [tilespmem:v20+s11+$0x0], $0xffff;
	_ =	sdelay $0x1  }
0x188: {  	v19 =	vor.u32 v3, v16  }
0x189: {  	v20 =	vor.u32 v4, v17;
	_ =	sdelay $0x1  }
0x18a: {  	v18 =	vmul.f32 $8.000000000e+00, v18;
	_ =	sdelay $0x1  }
0x18b: {  	[tilespmem:v19+s14+$0x0] =	vst.idx.msk $0xffff, v18  }
0x18c: {  	v18 =	vld.idx.msk [tilespmem:v20+s11+$0x0], $0xffff;
	_ =	sdelay $0x1  }
0x18d: {  	v19 =	vor.u32 v5, v16  }
0x18e: {  	v20 =	vor.u32 v6, v17;
	_ =	sdelay $0x1  }
0x18f: {  	v18 =	vmul.f32 $8.000000000e+00, v18;
	_ =	sdelay $0x1  }
0x190: {  	[tilespmem:v19+s14+$0x0] =	vst.idx.msk $0xffff, v18  }
0x191: {  	v18 =	vld.idx.msk [tilespmem:v20+s11+$0x0], $0xffff;
	_ =	sdelay $0x1  }
0x192: {  	v19 =	vor.u32 v7, v16  }
0x193: {  	v20 =	vor.u32 v8, v17;
	_ =	sdelay $0x1  }
0x194: {  	v18 =	vmul.f32 $8.000000000e+00, v18;
	_ =	sdelay $0x1  }
0x195: {  	[tilespmem:v19+s14+$0x0] =	vst.idx.msk $0xffff, v18  }
0x196: {  	v18 =	vld.idx.msk [tilespmem:v20+s11+$0x0], $0xffff;
	_ =	sdelay $0x1  }
0x197: {  	v19 =	vor.u32 v9, v16  }
0x198: {  	v20 =	vor.u32 v10, v17;
	_ =	sdelay $0x1  }
0x199: {  	v18 =	vmul.f32 $8.000000000e+00, v18;
	_ =	sdelay $0x1  }
0x19a: {  	[tilespmem:v19+s14+$0x0] =	vst.idx.msk $0xffff, v18  }
0x19b: {  	v18 =	vld.idx.msk [tilespmem:v20+s11+$0x0], $0xffff;
	_ =	sdelay $0x1  }
0x19c: {  	v19 =	vor.u32 v11, v16  }
0x19d: {  	v20 =	vor.u32 v12, v17;
	_ =	sdelay $0x1  }
0x19e: {  	v18 =	vmul.f32 $8.000000000e+00, v18;
	_ =	sdelay $0x1  }
0x19f: {  	[tilespmem:v19+s14+$0x0] =	vst.idx.msk $0xffff, v18  }
0x1a0: {  	v18 =	vld.idx.msk [tilespmem:v20+s11+$0x0], $0xffff;
	_ =	sdelay $0x1  }
0x1a1: {  	v19 =	vor.u32 v13, v16  }
0x1a2: {  	v17 =	vor.u32 v14, v17;
	_ =	sdelay $0x1  }
0x1a3: {  	v18 =	vmul.f32 $8.000000000e+00, v18;
	_ =	sdelay $0x1  }
0x1a4: {  	[tilespmem:v19+s14+$0x0] =	vst.idx.msk $0xffff, v18  }
0x1a5: {  	s3 =	sadd.s32 $0x1, s0;
	v17 =	vld.idx.msk [tilespmem:v17+s11+$0x0], $0xffff  }
0x1a6: {  	v18 =	vadd.s32 s3, v0  }
0x1a7: {  	v16 =	vor.u32 v15, v16;
	v19 =	vand.u32 $0x3F, v18  }
0x1a8: {  	v20 =	vor.u32 v1, v19;
	_ =	sdelay $0x1  }
0x1a9: {  	v17 =	vmul.f32 $8.000000000e+00, v17;
	_ =	sdelay $0x1  }
0x1aa: {  	[tilespmem:v16+s14+$0x0] =	vst.idx.msk $0xffff, v17  }
0x1ab: {  	v16 =	vshll.u32 v18, $0x7;
	v17 =	vld.idx.msk [tilespmem:v20+s11+$0x0], $0xffff  }
0x1ac: {  	v16 =	vand.u32 $0x1F80, v16  }
0x1ad: {  	v18 =	vor.u32 v0, v16  }
0x1ae: {  	v20 =	vor.u32 v2, v19;
	_ =	sdelay $0x1  }
0x1af: {  	v17 =	vmul.f32 $8.000000000e+00, v17;
	_ =	sdelay $0x1  }
0x1b0: {  	[tilespmem:v18+s14+$0x0] =	vst.idx.msk $0xffff, v17  }
0x1b1: {  	v17 =	vld.idx.msk [tilespmem:v20+s11+$0x0], $0xffff;
	_ =	sdelay $0x1  }
0x1b2: {  	v18 =	vor.u32 v3, v16  }
0x1b3: {  	v20 =	vor.u32 v4, v19;
	_ =	sdelay $0x1  }
0x1b4: {  	v17 =	vmul.f32 $8.000000000e+00, v17;
	_ =	sdelay $0x1  }
0x1b5: {  	[tilespmem:v18+s14+$0x0] =	vst.idx.msk $0xffff, v17  }
0x1b6: {  	v17 =	vld.idx.msk [tilespmem:v20+s11+$0x0], $0xffff;
	_ =	sdelay $0x1  }
0x1b7: {  	v18 =	vor.u32 v5, v16  }
0x1b8: {  	v20 =	vor.u32 v6, v19;
	_ =	sdelay $0x1  }
0x1b9: {  	v17 =	vmul.f32 $8.000000000e+00, v17;
	_ =	sdelay $0x1  }
0x1ba: {  	[tilespmem:v18+s14+$0x0] =	vst.idx.msk $0xffff, v17  }
0x1bb: {  	v17 =	vld.idx.msk [tilespmem:v20+s11+$0x0], $0xffff;
	_ =	sdelay $0x1  }
0x1bc: {  	v18 =	vor.u32 v7, v16  }
0x1bd: {  	v20 =	vor.u32 v8, v19;
	_ =	sdelay $0x1  }
0x1be: {  	v17 =	vmul.f32 $8.000000000e+00, v17;
	_ =	sdelay $0x1  }
0x1bf: {  	[tilespmem:v18+s14+$0x0] =	vst.idx.msk $0xffff, v17  }
0x1c0: {  	v17 =	vld.idx.msk [tilespmem:v20+s11+$0x0], $0xffff;
	_ =	sdelay $0x1  }
0x1c1: {  	v18 =	vor.u32 v9, v16  }
0x1c2: {  	v20 =	vor.u32 v10, v19;
	_ =	sdelay $0x1  }
0x1c3: {  	v17 =	vmul.f32 $8.000000000e+00, v17;
	_ =	sdelay $0x1  }
0x1c4: {  	[tilespmem:v18+s14+$0x0] =	vst.idx.msk $0xffff, v17  }
0x1c5: {  	v17 =	vld.idx.msk [tilespmem:v20+s11+$0x0], $0xffff;
	_ =	sdelay $0x1  }
0x1c6: {  	v18 =	vor.u32 v11, v16  }
0x1c7: {  	v20 =	vor.u32 v12, v19;
	_ =	sdelay $0x1  }
0x1c8: {  	v17 =	vmul.f32 $8.000000000e+00, v17;
	_ =	sdelay $0x1  }
0x1c9: {  	[tilespmem:v18+s14+$0x0] =	vst.idx.msk $0xffff, v17  }
0x1ca: {  	v17 =	vld.idx.msk [tilespmem:v20+s11+$0x0], $0xffff;
	_ =	sdelay $0x1  }
0x1cb: {  	v18 =	vor.u32 v13, v16  }
0x1cc: {  	v19 =	vor.u32 v14, v19;
	_ =	sdelay $0x1  }
0x1cd: {  	v17 =	vmul.f32 $8.000000000e+00, v17;
	_ =	sdelay $0x1  }
0x1ce: {  	[tilespmem:v18+s14+$0x0] =	vst.idx.msk $0xffff, v17  }
0x1cf: {  	s5 =	sadd.s32 $0x2, s0;
	v17 =	vld.idx.msk [tilespmem:v19+s11+$0x0], $0xffff  }
0x1d0: {  	v18 =	vadd.s32 s5, v0  }
0x1d1: {  	v16 =	vor.u32 v15, v16;
	v19 =	vand.u32 $0x3F, v18  }
0x1d2: {  	v20 =	vor.u32 v1, v19;
	_ =	sdelay $0x1  }
0x1d3: {  	v17 =	vmul.f32 $8.000000000e+00, v17;
	_ =	sdelay $0x1  }
0x1d4: {  	[tilespmem:v16+s14+$0x0] =	vst.idx.msk $0xffff, v17  }
0x1d5: {  	v16 =	vshll.u32 v18, $0x7;
	v17 =	vld.idx.msk [tilespmem:v20+s11+$0x0], $0xffff  }
0x1d6: {  	v16 =	vand.u32 $0x1F80, v16  }
0x1d7: {  	v18 =	vor.u32 v0, v16  }
0x1d8: {  	v20 =	vor.u32 v2, v19;
	_ =	sdelay $0x1  }
0x1d9: {  	v17 =	vmul.f32 $8.000000000e+00, v17;
	_ =	sdelay $0x1  }
0x1da: {  	[tilespmem:v18+s14+$0x0] =	vst.idx.msk $0xffff, v17  }
0x1db: {  	v17 =	vld.idx.msk [tilespmem:v20+s11+$0x0], $0xffff;
	_ =	sdelay $0x1  }
0x1dc: {  	v18 =	vor.u32 v3, v16  }
0x1dd: {  	v20 =	vor.u32 v4, v19;
	_ =	sdelay $0x1  }
0x1de: {  	v17 =	vmul.f32 $8.000000000e+00, v17;
	_ =	sdelay $0x1  }
0x1df: {  	[tilespmem:v18+s14+$0x0] =	vst.idx.msk $0xffff, v17  }
0x1e0: {  	v17 =	vld.idx.msk [tilespmem:v20+s11+$0x0], $0xffff;
	_ =	sdelay $0x1  }
0x1e1: {  	v18 =	vor.u32 v5, v16  }
0x1e2: {  	v20 =	vor.u32 v6, v19;
	_ =	sdelay $0x1  }
0x1e3: {  	v17 =	vmul.f32 $8.000000000e+00, v17;
	_ =	sdelay $0x1  }
0x1e4: {  	[tilespmem:v18+s14+$0x0] =	vst.idx.msk $0xffff, v17  }
0x1e5: {  	v17 =	vld.idx.msk [tilespmem:v20+s11+$0x0], $0xffff;
	_ =	sdelay $0x1  }
0x1e6: {  	v18 =	vor.u32 v7, v16  }
0x1e7: {  	v20 =	vor.u32 v8, v19;
	_ =	sdelay $0x1  }
0x1e8: {  	v17 =	vmul.f32 $8.000000000e+00, v17;
	_ =	sdelay $0x1  }
0x1e9: {  	[tilespmem:v18+s14+$0x0] =	vst.idx.msk $0xffff, v17  }
0x1ea: {  	v17 =	vld.idx.msk [tilespmem:v20+s11+$0x0], $0xffff;
	_ =	sdelay $0x1  }
0x1eb: {  	v18 =	vor.u32 v9, v16  }
0x1ec: {  	v20 =	vor.u32 v10, v19;
	_ =	sdelay $0x1  }
0x1ed: {  	v17 =	vmul.f32 $8.000000000e+00, v17;
	_ =	sdelay $0x1  }
0x1ee: {  	[tilespmem:v18+s14+$0x0] =	vst.idx.msk $0xffff, v17  }
0x1ef: {  	v17 =	vld.idx.msk [tilespmem:v20+s11+$0x0], $0xffff;
	_ =	sdelay $0x1  }
0x1f0: {  	v18 =	vor.u32 v11, v16  }
0x1f1: {  	v20 =	vor.u32 v12, v19;
	_ =	sdelay $0x1  }
0x1f2: {  	v17 =	vmul.f32 $8.000000000e+00, v17;
	_ =	sdelay $0x1  }
0x1f3: {  	[tilespmem:v18+s14+$0x0] =	vst.idx.msk $0xffff, v17  }
0x1f4: {  	v17 =	vld.idx.msk [tilespmem:v20+s11+$0x0], $0xffff;
	_ =	sdelay $0x1  }
0x1f5: {  	v18 =	vor.u32 v13, v16  }
0x1f6: {  	v19 =	vor.u32 v14, v19;
	_ =	sdelay $0x1  }
0x1f7: {  	v17 =	vmul.f32 $8.000000000e+00, v17;
	_ =	sdelay $0x1  }
0x1f8: {  	[tilespmem:v18+s14+$0x0] =	vst.idx.msk $0xffff, v17  }
0x1f9: {  	s8 =	sadd.s32 $0x3, s0;
	v17 =	vld.idx.msk [tilespmem:v19+s11+$0x0], $0xffff  }
0x1fa: {  	v18 =	vadd.s32 s8, v0  }
0x1fb: {  	v16 =	vor.u32 v15, v16;
	v19 =	vand.u32 $0x3F, v18  }
0x1fc: {  	v20 =	vor.u32 v1, v19;
	_ =	sdelay $0x1  }
0x1fd: {  	v17 =	vmul.f32 $8.000000000e+00, v17;
	_ =	sdelay $0x1  }
0x1fe: {  	[tilespmem:v16+s14+$0x0] =	vst.idx.msk $0xffff, v17  }
0x1ff: {  	v16 =	vshll.u32 v18, $0x7;
	v17 =	vld.idx.msk [tilespmem:v20+s11+$0x0], $0xffff  }
0x200: {  	v16 =	vand.u32 $0x1F80, v16  }
0x201: {  	v18 =	vor.u32 v0, v16  }
0x202: {  	v20 =	vor.u32 v2, v19;
	_ =	sdelay $0x1  }
0x203: {  	v17 =	vmul.f32 $8.000000000e+00, v17;
	_ =	sdelay $0x1  }
0x204: {  	[tilespmem:v18+s14+$0x0] =	vst.idx.msk $0xffff, v17  }
0x205: {  	v17 =	vld.idx.msk [tilespmem:v20+s11+$0x0], $0xffff;
	_ =	sdelay $0x1  }
0x206: {  	v18 =	vor.u32 v3, v16  }
0x207: {  	v20 =	vor.u32 v4, v19;
	_ =	sdelay $0x1  }
0x208: {  	v17 =	vmul.f32 $8.000000000e+00, v17;
	_ =	sdelay $0x1  }
0x209: {  	[tilespmem:v18+s14+$0x0] =	vst.idx.msk $0xffff, v17  }
0x20a: {  	v17 =	vld.idx.msk [tilespmem:v20+s11+$0x0], $0xffff;
	_ =	sdelay $0x1  }
0x20b: {  	v18 =	vor.u32 v5, v16  }
0x20c: {  	v20 =	vor.u32 v6, v19;
	_ =	sdelay $0x1  }
0x20d: {  	v17 =	vmul.f32 $8.000000000e+00, v17;
	_ =	sdelay $0x1  }
0x20e: {  	[tilespmem:v18+s14+$0x0] =	vst.idx.msk $0xffff, v17  }
0x20f: {  	v17 =	vld.idx.msk [tilespmem:v20+s11+$0x0], $0xffff;
	_ =	sdelay $0x1  }
0x210: {  	v18 =	vor.u32 v7, v16  }
0x211: {  	v20 =	vor.u32 v8, v19;
	_ =	sdelay $0x1  }
0x212: {  	v17 =	vmul.f32 $8.000000000e+00, v17;
	_ =	sdelay $0x1  }
0x213: {  	[tilespmem:v18+s14+$0x0] =	vst.idx.msk $0xffff, v17  }
0x214: {  	v17 =	vld.idx.msk [tilespmem:v20+s11+$0x0], $0xffff;
	_ =	sdelay $0x1  }
0x215: {  	v18 =	vor.u32 v9, v16  }
0x216: {  	v20 =	vor.u32 v10, v19;
	_ =	sdelay $0x1  }
0x217: {  	v17 =	vmul.f32 $8.000000000e+00, v17;
	_ =	sdelay $0x1  }
0x218: {  	[tilespmem:v18+s14+$0x0] =	vst.idx.msk $0xffff, v17  }
0x219: {  	v17 =	vld.idx.msk [tilespmem:v20+s11+$0x0], $0xffff;
	_ =	sdelay $0x1  }
0x21a: {  	v18 =	vor.u32 v11, v16  }
0x21b: {  	v20 =	vor.u32 v12, v19;
	_ =	sdelay $0x1  }
0x21c: {  	v17 =	vmul.f32 $8.000000000e+00, v17;
	_ =	sdelay $0x1  }
0x21d: {  	[tilespmem:v18+s14+$0x0] =	vst.idx.msk $0xffff, v17  }
0x21e: {  	v17 =	vld.idx.msk [tilespmem:v20+s11+$0x0], $0xffff;
	_ =	sdelay $0x1  }
0x21f: {  	v18 =	vor.u32 v13, v16  }
0x220: {  	v19 =	vor.u32 v14, v19;
	_ =	sdelay $0x1  }
0x221: {  	v17 =	vmul.f32 $8.000000000e+00, v17;
	_ =	sdelay $0x1  }
0x222: {  	[tilespmem:v18+s14+$0x0] =	vst.idx.msk $0xffff, v17  }
0x223: {  	v17 =	vld.idx.msk [tilespmem:v19+s11+$0x0], $0xffff;
	_ =	sdelay $0x1  }
0x224: {  	v16 =	vor.u32 v15, v16;
	_ =	sdelay $0x1  }
0x225: {  	s9 =	sshll.u32 s31, $0x14  }
0x226: {  	s0 =	sor.u32 s6, s9;
	v17 =	vmul.f32 $8.000000000e+00, v17  }
0x227: {  	s3 =	sshrl.u32 s0, $0x3  }
0x228: {  	s0 =	sadd.s32 s2, s3;
	[tilespmem:v16+s14+$0x0] =	vst.idx.msk $0xffff, v17  }
0x229: {  	[hbm4b:s0+s15] =	stream.strided.scatter [tilespmem:s14], [sflag:$0x5], $0x2000, s16, s15, $0x38;
	[tilespmem:$0x1E400] =	vst v63  }
0x22a: {  	s0 =	sor.u32 $0x2, s1  }
0x22b: {  	s5 =	sshll.u32 s0, $0x7  }
0x22c: {  	s25 =	simm.s32 $0x0;
	s8 =	simm.s32 @!p0 $0x6;
	s5 =	sand.u32 $0x3FFFFF80, s5  }
0x22d: {  	v16 =	vadd.s32 s25, v0;
	[tilespmem:s17], [sflag:$0x3] =	stream.indirect.gather [hbm4b:s4+s10], $0x80, s5, s10, $0xb8;
	[tilespmem:$0x1E400] =	vst v63  }
0x22e: {  	v17 =	vand.u32 $0x3F, v16;
	_ =	swait.ge @!p0 [sflag:s8], $0x2000  }
0x22f: {  	v18 =	vor.u32 v1, v17;
	[sflag:s8] =	ssyncset.done @!p0 $0x0  }
0x230: {  	[sflag:s8] =	ssyncadd.s32 @!p0 $0xFFFFE000  }
0x231: {  	_ =	swait.ge [sflag:s18], $0x4000  }
0x232: {  	[sflag:s18] =	ssyncset.done $0x0  }
0x233: {  	[sflag:s18] =	ssyncadd.s32 $0xFFFFC000  }
0x234: {  	v16 =	vshll.u32 v16, $0x7;
	v18 =	vld.idx.msk [tilespmem:v18+s12+$0x0], $0xffff  }
0x235: {  	v16 =	vand.u32 $0x1F80, v16  }
0x236: {  	v19 =	vor.u32 v0, v16  }
0x237: {  	v20 =	vor.u32 v2, v17;
	_ =	sdelay $0x1  }
0x238: {  	v18 =	vmul.f32 $8.000000000e+00, v18;
	_ =	sdelay $0x1  }
0x239: {  	[tilespmem:v19+s19+$0x0] =	vst.idx.msk $0xffff, v18  }
0x23a: {  	v18 =	vld.idx.msk [tilespmem:v20+s12+$0x0], $0xffff;
	_ =	sdelay $0x1  }
0x23b: {  	v19 =	vor.u32 v3, v16  }
0x23c: {  	v20 =	vor.u32 v4, v17;
	_ =	sdelay $0x1  }
0x23d: {  	v18 =	vmul.f32 $8.000000000e+00, v18;
	_ =	sdelay $0x1  }
0x23e: {  	[tilespmem:v19+s19+$0x0] =	vst.idx.msk $0xffff, v18  }
0x23f: {  	v18 =	vld.idx.msk [tilespmem:v20+s12+$0x0], $0xffff;
	_ =	sdelay $0x1  }
0x240: {  	v19 =	vor.u32 v5, v16  }
0x241: {  	v20 =	vor.u32 v6, v17;
	_ =	sdelay $0x1  }
0x242: {  	v18 =	vmul.f32 $8.000000000e+00, v18;
	_ =	sdelay $0x1  }
0x243: {  	[tilespmem:v19+s19+$0x0] =	vst.idx.msk $0xffff, v18  }
0x244: {  	v18 =	vld.idx.msk [tilespmem:v20+s12+$0x0], $0xffff;
	_ =	sdelay $0x1  }
0x245: {  	v19 =	vor.u32 v7, v16  }
0x246: {  	v20 =	vor.u32 v8, v17;
	_ =	sdelay $0x1  }
0x247: {  	v18 =	vmul.f32 $8.000000000e+00, v18;
	_ =	sdelay $0x1  }
0x248: {  	[tilespmem:v19+s19+$0x0] =	vst.idx.msk $0xffff, v18  }
0x249: {  	v18 =	vld.idx.msk [tilespmem:v20+s12+$0x0], $0xffff;
	_ =	sdelay $0x1  }
0x24a: {  	v19 =	vor.u32 v9, v16  }
0x24b: {  	v20 =	vor.u32 v10, v17;
	_ =	sdelay $0x1  }
0x24c: {  	v18 =	vmul.f32 $8.000000000e+00, v18;
	_ =	sdelay $0x1  }
0x24d: {  	[tilespmem:v19+s19+$0x0] =	vst.idx.msk $0xffff, v18  }
0x24e: {  	v18 =	vld.idx.msk [tilespmem:v20+s12+$0x0], $0xffff;
	_ =	sdelay $0x1  }
0x24f: {  	v19 =	vor.u32 v11, v16  }
0x250: {  	v20 =	vor.u32 v12, v17;
	_ =	sdelay $0x1  }
0x251: {  	v18 =	vmul.f32 $8.000000000e+00, v18;
	_ =	sdelay $0x1  }
0x252: {  	[tilespmem:v19+s19+$0x0] =	vst.idx.msk $0xffff, v18  }
0x253: {  	v18 =	vld.idx.msk [tilespmem:v20+s12+$0x0], $0xffff;
	_ =	sdelay $0x1  }
0x254: {  	v19 =	vor.u32 v13, v16  }
0x255: {  	v17 =	vor.u32 v14, v17;
	_ =	sdelay $0x1  }
0x256: {  	v18 =	vmul.f32 $8.000000000e+00, v18;
	_ =	sdelay $0x1  }
0x257: {  	[tilespmem:v19+s19+$0x0] =	vst.idx.msk $0xffff, v18  }
0x258: {  	s8 =	simm.s32 $0x1;
	v17 =	vld.idx.msk [tilespmem:v17+s12+$0x0], $0xffff  }
0x259: {  	v18 =	vadd.s32 s8, v0  }
0x25a: {  	v16 =	vor.u32 v15, v16;
	v19 =	vand.u32 $0x3F, v18  }
0x25b: {  	v20 =	vor.u32 v1, v19;
	_ =	sdelay $0x1  }
0x25c: {  	v17 =	vmul.f32 $8.000000000e+00, v17;
	_ =	sdelay $0x1  }
0x25d: {  	[tilespmem:v16+s19+$0x0] =	vst.idx.msk $0xffff, v17  }
0x25e: {  	v16 =	vshll.u32 v18, $0x7;
	v17 =	vld.idx.msk [tilespmem:v20+s12+$0x0], $0xffff  }
0x25f: {  	v16 =	vand.u32 $0x1F80, v16  }
0x260: {  	v18 =	vor.u32 v0, v16  }
0x261: {  	v20 =	vor.u32 v2, v19;
	_ =	sdelay $0x1  }
0x262: {  	v17 =	vmul.f32 $8.000000000e+00, v17;
	_ =	sdelay $0x1  }
0x263: {  	[tilespmem:v18+s19+$0x0] =	vst.idx.msk $0xffff, v17  }
0x264: {  	v17 =	vld.idx.msk [tilespmem:v20+s12+$0x0], $0xffff;
	_ =	sdelay $0x1  }
0x265: {  	v18 =	vor.u32 v3, v16  }
0x266: {  	v20 =	vor.u32 v4, v19;
	_ =	sdelay $0x1  }
0x267: {  	v17 =	vmul.f32 $8.000000000e+00, v17;
	_ =	sdelay $0x1  }
0x268: {  	[tilespmem:v18+s19+$0x0] =	vst.idx.msk $0xffff, v17  }
0x269: {  	v17 =	vld.idx.msk [tilespmem:v20+s12+$0x0], $0xffff;
	_ =	sdelay $0x1  }
0x26a: {  	v18 =	vor.u32 v5, v16  }
0x26b: {  	v20 =	vor.u32 v6, v19;
	_ =	sdelay $0x1  }
0x26c: {  	v17 =	vmul.f32 $8.000000000e+00, v17;
	_ =	sdelay $0x1  }
0x26d: {  	[tilespmem:v18+s19+$0x0] =	vst.idx.msk $0xffff, v17  }
0x26e: {  	v17 =	vld.idx.msk [tilespmem:v20+s12+$0x0], $0xffff;
	_ =	sdelay $0x1  }
0x26f: {  	v18 =	vor.u32 v7, v16  }
0x270: {  	v20 =	vor.u32 v8, v19;
	_ =	sdelay $0x1  }
0x271: {  	v17 =	vmul.f32 $8.000000000e+00, v17;
	_ =	sdelay $0x1  }
0x272: {  	[tilespmem:v18+s19+$0x0] =	vst.idx.msk $0xffff, v17  }
0x273: {  	v17 =	vld.idx.msk [tilespmem:v20+s12+$0x0], $0xffff;
	_ =	sdelay $0x1  }
0x274: {  	v18 =	vor.u32 v9, v16  }
0x275: {  	v20 =	vor.u32 v10, v19;
	_ =	sdelay $0x1  }
0x276: {  	v17 =	vmul.f32 $8.000000000e+00, v17;
	_ =	sdelay $0x1  }
0x277: {  	[tilespmem:v18+s19+$0x0] =	vst.idx.msk $0xffff, v17  }
0x278: {  	v17 =	vld.idx.msk [tilespmem:v20+s12+$0x0], $0xffff;
	_ =	sdelay $0x1  }
0x279: {  	v18 =	vor.u32 v11, v16  }
0x27a: {  	v20 =	vor.u32 v12, v19;
	_ =	sdelay $0x1  }
0x27b: {  	v17 =	vmul.f32 $8.000000000e+00, v17;
	_ =	sdelay $0x1  }
0x27c: {  	[tilespmem:v18+s19+$0x0] =	vst.idx.msk $0xffff, v17  }
0x27d: {  	v17 =	vld.idx.msk [tilespmem:v20+s12+$0x0], $0xffff;
	_ =	sdelay $0x1  }
0x27e: {  	v18 =	vor.u32 v13, v16  }
0x27f: {  	v19 =	vor.u32 v14, v19;
	_ =	sdelay $0x1  }
0x280: {  	v17 =	vmul.f32 $8.000000000e+00, v17;
	_ =	sdelay $0x1  }
0x281: {  	[tilespmem:v18+s19+$0x0] =	vst.idx.msk $0xffff, v17  }
0x282: {  	s9 =	simm.s32 $0x2;
	v17 =	vld.idx.msk [tilespmem:v19+s12+$0x0], $0xffff  }
0x283: {  	v18 =	vadd.s32 s9, v0  }
0x284: {  	v16 =	vor.u32 v15, v16;
	v19 =	vand.u32 $0x3F, v18  }
0x285: {  	v20 =	vor.u32 v1, v19;
	_ =	sdelay $0x1  }
0x286: {  	v17 =	vmul.f32 $8.000000000e+00, v17;
	_ =	sdelay $0x1  }
0x287: {  	[tilespmem:v16+s19+$0x0] =	vst.idx.msk $0xffff, v17  }
0x288: {  	v16 =	vshll.u32 v18, $0x7;
	v17 =	vld.idx.msk [tilespmem:v20+s12+$0x0], $0xffff  }
0x289: {  	v16 =	vand.u32 $0x1F80, v16  }
0x28a: {  	v18 =	vor.u32 v0, v16  }
0x28b: {  	v20 =	vor.u32 v2, v19;
	_ =	sdelay $0x1  }
0x28c: {  	v17 =	vmul.f32 $8.000000000e+00, v17;
	_ =	sdelay $0x1  }
0x28d: {  	[tilespmem:v18+s19+$0x0] =	vst.idx.msk $0xffff, v17  }
0x28e: {  	v17 =	vld.idx.msk [tilespmem:v20+s12+$0x0], $0xffff;
	_ =	sdelay $0x1  }
0x28f: {  	v18 =	vor.u32 v3, v16  }
0x290: {  	v20 =	vor.u32 v4, v19;
	_ =	sdelay $0x1  }
0x291: {  	v17 =	vmul.f32 $8.000000000e+00, v17;
	_ =	sdelay $0x1  }
0x292: {  	[tilespmem:v18+s19+$0x0] =	vst.idx.msk $0xffff, v17  }
0x293: {  	v17 =	vld.idx.msk [tilespmem:v20+s12+$0x0], $0xffff;
	_ =	sdelay $0x1  }
0x294: {  	v18 =	vor.u32 v5, v16  }
0x295: {  	v20 =	vor.u32 v6, v19;
	_ =	sdelay $0x1  }
0x296: {  	v17 =	vmul.f32 $8.000000000e+00, v17;
	_ =	sdelay $0x1  }
0x297: {  	[tilespmem:v18+s19+$0x0] =	vst.idx.msk $0xffff, v17  }
0x298: {  	v17 =	vld.idx.msk [tilespmem:v20+s12+$0x0], $0xffff;
	_ =	sdelay $0x1  }
0x299: {  	v18 =	vor.u32 v7, v16  }
0x29a: {  	v20 =	vor.u32 v8, v19;
	_ =	sdelay $0x1  }
0x29b: {  	v17 =	vmul.f32 $8.000000000e+00, v17;
	_ =	sdelay $0x1  }
0x29c: {  	[tilespmem:v18+s19+$0x0] =	vst.idx.msk $0xffff, v17  }
0x29d: {  	v17 =	vld.idx.msk [tilespmem:v20+s12+$0x0], $0xffff;
	_ =	sdelay $0x1  }
0x29e: {  	v18 =	vor.u32 v9, v16  }
0x29f: {  	v20 =	vor.u32 v10, v19;
	_ =	sdelay $0x1  }
0x2a0: {  	v17 =	vmul.f32 $8.000000000e+00, v17;
	_ =	sdelay $0x1  }
0x2a1: {  	[tilespmem:v18+s19+$0x0] =	vst.idx.msk $0xffff, v17  }
0x2a2: {  	v17 =	vld.idx.msk [tilespmem:v20+s12+$0x0], $0xffff;
	_ =	sdelay $0x1  }
0x2a3: {  	v18 =	vor.u32 v11, v16  }
0x2a4: {  	v20 =	vor.u32 v12, v19;
	_ =	sdelay $0x1  }
0x2a5: {  	v17 =	vmul.f32 $8.000000000e+00, v17;
	_ =	sdelay $0x1  }
0x2a6: {  	[tilespmem:v18+s19+$0x0] =	vst.idx.msk $0xffff, v17  }
0x2a7: {  	v17 =	vld.idx.msk [tilespmem:v20+s12+$0x0], $0xffff;
	_ =	sdelay $0x1  }
0x2a8: {  	v18 =	vor.u32 v13, v16  }
0x2a9: {  	v19 =	vor.u32 v14, v19;
	_ =	sdelay $0x1  }
0x2aa: {  	v17 =	vmul.f32 $8.000000000e+00, v17;
	_ =	sdelay $0x1  }
0x2ab: {  	[tilespmem:v18+s19+$0x0] =	vst.idx.msk $0xffff, v17  }
0x2ac: {  	s25 =	simm.s32 $0x3;
	v17 =	vld.idx.msk [tilespmem:v19+s12+$0x0], $0xffff  }
0x2ad: {  	v18 =	vadd.s32 s25, v0  }
0x2ae: {  	v16 =	vor.u32 v15, v16;
	v19 =	vand.u32 $0x3F, v18  }
0x2af: {  	v20 =	vor.u32 v1, v19;
	_ =	sdelay $0x1  }
0x2b0: {  	v17 =	vmul.f32 $8.000000000e+00, v17;
	_ =	sdelay $0x1  }
0x2b1: {  	[tilespmem:v16+s19+$0x0] =	vst.idx.msk $0xffff, v17  }
0x2b2: {  	v16 =	vshll.u32 v18, $0x7;
	v17 =	vld.idx.msk [tilespmem:v20+s12+$0x0], $0xffff  }
0x2b3: {  	v16 =	vand.u32 $0x1F80, v16  }
0x2b4: {  	v18 =	vor.u32 v0, v16  }
0x2b5: {  	v20 =	vor.u32 v2, v19;
	_ =	sdelay $0x1  }
0x2b6: {  	v17 =	vmul.f32 $8.000000000e+00, v17;
	_ =	sdelay $0x1  }
0x2b7: {  	[tilespmem:v18+s19+$0x0] =	vst.idx.msk $0xffff, v17  }
0x2b8: {  	v17 =	vld.idx.msk [tilespmem:v20+s12+$0x0], $0xffff;
	_ =	sdelay $0x1  }
0x2b9: {  	v18 =	vor.u32 v3, v16  }
0x2ba: {  	v20 =	vor.u32 v4, v19;
	_ =	sdelay $0x1  }
0x2bb: {  	v17 =	vmul.f32 $8.000000000e+00, v17;
	_ =	sdelay $0x1  }
0x2bc: {  	[tilespmem:v18+s19+$0x0] =	vst.idx.msk $0xffff, v17  }
0x2bd: {  	v17 =	vld.idx.msk [tilespmem:v20+s12+$0x0], $0xffff;
	_ =	sdelay $0x1  }
0x2be: {  	v18 =	vor.u32 v5, v16  }
0x2bf: {  	v20 =	vor.u32 v6, v19;
	_ =	sdelay $0x1  }
0x2c0: {  	v17 =	vmul.f32 $8.000000000e+00, v17;
	_ =	sdelay $0x1  }
0x2c1: {  	[tilespmem:v18+s19+$0x0] =	vst.idx.msk $0xffff, v17  }
0x2c2: {  	v17 =	vld.idx.msk [tilespmem:v20+s12+$0x0], $0xffff;
	_ =	sdelay $0x1  }
0x2c3: {  	v18 =	vor.u32 v7, v16  }
0x2c4: {  	v20 =	vor.u32 v8, v19;
	_ =	sdelay $0x1  }
0x2c5: {  	v17 =	vmul.f32 $8.000000000e+00, v17;
	_ =	sdelay $0x1  }
0x2c6: {  	[tilespmem:v18+s19+$0x0] =	vst.idx.msk $0xffff, v17  }
0x2c7: {  	v17 =	vld.idx.msk [tilespmem:v20+s12+$0x0], $0xffff;
	_ =	sdelay $0x1  }
0x2c8: {  	v18 =	vor.u32 v9, v16  }
0x2c9: {  	v20 =	vor.u32 v10, v19;
	_ =	sdelay $0x1  }
0x2ca: {  	v17 =	vmul.f32 $8.000000000e+00, v17;
	_ =	sdelay $0x1  }
0x2cb: {  	[tilespmem:v18+s19+$0x0] =	vst.idx.msk $0xffff, v17  }
0x2cc: {  	v17 =	vld.idx.msk [tilespmem:v20+s12+$0x0], $0xffff;
	_ =	sdelay $0x1  }
0x2cd: {  	v18 =	vor.u32 v11, v16  }
0x2ce: {  	v20 =	vor.u32 v12, v19;
	_ =	sdelay $0x1  }
0x2cf: {  	v17 =	vmul.f32 $8.000000000e+00, v17;
	_ =	sdelay $0x1  }
0x2d0: {  	[tilespmem:v18+s19+$0x0] =	vst.idx.msk $0xffff, v17  }
0x2d1: {  	v17 =	vld.idx.msk [tilespmem:v20+s12+$0x0], $0xffff;
	_ =	sdelay $0x1  }
0x2d2: {  	v18 =	vor.u32 v13, v16  }
0x2d3: {  	v19 =	vor.u32 v14, v19;
	_ =	sdelay $0x1  }
0x2d4: {  	v17 =	vmul.f32 $8.000000000e+00, v17;
	_ =	sdelay $0x1  }
0x2d5: {  	[tilespmem:v18+s19+$0x0] =	vst.idx.msk $0xffff, v17  }
0x2d6: {  	s5 =	simm.s32 $0x4;
	v20 =	vld.idx.msk [tilespmem:v19+s12+$0x0], $0xffff  }
0x2d7: {  	v18 =	vadd.s32 s5, v0  }
0x2d8: {  	v17 =	vand.u32 $0x3F, v18;
	v19 =	vor.u32 v15, v16  }
0x2d9: {  	v21 =	vshll.u32 v18, $0x7;
	v18 =	vor.u32 v1, v17;
	_ =	sdelay $0x1  }
0x2da: {  	s8 =	simm.s32 $0x8;
	v16 =	vand.u32 $0x1F80, v21;
	v20 =	vmul.f32 $8.000000000e+00, v20  }
.LBB2_5:
0x2db: {  	_ = 	snop  }
0x2dc: {  	p1 =	slt.u32 s8, $0x3C;
	s9 =	smov.u32 s8;
	s8 =	sadd.s32 $0x4, s8;
	[tilespmem:v19+s19+$0x0] =	vst.idx.msk $0xffff, v20  }
0x2dd: {  	v18 =	vld.idx.msk [tilespmem:v18+s12+$0x0], $0xffff;
	_ =	sdelay $0x2  }
0x2de: {  	v19 =	vor.u32 v0, v16  }
0x2df: {  	v20 =	vor.u32 v2, v17;
	_ =	sdelay $0x1  }
0x2e0: {  	v18 =	vmul.f32 $8.000000000e+00, v18;
	_ =	sdelay $0x1  }
0x2e1: {  	[tilespmem:v19+s19+$0x0] =	vst.idx.msk $0xffff, v18  }
0x2e2: {  	v18 =	vld.idx.msk [tilespmem:v20+s12+$0x0], $0xffff;
	_ =	sdelay $0x2  }
0x2e3: {  	v19 =	vor.u32 v3, v16  }
0x2e4: {  	v20 =	vor.u32 v4, v17;
	_ =	sdelay $0x1  }
0x2e5: {  	v18 =	vmul.f32 $8.000000000e+00, v18;
	_ =	sdelay $0x1  }
0x2e6: {  	[tilespmem:v19+s19+$0x0] =	vst.idx.msk $0xffff, v18  }
0x2e7: {  	v18 =	vld.idx.msk [tilespmem:v20+s12+$0x0], $0xffff;
	_ =	sdelay $0x2  }
0x2e8: {  	v19 =	vor.u32 v5, v16  }
0x2e9: {  	v20 =	vor.u32 v6, v17;
	_ =	sdelay $0x1  }
0x2ea: {  	v18 =	vmul.f32 $8.000000000e+00, v18;
	_ =	sdelay $0x1  }
0x2eb: {  	[tilespmem:v19+s19+$0x0] =	vst.idx.msk $0xffff, v18  }
0x2ec: {  	v18 =	vld.idx.msk [tilespmem:v20+s12+$0x0], $0xffff;
	_ =	sdelay $0x2  }
0x2ed: {  	v19 =	vor.u32 v7, v16  }
0x2ee: {  	v20 =	vor.u32 v8, v17;
	_ =	sdelay $0x1  }
0x2ef: {  	v18 =	vmul.f32 $8.000000000e+00, v18;
	_ =	sdelay $0x1  }
0x2f0: {  	[tilespmem:v19+s19+$0x0] =	vst.idx.msk $0xffff, v18  }
0x2f1: {  	v18 =	vld.idx.msk [tilespmem:v20+s12+$0x0], $0xffff;
	_ =	sdelay $0x2  }
0x2f2: {  	v19 =	vor.u32 v9, v16  }
0x2f3: {  	v20 =	vor.u32 v10, v17;
	_ =	sdelay $0x1  }
0x2f4: {  	v18 =	vmul.f32 $8.000000000e+00, v18;
	_ =	sdelay $0x1  }
0x2f5: {  	[tilespmem:v19+s19+$0x0] =	vst.idx.msk $0xffff, v18  }
0x2f6: {  	v18 =	vld.idx.msk [tilespmem:v20+s12+$0x0], $0xffff;
	_ =	sdelay $0x2  }
0x2f7: {  	v19 =	vor.u32 v11, v16  }
0x2f8: {  	v20 =	vor.u32 v12, v17;
	_ =	sdelay $0x1  }
0x2f9: {  	v18 =	vmul.f32 $8.000000000e+00, v18;
	_ =	sdelay $0x1  }
0x2fa: {  	[tilespmem:v19+s19+$0x0] =	vst.idx.msk $0xffff, v18  }
0x2fb: {  	v18 =	vld.idx.msk [tilespmem:v20+s12+$0x0], $0xffff;
	_ =	sdelay $0x2  }
0x2fc: {  	v19 =	vor.u32 v13, v16  }
0x2fd: {  	v17 =	vor.u32 v14, v17;
	_ =	sdelay $0x1  }
0x2fe: {  	v18 =	vmul.f32 $8.000000000e+00, v18;
	_ =	sdelay $0x1  }
0x2ff: {  	[tilespmem:v19+s19+$0x0] =	vst.idx.msk $0xffff, v18  }
0x300: {  	v17 =	vld.idx.msk [tilespmem:v17+s12+$0x0], $0xffff  }
0x301: {  	s25 =	sadd.s32 $0x1, s5  }
0x302: {  	v18 =	vadd.s32 s25, v0  }
0x303: {  	v16 =	vor.u32 v15, v16;
	v19 =	vand.u32 $0x3F, v18;
	v18 =	vshll.u32 v18, $0x7  }
0x304: {  	v20 =	vor.u32 v1, v19;
	v18 =	vand.u32 $0x1F80, v18;
	_ =	sdelay $0x1  }
0x305: {  	v17 =	vmul.f32 $8.000000000e+00, v17;
	_ =	sdelay $0x1  }
0x306: {  	[tilespmem:v16+s19+$0x0] =	vst.idx.msk $0xffff, v17  }
0x307: {  	v16 =	vld.idx.msk [tilespmem:v20+s12+$0x0], $0xffff;
	_ =	sdelay $0x2  }
0x308: {  	v17 =	vor.u32 v0, v18  }
0x309: {  	v20 =	vor.u32 v2, v19;
	_ =	sdelay $0x1  }
0x30a: {  	v16 =	vmul.f32 $8.000000000e+00, v16;
	_ =	sdelay $0x1  }
0x30b: {  	[tilespmem:v17+s19+$0x0] =	vst.idx.msk $0xffff, v16  }
0x30c: {  	v16 =	vld.idx.msk [tilespmem:v20+s12+$0x0], $0xffff;
	_ =	sdelay $0x2  }
0x30d: {  	v17 =	vor.u32 v3, v18  }
0x30e: {  	v20 =	vor.u32 v4, v19;
	_ =	sdelay $0x1  }
0x30f: {  	v16 =	vmul.f32 $8.000000000e+00, v16;
	_ =	sdelay $0x1  }
0x310: {  	[tilespmem:v17+s19+$0x0] =	vst.idx.msk $0xffff, v16  }
0x311: {  	v16 =	vld.idx.msk [tilespmem:v20+s12+$0x0], $0xffff;
	_ =	sdelay $0x2  }
0x312: {  	v17 =	vor.u32 v5, v18  }
0x313: {  	v20 =	vor.u32 v6, v19;
	_ =	sdelay $0x1  }
0x314: {  	v16 =	vmul.f32 $8.000000000e+00, v16;
	_ =	sdelay $0x1  }
0x315: {  	[tilespmem:v17+s19+$0x0] =	vst.idx.msk $0xffff, v16  }
0x316: {  	v16 =	vld.idx.msk [tilespmem:v20+s12+$0x0], $0xffff;
	_ =	sdelay $0x2  }
0x317: {  	v17 =	vor.u32 v7, v18  }
0x318: {  	v20 =	vor.u32 v8, v19;
	_ =	sdelay $0x1  }
0x319: {  	v16 =	vmul.f32 $8.000000000e+00, v16;
	_ =	sdelay $0x1  }
0x31a: {  	[tilespmem:v17+s19+$0x0] =	vst.idx.msk $0xffff, v16  }
0x31b: {  	v16 =	vld.idx.msk [tilespmem:v20+s12+$0x0], $0xffff;
	_ =	sdelay $0x2  }
0x31c: {  	v17 =	vor.u32 v9, v18  }
0x31d: {  	v20 =	vor.u32 v10, v19;
	_ =	sdelay $0x1  }
0x31e: {  	v16 =	vmul.f32 $8.000000000e+00, v16;
	_ =	sdelay $0x1  }
0x31f: {  	[tilespmem:v17+s19+$0x0] =	vst.idx.msk $0xffff, v16  }
0x320: {  	v16 =	vld.idx.msk [tilespmem:v20+s12+$0x0], $0xffff;
	_ =	sdelay $0x2  }
0x321: {  	v17 =	vor.u32 v11, v18  }
0x322: {  	v20 =	vor.u32 v12, v19;
	_ =	sdelay $0x1  }
0x323: {  	v16 =	vmul.f32 $8.000000000e+00, v16;
	_ =	sdelay $0x1  }
0x324: {  	[tilespmem:v17+s19+$0x0] =	vst.idx.msk $0xffff, v16  }
0x325: {  	v16 =	vld.idx.msk [tilespmem:v20+s12+$0x0], $0xffff;
	_ =	sdelay $0x2  }
0x326: {  	v17 =	vor.u32 v13, v18  }
0x327: {  	v19 =	vor.u32 v14, v19;
	_ =	sdelay $0x1  }
0x328: {  	v16 =	vmul.f32 $8.000000000e+00, v16;
	_ =	sdelay $0x1  }
0x329: {  	[tilespmem:v17+s19+$0x0] =	vst.idx.msk $0xffff, v16  }
0x32a: {  	v16 =	vld.idx.msk [tilespmem:v19+s12+$0x0], $0xffff  }
0x32b: {  	s25 =	sadd.s32 $0x2, s5  }
0x32c: {  	v17 =	vadd.s32 s25, v0  }
0x32d: {  	v18 =	vor.u32 v15, v18;
	v19 =	vand.u32 $0x3F, v17;
	v17 =	vshll.u32 v17, $0x7  }
0x32e: {  	v20 =	vor.u32 v1, v19;
	v17 =	vand.u32 $0x1F80, v17;
	_ =	sdelay $0x1  }
0x32f: {  	v16 =	vmul.f32 $8.000000000e+00, v16;
	_ =	sdelay $0x1  }
0x330: {  	[tilespmem:v18+s19+$0x0] =	vst.idx.msk $0xffff, v16  }
0x331: {  	v16 =	vld.idx.msk [tilespmem:v20+s12+$0x0], $0xffff;
	_ =	sdelay $0x2  }
0x332: {  	v18 =	vor.u32 v0, v17  }
0x333: {  	v20 =	vor.u32 v2, v19;
	_ =	sdelay $0x1  }
0x334: {  	v16 =	vmul.f32 $8.000000000e+00, v16;
	_ =	sdelay $0x1  }
0x335: {  	[tilespmem:v18+s19+$0x0] =	vst.idx.msk $0xffff, v16  }
0x336: {  	v16 =	vld.idx.msk [tilespmem:v20+s12+$0x0], $0xffff;
	_ =	sdelay $0x2  }
0x337: {  	v18 =	vor.u32 v3, v17  }
0x338: {  	v20 =	vor.u32 v4, v19;
	_ =	sdelay $0x1  }
0x339: {  	v16 =	vmul.f32 $8.000000000e+00, v16;
	_ =	sdelay $0x1  }
0x33a: {  	[tilespmem:v18+s19+$0x0] =	vst.idx.msk $0xffff, v16  }
0x33b: {  	v16 =	vld.idx.msk [tilespmem:v20+s12+$0x0], $0xffff;
	_ =	sdelay $0x2  }
0x33c: {  	v18 =	vor.u32 v5, v17  }
0x33d: {  	v20 =	vor.u32 v6, v19;
	_ =	sdelay $0x1  }
0x33e: {  	v16 =	vmul.f32 $8.000000000e+00, v16;
	_ =	sdelay $0x1  }
0x33f: {  	[tilespmem:v18+s19+$0x0] =	vst.idx.msk $0xffff, v16  }
0x340: {  	v16 =	vld.idx.msk [tilespmem:v20+s12+$0x0], $0xffff;
	_ =	sdelay $0x2  }
0x341: {  	v18 =	vor.u32 v7, v17  }
0x342: {  	v20 =	vor.u32 v8, v19;
	_ =	sdelay $0x1  }
0x343: {  	v16 =	vmul.f32 $8.000000000e+00, v16;
	_ =	sdelay $0x1  }
0x344: {  	[tilespmem:v18+s19+$0x0] =	vst.idx.msk $0xffff, v16  }
0x345: {  	v16 =	vld.idx.msk [tilespmem:v20+s12+$0x0], $0xffff;
	_ =	sdelay $0x2  }
0x346: {  	v18 =	vor.u32 v9, v17  }
0x347: {  	v20 =	vor.u32 v10, v19;
	_ =	sdelay $0x1  }
0x348: {  	v16 =	vmul.f32 $8.000000000e+00, v16;
	_ =	sdelay $0x1  }
0x349: {  	[tilespmem:v18+s19+$0x0] =	vst.idx.msk $0xffff, v16  }
0x34a: {  	v16 =	vld.idx.msk [tilespmem:v20+s12+$0x0], $0xffff;
	_ =	sdelay $0x2  }
0x34b: {  	v18 =	vor.u32 v11, v17  }
0x34c: {  	v20 =	vor.u32 v12, v19;
	_ =	sdelay $0x1  }
0x34d: {  	v16 =	vmul.f32 $8.000000000e+00, v16;
	_ =	sdelay $0x1  }
0x34e: {  	[tilespmem:v18+s19+$0x0] =	vst.idx.msk $0xffff, v16  }
0x34f: {  	v16 =	vld.idx.msk [tilespmem:v20+s12+$0x0], $0xffff;
	_ =	sdelay $0x2  }
0x350: {  	v18 =	vor.u32 v13, v17  }
0x351: {  	v19 =	vor.u32 v14, v19;
	_ =	sdelay $0x1  }
0x352: {  	v16 =	vmul.f32 $8.000000000e+00, v16;
	_ =	sdelay $0x1  }
0x353: {  	[tilespmem:v18+s19+$0x0] =	vst.idx.msk $0xffff, v16  }
0x354: {  	v16 =	vld.idx.msk [tilespmem:v19+s12+$0x0], $0xffff  }
0x355: {  	s25 =	sadd.s32 $0x3, s5;
	s5 =	smov.u32 s9  }
0x356: {  	v18 =	vadd.s32 s25, v0  }
0x357: {  	v17 =	vor.u32 v15, v17;
	v19 =	vand.u32 $0x3F, v18;
	v18 =	vshll.u32 v18, $0x7  }
0x358: {  	v20 =	vor.u32 v1, v19;
	v18 =	vand.u32 $0x1F80, v18;
	_ =	sdelay $0x1  }
0x359: {  	v16 =	vmul.f32 $8.000000000e+00, v16;
	_ =	sdelay $0x1  }
0x35a: {  	[tilespmem:v17+s19+$0x0] =	vst.idx.msk $0xffff, v16  }
0x35b: {  	v16 =	vld.idx.msk [tilespmem:v20+s12+$0x0], $0xffff;
	_ =	sdelay $0x2  }
0x35c: {  	v17 =	vor.u32 v0, v18  }
0x35d: {  	v20 =	vor.u32 v2, v19;
	_ =	sdelay $0x1  }
0x35e: {  	v16 =	vmul.f32 $8.000000000e+00, v16;
	_ =	sdelay $0x1  }
0x35f: {  	[tilespmem:v17+s19+$0x0] =	vst.idx.msk $0xffff, v16  }
0x360: {  	v16 =	vld.idx.msk [tilespmem:v20+s12+$0x0], $0xffff;
	_ =	sdelay $0x2  }
0x361: {  	v17 =	vor.u32 v3, v18  }
0x362: {  	v20 =	vor.u32 v4, v19;
	_ =	sdelay $0x1  }
0x363: {  	v16 =	vmul.f32 $8.000000000e+00, v16;
	_ =	sdelay $0x1  }
0x364: {  	[tilespmem:v17+s19+$0x0] =	vst.idx.msk $0xffff, v16  }
0x365: {  	v16 =	vld.idx.msk [tilespmem:v20+s12+$0x0], $0xffff;
	_ =	sdelay $0x2  }
0x366: {  	v17 =	vor.u32 v5, v18  }
0x367: {  	v20 =	vor.u32 v6, v19;
	_ =	sdelay $0x1  }
0x368: {  	v16 =	vmul.f32 $8.000000000e+00, v16;
	_ =	sdelay $0x1  }
0x369: {  	[tilespmem:v17+s19+$0x0] =	vst.idx.msk $0xffff, v16  }
0x36a: {  	v16 =	vld.idx.msk [tilespmem:v20+s12+$0x0], $0xffff;
	_ =	sdelay $0x2  }
0x36b: {  	v17 =	vor.u32 v7, v18  }
0x36c: {  	v20 =	vor.u32 v8, v19;
	_ =	sdelay $0x1  }
0x36d: {  	v16 =	vmul.f32 $8.000000000e+00, v16;
	_ =	sdelay $0x1  }
0x36e: {  	[tilespmem:v17+s19+$0x0] =	vst.idx.msk $0xffff, v16  }
0x36f: {  	v16 =	vld.idx.msk [tilespmem:v20+s12+$0x0], $0xffff;
	_ =	sdelay $0x2  }
0x370: {  	v17 =	vor.u32 v9, v18  }
0x371: {  	v20 =	vor.u32 v10, v19;
	_ =	sdelay $0x1  }
0x372: {  	v16 =	vmul.f32 $8.000000000e+00, v16;
	_ =	sdelay $0x1  }
0x373: {  	[tilespmem:v17+s19+$0x0] =	vst.idx.msk $0xffff, v16  }
0x374: {  	v16 =	vld.idx.msk [tilespmem:v20+s12+$0x0], $0xffff;
	_ =	sdelay $0x2  }
0x375: {  	v17 =	vor.u32 v11, v18  }
0x376: {  	v20 =	vor.u32 v12, v19;
	_ =	sdelay $0x1  }
0x377: {  	v16 =	vmul.f32 $8.000000000e+00, v16;
	_ =	sdelay $0x1  }
0x378: {  	[tilespmem:v17+s19+$0x0] =	vst.idx.msk $0xffff, v16  }
0x379: {  	v16 =	vld.idx.msk [tilespmem:v20+s12+$0x0], $0xffff;
	_ =	sdelay $0x2  }
0x37a: {  	v17 =	vor.u32 v13, v18  }
0x37b: {  	v19 =	vor.u32 v14, v19;
	_ =	sdelay $0x1  }
0x37c: {  	v16 =	vmul.f32 $8.000000000e+00, v16;
	_ =	sdelay $0x1  }
0x37d: {  	[tilespmem:v17+s19+$0x0] =	vst.idx.msk $0xffff, v16  }
0x37e: {  	v20 =	vld.idx.msk [tilespmem:v19+s12+$0x0], $0xffff;
	_ =	sdelay $0x1  }
.Ltmp3:
0x37f: {  	v16 =	vadd.s32 s5, v0;
	(pc) =	sbr.rel @p1 .LBB2_5-.Ltmp3, $3  }
0x380: {  	v17 =	vand.u32 $0x3F, v16;
	v16 =	vshll.u32 v16, $0x7;
	v19 =	vor.u32 v15, v18  }
0x381: {  	v18 =	vor.u32 v1, v17;
	v16 =	vand.u32 $0x1F80, v16;
	_ =	sdelay $0x1  }
0x382: {  	v20 =	vmul.f32 $8.000000000e+00, v20  }
0x383: {  	_ =	sdelay $0x3  }
0x384: {  	[tilespmem:v19+s19+$0x0] =	vst.idx.msk $0xffff, v20  }
0x385: {  	v18 =	vld.idx.msk [tilespmem:v18+s12+$0x0], $0xffff;
	_ =	sdelay $0x1  }
0x386: {  	v19 =	vor.u32 v0, v16  }
0x387: {  	v20 =	vor.u32 v2, v17;
	_ =	sdelay $0x1  }
0x388: {  	v18 =	vmul.f32 $8.000000000e+00, v18;
	_ =	sdelay $0x1  }
0x389: {  	[tilespmem:v19+s19+$0x0] =	vst.idx.msk $0xffff, v18  }
0x38a: {  	v18 =	vld.idx.msk [tilespmem:v20+s12+$0x0], $0xffff;
	_ =	sdelay $0x1  }
0x38b: {  	v19 =	vor.u32 v3, v16  }
0x38c: {  	v20 =	vor.u32 v4, v17;
	_ =	sdelay $0x1  }
0x38d: {  	v18 =	vmul.f32 $8.000000000e+00, v18;
	_ =	sdelay $0x1  }
0x38e: {  	[tilespmem:v19+s19+$0x0] =	vst.idx.msk $0xffff, v18  }
0x38f: {  	v18 =	vld.idx.msk [tilespmem:v20+s12+$0x0], $0xffff;
	_ =	sdelay $0x1  }
0x390: {  	v19 =	vor.u32 v5, v16  }
0x391: {  	v20 =	vor.u32 v6, v17;
	_ =	sdelay $0x1  }
0x392: {  	v18 =	vmul.f32 $8.000000000e+00, v18;
	_ =	sdelay $0x1  }
0x393: {  	[tilespmem:v19+s19+$0x0] =	vst.idx.msk $0xffff, v18  }
0x394: {  	v18 =	vld.idx.msk [tilespmem:v20+s12+$0x0], $0xffff;
	_ =	sdelay $0x1  }
0x395: {  	v19 =	vor.u32 v7, v16  }
0x396: {  	v20 =	vor.u32 v8, v17;
	_ =	sdelay $0x1  }
0x397: {  	v18 =	vmul.f32 $8.000000000e+00, v18;
	_ =	sdelay $0x1  }
0x398: {  	[tilespmem:v19+s19+$0x0] =	vst.idx.msk $0xffff, v18  }
0x399: {  	v18 =	vld.idx.msk [tilespmem:v20+s12+$0x0], $0xffff;
	_ =	sdelay $0x1  }
0x39a: {  	v19 =	vor.u32 v9, v16  }
0x39b: {  	v20 =	vor.u32 v10, v17;
	_ =	sdelay $0x1  }
0x39c: {  	v18 =	vmul.f32 $8.000000000e+00, v18;
	_ =	sdelay $0x1  }
0x39d: {  	[tilespmem:v19+s19+$0x0] =	vst.idx.msk $0xffff, v18  }
0x39e: {  	v18 =	vld.idx.msk [tilespmem:v20+s12+$0x0], $0xffff;
	_ =	sdelay $0x1  }
0x39f: {  	v19 =	vor.u32 v11, v16  }
0x3a0: {  	v20 =	vor.u32 v12, v17;
	_ =	sdelay $0x1  }
0x3a1: {  	v18 =	vmul.f32 $8.000000000e+00, v18;
	_ =	sdelay $0x1  }
0x3a2: {  	[tilespmem:v19+s19+$0x0] =	vst.idx.msk $0xffff, v18  }
0x3a3: {  	v18 =	vld.idx.msk [tilespmem:v20+s12+$0x0], $0xffff;
	_ =	sdelay $0x1  }
0x3a4: {  	v19 =	vor.u32 v13, v16  }
0x3a5: {  	v17 =	vor.u32 v14, v17;
	_ =	sdelay $0x1  }
0x3a6: {  	v18 =	vmul.f32 $8.000000000e+00, v18;
	_ =	sdelay $0x1  }
0x3a7: {  	[tilespmem:v19+s19+$0x0] =	vst.idx.msk $0xffff, v18  }
0x3a8: {  	s8 =	sadd.s32 $0x1, s5;
	v17 =	vld.idx.msk [tilespmem:v17+s12+$0x0], $0xffff  }
0x3a9: {  	v18 =	vadd.s32 s8, v0  }
0x3aa: {  	v16 =	vor.u32 v15, v16;
	v19 =	vand.u32 $0x3F, v18  }
0x3ab: {  	v20 =	vor.u32 v1, v19;
	_ =	sdelay $0x1  }
0x3ac: {  	v17 =	vmul.f32 $8.000000000e+00, v17;
	_ =	sdelay $0x1  }
0x3ad: {  	[tilespmem:v16+s19+$0x0] =	vst.idx.msk $0xffff, v17  }
0x3ae: {  	v16 =	vshll.u32 v18, $0x7;
	v17 =	vld.idx.msk [tilespmem:v20+s12+$0x0], $0xffff  }
0x3af: {  	v16 =	vand.u32 $0x1F80, v16  }
0x3b0: {  	v18 =	vor.u32 v0, v16  }
0x3b1: {  	v20 =	vor.u32 v2, v19;
	_ =	sdelay $0x1  }
0x3b2: {  	v17 =	vmul.f32 $8.000000000e+00, v17;
	_ =	sdelay $0x1  }
0x3b3: {  	[tilespmem:v18+s19+$0x0] =	vst.idx.msk $0xffff, v17  }
0x3b4: {  	v17 =	vld.idx.msk [tilespmem:v20+s12+$0x0], $0xffff;
	_ =	sdelay $0x1  }
0x3b5: {  	v18 =	vor.u32 v3, v16  }
0x3b6: {  	v20 =	vor.u32 v4, v19;
	_ =	sdelay $0x1  }
0x3b7: {  	v17 =	vmul.f32 $8.000000000e+00, v17;
	_ =	sdelay $0x1  }
0x3b8: {  	[tilespmem:v18+s19+$0x0] =	vst.idx.msk $0xffff, v17  }
0x3b9: {  	v17 =	vld.idx.msk [tilespmem:v20+s12+$0x0], $0xffff;
	_ =	sdelay $0x1  }
0x3ba: {  	v18 =	vor.u32 v5, v16  }
0x3bb: {  	v20 =	vor.u32 v6, v19;
	_ =	sdelay $0x1  }
0x3bc: {  	v17 =	vmul.f32 $8.000000000e+00, v17;
	_ =	sdelay $0x1  }
0x3bd: {  	[tilespmem:v18+s19+$0x0] =	vst.idx.msk $0xffff, v17  }
0x3be: {  	v17 =	vld.idx.msk [tilespmem:v20+s12+$0x0], $0xffff;
	_ =	sdelay $0x1  }
0x3bf: {  	v18 =	vor.u32 v7, v16  }
0x3c0: {  	v20 =	vor.u32 v8, v19;
	_ =	sdelay $0x1  }
0x3c1: {  	v17 =	vmul.f32 $8.000000000e+00, v17;
	_ =	sdelay $0x1  }
0x3c2: {  	[tilespmem:v18+s19+$0x0] =	vst.idx.msk $0xffff, v17  }
0x3c3: {  	v17 =	vld.idx.msk [tilespmem:v20+s12+$0x0], $0xffff;
	_ =	sdelay $0x1  }
0x3c4: {  	v18 =	vor.u32 v9, v16  }
0x3c5: {  	v20 =	vor.u32 v10, v19;
	_ =	sdelay $0x1  }
0x3c6: {  	v17 =	vmul.f32 $8.000000000e+00, v17;
	_ =	sdelay $0x1  }
0x3c7: {  	[tilespmem:v18+s19+$0x0] =	vst.idx.msk $0xffff, v17  }
0x3c8: {  	v17 =	vld.idx.msk [tilespmem:v20+s12+$0x0], $0xffff;
	_ =	sdelay $0x1  }
0x3c9: {  	v18 =	vor.u32 v11, v16  }
0x3ca: {  	v20 =	vor.u32 v12, v19;
	_ =	sdelay $0x1  }
0x3cb: {  	v17 =	vmul.f32 $8.000000000e+00, v17;
	_ =	sdelay $0x1  }
0x3cc: {  	[tilespmem:v18+s19+$0x0] =	vst.idx.msk $0xffff, v17  }
0x3cd: {  	v17 =	vld.idx.msk [tilespmem:v20+s12+$0x0], $0xffff;
	_ =	sdelay $0x1  }
0x3ce: {  	v18 =	vor.u32 v13, v16  }
0x3cf: {  	v19 =	vor.u32 v14, v19;
	_ =	sdelay $0x1  }
0x3d0: {  	v17 =	vmul.f32 $8.000000000e+00, v17;
	_ =	sdelay $0x1  }
0x3d1: {  	[tilespmem:v18+s19+$0x0] =	vst.idx.msk $0xffff, v17  }
0x3d2: {  	s25 =	sadd.s32 $0x2, s5;
	v17 =	vld.idx.msk [tilespmem:v19+s12+$0x0], $0xffff  }
0x3d3: {  	v18 =	vadd.s32 s25, v0  }
0x3d4: {  	v16 =	vor.u32 v15, v16;
	v19 =	vand.u32 $0x3F, v18  }
0x3d5: {  	v20 =	vor.u32 v1, v19;
	_ =	sdelay $0x1  }
0x3d6: {  	v17 =	vmul.f32 $8.000000000e+00, v17;
	_ =	sdelay $0x1  }
0x3d7: {  	[tilespmem:v16+s19+$0x0] =	vst.idx.msk $0xffff, v17  }
0x3d8: {  	v16 =	vshll.u32 v18, $0x7;
	v17 =	vld.idx.msk [tilespmem:v20+s12+$0x0], $0xffff  }
0x3d9: {  	v16 =	vand.u32 $0x1F80, v16  }
0x3da: {  	v18 =	vor.u32 v0, v16  }
0x3db: {  	v20 =	vor.u32 v2, v19;
	_ =	sdelay $0x1  }
0x3dc: {  	v17 =	vmul.f32 $8.000000000e+00, v17;
	_ =	sdelay $0x1  }
0x3dd: {  	[tilespmem:v18+s19+$0x0] =	vst.idx.msk $0xffff, v17  }
0x3de: {  	v17 =	vld.idx.msk [tilespmem:v20+s12+$0x0], $0xffff;
	_ =	sdelay $0x1  }
0x3df: {  	v18 =	vor.u32 v3, v16  }
0x3e0: {  	v20 =	vor.u32 v4, v19;
	_ =	sdelay $0x1  }
0x3e1: {  	v17 =	vmul.f32 $8.000000000e+00, v17;
	_ =	sdelay $0x1  }
0x3e2: {  	[tilespmem:v18+s19+$0x0] =	vst.idx.msk $0xffff, v17  }
0x3e3: {  	v17 =	vld.idx.msk [tilespmem:v20+s12+$0x0], $0xffff;
	_ =	sdelay $0x1  }
0x3e4: {  	v18 =	vor.u32 v5, v16  }
0x3e5: {  	v20 =	vor.u32 v6, v19;
	_ =	sdelay $0x1  }
0x3e6: {  	v17 =	vmul.f32 $8.000000000e+00, v17;
	_ =	sdelay $0x1  }
0x3e7: {  	[tilespmem:v18+s19+$0x0] =	vst.idx.msk $0xffff, v17  }
0x3e8: {  	v17 =	vld.idx.msk [tilespmem:v20+s12+$0x0], $0xffff;
	_ =	sdelay $0x1  }
0x3e9: {  	v18 =	vor.u32 v7, v16  }
0x3ea: {  	v20 =	vor.u32 v8, v19;
	_ =	sdelay $0x1  }
0x3eb: {  	v17 =	vmul.f32 $8.000000000e+00, v17;
	_ =	sdelay $0x1  }
0x3ec: {  	[tilespmem:v18+s19+$0x0] =	vst.idx.msk $0xffff, v17  }
0x3ed: {  	v17 =	vld.idx.msk [tilespmem:v20+s12+$0x0], $0xffff;
	_ =	sdelay $0x1  }
0x3ee: {  	v18 =	vor.u32 v9, v16  }
0x3ef: {  	v20 =	vor.u32 v10, v19;
	_ =	sdelay $0x1  }
0x3f0: {  	v17 =	vmul.f32 $8.000000000e+00, v17;
	_ =	sdelay $0x1  }
0x3f1: {  	[tilespmem:v18+s19+$0x0] =	vst.idx.msk $0xffff, v17  }
0x3f2: {  	v17 =	vld.idx.msk [tilespmem:v20+s12+$0x0], $0xffff;
	_ =	sdelay $0x1  }
0x3f3: {  	v18 =	vor.u32 v11, v16  }
0x3f4: {  	v20 =	vor.u32 v12, v19;
	_ =	sdelay $0x1  }
0x3f5: {  	v17 =	vmul.f32 $8.000000000e+00, v17;
	_ =	sdelay $0x1  }
0x3f6: {  	[tilespmem:v18+s19+$0x0] =	vst.idx.msk $0xffff, v17  }
0x3f7: {  	v17 =	vld.idx.msk [tilespmem:v20+s12+$0x0], $0xffff;
	_ =	sdelay $0x1  }
0x3f8: {  	v18 =	vor.u32 v13, v16  }
0x3f9: {  	v19 =	vor.u32 v14, v19;
	_ =	sdelay $0x1  }
0x3fa: {  	v17 =	vmul.f32 $8.000000000e+00, v17;
	_ =	sdelay $0x1  }
0x3fb: {  	[tilespmem:v18+s19+$0x0] =	vst.idx.msk $0xffff, v17  }
0x3fc: {  	s8 =	sadd.s32 $0x3, s5;
	v17 =	vld.idx.msk [tilespmem:v19+s12+$0x0], $0xffff  }
0x3fd: {  	v18 =	vadd.s32 s8, v0  }
0x3fe: {  	v16 =	vor.u32 v15, v16;
	v19 =	vand.u32 $0x3F, v18  }
0x3ff: {  	v20 =	vor.u32 v1, v19;
	_ =	sdelay $0x1  }
0x400: {  	v17 =	vmul.f32 $8.000000000e+00, v17;
	_ =	sdelay $0x1  }
0x401: {  	[tilespmem:v16+s19+$0x0] =	vst.idx.msk $0xffff, v17  }
0x402: {  	v16 =	vshll.u32 v18, $0x7;
	v17 =	vld.idx.msk [tilespmem:v20+s12+$0x0], $0xffff  }
0x403: {  	v16 =	vand.u32 $0x1F80, v16  }
0x404: {  	v18 =	vor.u32 v0, v16  }
0x405: {  	v20 =	vor.u32 v2, v19;
	_ =	sdelay $0x1  }
0x406: {  	v17 =	vmul.f32 $8.000000000e+00, v17;
	_ =	sdelay $0x1  }
0x407: {  	[tilespmem:v18+s19+$0x0] =	vst.idx.msk $0xffff, v17  }
0x408: {  	v17 =	vld.idx.msk [tilespmem:v20+s12+$0x0], $0xffff;
	_ =	sdelay $0x1  }
0x409: {  	v18 =	vor.u32 v3, v16  }
0x40a: {  	v20 =	vor.u32 v4, v19;
	_ =	sdelay $0x1  }
0x40b: {  	v17 =	vmul.f32 $8.000000000e+00, v17;
	_ =	sdelay $0x1  }
0x40c: {  	[tilespmem:v18+s19+$0x0] =	vst.idx.msk $0xffff, v17  }
0x40d: {  	v17 =	vld.idx.msk [tilespmem:v20+s12+$0x0], $0xffff;
	_ =	sdelay $0x1  }
0x40e: {  	v18 =	vor.u32 v5, v16  }
0x40f: {  	v20 =	vor.u32 v6, v19;
	_ =	sdelay $0x1  }
0x410: {  	v17 =	vmul.f32 $8.000000000e+00, v17;
	_ =	sdelay $0x1  }
0x411: {  	[tilespmem:v18+s19+$0x0] =	vst.idx.msk $0xffff, v17  }
0x412: {  	v17 =	vld.idx.msk [tilespmem:v20+s12+$0x0], $0xffff;
	_ =	sdelay $0x1  }
0x413: {  	v18 =	vor.u32 v7, v16  }
0x414: {  	v20 =	vor.u32 v8, v19;
	_ =	sdelay $0x1  }
0x415: {  	v17 =	vmul.f32 $8.000000000e+00, v17;
	_ =	sdelay $0x1  }
0x416: {  	[tilespmem:v18+s19+$0x0] =	vst.idx.msk $0xffff, v17  }
0x417: {  	v17 =	vld.idx.msk [tilespmem:v20+s12+$0x0], $0xffff;
	_ =	sdelay $0x1  }
0x418: {  	v18 =	vor.u32 v9, v16  }
0x419: {  	v20 =	vor.u32 v10, v19;
	_ =	sdelay $0x1  }
0x41a: {  	v17 =	vmul.f32 $8.000000000e+00, v17;
	_ =	sdelay $0x1  }
0x41b: {  	[tilespmem:v18+s19+$0x0] =	vst.idx.msk $0xffff, v17  }
0x41c: {  	v17 =	vld.idx.msk [tilespmem:v20+s12+$0x0], $0xffff;
	_ =	sdelay $0x1  }
0x41d: {  	v18 =	vor.u32 v11, v16  }
0x41e: {  	v20 =	vor.u32 v12, v19;
	_ =	sdelay $0x1  }
0x41f: {  	v17 =	vmul.f32 $8.000000000e+00, v17;
	_ =	sdelay $0x1  }
0x420: {  	[tilespmem:v18+s19+$0x0] =	vst.idx.msk $0xffff, v17  }
0x421: {  	v17 =	vld.idx.msk [tilespmem:v20+s12+$0x0], $0xffff;
	_ =	sdelay $0x1  }
0x422: {  	v18 =	vor.u32 v13, v16  }
0x423: {  	v19 =	vor.u32 v14, v19;
	_ =	sdelay $0x1  }
0x424: {  	v17 =	vmul.f32 $8.000000000e+00, v17;
	_ =	sdelay $0x1  }
0x425: {  	[tilespmem:v18+s19+$0x0] =	vst.idx.msk $0xffff, v17  }
0x426: {  	v17 =	vld.idx.msk [tilespmem:v19+s12+$0x0], $0xffff;
	_ =	sdelay $0x1  }
0x427: {  	v16 =	vor.u32 v15, v16;
	_ =	sdelay $0x2  }
0x428: {  	v17 =	vmul.f32 $8.000000000e+00, v17  }
0x429: {  	s1 =	sor.u32 $0x3, s1  }
0x42a: {  	s3 =	sadd.s32 s3, s7;
	s9 =	sshll.u32 s1, $0x7;
	[tilespmem:v16+s19+$0x0] =	vst.idx.msk $0xffff, v17  }
0x42b: {  	[hbm4b:s3+s15] =	stream.strided.scatter [tilespmem:s19], [sflag:$0x6], $0x2000, s16, s15, $0x38;
	[tilespmem:$0x1E400] =	vst v63  }
0x42c: {  	s5 =	simm.s32 @!p0 $0x7;
	s25 =	simm.s32 $0x0;
	s3 =	sand.u32 $0x3FFFFF80, s9  }
0x42d: {  	v16 =	vadd.s32 s25, v0;
	[tilespmem:s20], [sflag:$0x4] =	stream.indirect.gather [hbm4b:s4+s10], $0x80, s3, s10, $0xb8;
	[tilespmem:$0x1E400] =	vst v63  }
0x42e: {  	v17 =	vand.u32 $0x3F, v16;
	_ =	swait.ge @!p0 [sflag:s5], $0x2000  }
0x42f: {  	v18 =	vor.u32 v1, v17;
	[sflag:s5] =	ssyncset.done @!p0 $0x0  }
0x430: {  	[sflag:s5] =	ssyncadd.s32 @!p0 $0xFFFFE000  }
0x431: {  	_ =	swait.ge [sflag:s21], $0x4000  }
0x432: {  	[sflag:s21] =	ssyncset.done $0x0  }
0x433: {  	[sflag:s21] =	ssyncadd.s32 $0xFFFFC000  }
0x434: {  	v16 =	vshll.u32 v16, $0x7;
	v18 =	vld.idx.msk [tilespmem:v18+s17+$0x0], $0xffff  }
0x435: {  	v16 =	vand.u32 $0x1F80, v16  }
0x436: {  	v19 =	vor.u32 v0, v16  }
0x437: {  	v20 =	vor.u32 v2, v17;
	_ =	sdelay $0x1  }
0x438: {  	v18 =	vmul.f32 $8.000000000e+00, v18;
	_ =	sdelay $0x1  }
0x439: {  	[tilespmem:v19+s22+$0x0] =	vst.idx.msk $0xffff, v18  }
0x43a: {  	v18 =	vld.idx.msk [tilespmem:v20+s17+$0x0], $0xffff;
	_ =	sdelay $0x1  }
0x43b: {  	v19 =	vor.u32 v3, v16  }
0x43c: {  	v20 =	vor.u32 v4, v17;
	_ =	sdelay $0x1  }
0x43d: {  	v18 =	vmul.f32 $8.000000000e+00, v18;
	_ =	sdelay $0x1  }
0x43e: {  	[tilespmem:v19+s22+$0x0] =	vst.idx.msk $0xffff, v18  }
0x43f: {  	v18 =	vld.idx.msk [tilespmem:v20+s17+$0x0], $0xffff;
	_ =	sdelay $0x1  }
0x440: {  	v19 =	vor.u32 v5, v16  }
0x441: {  	v20 =	vor.u32 v6, v17;
	_ =	sdelay $0x1  }
0x442: {  	v18 =	vmul.f32 $8.000000000e+00, v18;
	_ =	sdelay $0x1  }
0x443: {  	[tilespmem:v19+s22+$0x0] =	vst.idx.msk $0xffff, v18  }
0x444: {  	v18 =	vld.idx.msk [tilespmem:v20+s17+$0x0], $0xffff;
	_ =	sdelay $0x1  }
0x445: {  	v19 =	vor.u32 v7, v16  }
0x446: {  	v20 =	vor.u32 v8, v17;
	_ =	sdelay $0x1  }
0x447: {  	v18 =	vmul.f32 $8.000000000e+00, v18;
	_ =	sdelay $0x1  }
0x448: {  	[tilespmem:v19+s22+$0x0] =	vst.idx.msk $0xffff, v18  }
0x449: {  	v18 =	vld.idx.msk [tilespmem:v20+s17+$0x0], $0xffff;
	_ =	sdelay $0x1  }
0x44a: {  	v19 =	vor.u32 v9, v16  }
0x44b: {  	v20 =	vor.u32 v10, v17;
	_ =	sdelay $0x1  }
0x44c: {  	v18 =	vmul.f32 $8.000000000e+00, v18;
	_ =	sdelay $0x1  }
0x44d: {  	[tilespmem:v19+s22+$0x0] =	vst.idx.msk $0xffff, v18  }
0x44e: {  	v18 =	vld.idx.msk [tilespmem:v20+s17+$0x0], $0xffff;
	_ =	sdelay $0x1  }
0x44f: {  	v19 =	vor.u32 v11, v16  }
0x450: {  	v20 =	vor.u32 v12, v17;
	_ =	sdelay $0x1  }
0x451: {  	v18 =	vmul.f32 $8.000000000e+00, v18;
	_ =	sdelay $0x1  }
0x452: {  	[tilespmem:v19+s22+$0x0] =	vst.idx.msk $0xffff, v18  }
0x453: {  	v18 =	vld.idx.msk [tilespmem:v20+s17+$0x0], $0xffff;
	_ =	sdelay $0x1  }
0x454: {  	v19 =	vor.u32 v13, v16  }
0x455: {  	v17 =	vor.u32 v14, v17;
	_ =	sdelay $0x1  }
0x456: {  	v18 =	vmul.f32 $8.000000000e+00, v18;
	_ =	sdelay $0x1  }
0x457: {  	[tilespmem:v19+s22+$0x0] =	vst.idx.msk $0xffff, v18  }
0x458: {  	s8 =	simm.s32 $0x1;
	v17 =	vld.idx.msk [tilespmem:v17+s17+$0x0], $0xffff  }
0x459: {  	v18 =	vadd.s32 s8, v0  }
0x45a: {  	v16 =	vor.u32 v15, v16;
	v19 =	vand.u32 $0x3F, v18  }
0x45b: {  	v20 =	vor.u32 v1, v19;
	_ =	sdelay $0x1  }
0x45c: {  	v17 =	vmul.f32 $8.000000000e+00, v17;
	_ =	sdelay $0x1  }
0x45d: {  	[tilespmem:v16+s22+$0x0] =	vst.idx.msk $0xffff, v17  }
0x45e: {  	v16 =	vshll.u32 v18, $0x7;
	v17 =	vld.idx.msk [tilespmem:v20+s17+$0x0], $0xffff  }
0x45f: {  	v16 =	vand.u32 $0x1F80, v16  }
0x460: {  	v18 =	vor.u32 v0, v16  }
0x461: {  	v20 =	vor.u32 v2, v19;
	_ =	sdelay $0x1  }
0x462: {  	v17 =	vmul.f32 $8.000000000e+00, v17;
	_ =	sdelay $0x1  }
0x463: {  	[tilespmem:v18+s22+$0x0] =	vst.idx.msk $0xffff, v17  }
0x464: {  	v17 =	vld.idx.msk [tilespmem:v20+s17+$0x0], $0xffff;
	_ =	sdelay $0x1  }
0x465: {  	v18 =	vor.u32 v3, v16  }
0x466: {  	v20 =	vor.u32 v4, v19;
	_ =	sdelay $0x1  }
0x467: {  	v17 =	vmul.f32 $8.000000000e+00, v17;
	_ =	sdelay $0x1  }
0x468: {  	[tilespmem:v18+s22+$0x0] =	vst.idx.msk $0xffff, v17  }
0x469: {  	v17 =	vld.idx.msk [tilespmem:v20+s17+$0x0], $0xffff;
	_ =	sdelay $0x1  }
0x46a: {  	v18 =	vor.u32 v5, v16  }
0x46b: {  	v20 =	vor.u32 v6, v19;
	_ =	sdelay $0x1  }
0x46c: {  	v17 =	vmul.f32 $8.000000000e+00, v17;
	_ =	sdelay $0x1  }
0x46d: {  	[tilespmem:v18+s22+$0x0] =	vst.idx.msk $0xffff, v17  }
0x46e: {  	v17 =	vld.idx.msk [tilespmem:v20+s17+$0x0], $0xffff;
	_ =	sdelay $0x1  }
0x46f: {  	v18 =	vor.u32 v7, v16  }
0x470: {  	v20 =	vor.u32 v8, v19;
	_ =	sdelay $0x1  }
0x471: {  	v17 =	vmul.f32 $8.000000000e+00, v17;
	_ =	sdelay $0x1  }
0x472: {  	[tilespmem:v18+s22+$0x0] =	vst.idx.msk $0xffff, v17  }
0x473: {  	v17 =	vld.idx.msk [tilespmem:v20+s17+$0x0], $0xffff;
	_ =	sdelay $0x1  }
0x474: {  	v18 =	vor.u32 v9, v16  }
0x475: {  	v20 =	vor.u32 v10, v19;
	_ =	sdelay $0x1  }
0x476: {  	v17 =	vmul.f32 $8.000000000e+00, v17;
	_ =	sdelay $0x1  }
0x477: {  	[tilespmem:v18+s22+$0x0] =	vst.idx.msk $0xffff, v17  }
0x478: {  	v17 =	vld.idx.msk [tilespmem:v20+s17+$0x0], $0xffff;
	_ =	sdelay $0x1  }
0x479: {  	v18 =	vor.u32 v11, v16  }
0x47a: {  	v20 =	vor.u32 v12, v19;
	_ =	sdelay $0x1  }
0x47b: {  	v17 =	vmul.f32 $8.000000000e+00, v17;
	_ =	sdelay $0x1  }
0x47c: {  	[tilespmem:v18+s22+$0x0] =	vst.idx.msk $0xffff, v17  }
0x47d: {  	v17 =	vld.idx.msk [tilespmem:v20+s17+$0x0], $0xffff;
	_ =	sdelay $0x1  }
0x47e: {  	v18 =	vor.u32 v13, v16  }
0x47f: {  	v19 =	vor.u32 v14, v19;
	_ =	sdelay $0x1  }
0x480: {  	v17 =	vmul.f32 $8.000000000e+00, v17;
	_ =	sdelay $0x1  }
0x481: {  	[tilespmem:v18+s22+$0x0] =	vst.idx.msk $0xffff, v17  }
0x482: {  	s9 =	simm.s32 $0x2;
	v17 =	vld.idx.msk [tilespmem:v19+s17+$0x0], $0xffff  }
0x483: {  	v18 =	vadd.s32 s9, v0  }
0x484: {  	v16 =	vor.u32 v15, v16;
	v19 =	vand.u32 $0x3F, v18  }
0x485: {  	v20 =	vor.u32 v1, v19;
	_ =	sdelay $0x1  }
0x486: {  	v17 =	vmul.f32 $8.000000000e+00, v17;
	_ =	sdelay $0x1  }
0x487: {  	[tilespmem:v16+s22+$0x0] =	vst.idx.msk $0xffff, v17  }
0x488: {  	v16 =	vshll.u32 v18, $0x7;
	v17 =	vld.idx.msk [tilespmem:v20+s17+$0x0], $0xffff  }
0x489: {  	v16 =	vand.u32 $0x1F80, v16  }
0x48a: {  	v18 =	vor.u32 v0, v16  }
0x48b: {  	v20 =	vor.u32 v2, v19;
	_ =	sdelay $0x1  }
0x48c: {  	v17 =	vmul.f32 $8.000000000e+00, v17;
	_ =	sdelay $0x1  }
0x48d: {  	[tilespmem:v18+s22+$0x0] =	vst.idx.msk $0xffff, v17  }
0x48e: {  	v17 =	vld.idx.msk [tilespmem:v20+s17+$0x0], $0xffff;
	_ =	sdelay $0x1  }
0x48f: {  	v18 =	vor.u32 v3, v16  }
0x490: {  	v20 =	vor.u32 v4, v19;
	_ =	sdelay $0x1  }
0x491: {  	v17 =	vmul.f32 $8.000000000e+00, v17;
	_ =	sdelay $0x1  }
0x492: {  	[tilespmem:v18+s22+$0x0] =	vst.idx.msk $0xffff, v17  }
0x493: {  	v17 =	vld.idx.msk [tilespmem:v20+s17+$0x0], $0xffff;
	_ =	sdelay $0x1  }
0x494: {  	v18 =	vor.u32 v5, v16  }
0x495: {  	v20 =	vor.u32 v6, v19;
	_ =	sdelay $0x1  }
0x496: {  	v17 =	vmul.f32 $8.000000000e+00, v17;
	_ =	sdelay $0x1  }
0x497: {  	[tilespmem:v18+s22+$0x0] =	vst.idx.msk $0xffff, v17  }
0x498: {  	v17 =	vld.idx.msk [tilespmem:v20+s17+$0x0], $0xffff;
	_ =	sdelay $0x1  }
0x499: {  	v18 =	vor.u32 v7, v16  }
0x49a: {  	v20 =	vor.u32 v8, v19;
	_ =	sdelay $0x1  }
0x49b: {  	v17 =	vmul.f32 $8.000000000e+00, v17;
	_ =	sdelay $0x1  }
0x49c: {  	[tilespmem:v18+s22+$0x0] =	vst.idx.msk $0xffff, v17  }
0x49d: {  	v17 =	vld.idx.msk [tilespmem:v20+s17+$0x0], $0xffff;
	_ =	sdelay $0x1  }
0x49e: {  	v18 =	vor.u32 v9, v16  }
0x49f: {  	v20 =	vor.u32 v10, v19;
	_ =	sdelay $0x1  }
0x4a0: {  	v17 =	vmul.f32 $8.000000000e+00, v17;
	_ =	sdelay $0x1  }
0x4a1: {  	[tilespmem:v18+s22+$0x0] =	vst.idx.msk $0xffff, v17  }
0x4a2: {  	v17 =	vld.idx.msk [tilespmem:v20+s17+$0x0], $0xffff;
	_ =	sdelay $0x1  }
0x4a3: {  	v18 =	vor.u32 v11, v16  }
0x4a4: {  	v20 =	vor.u32 v12, v19;
	_ =	sdelay $0x1  }
0x4a5: {  	v17 =	vmul.f32 $8.000000000e+00, v17;
	_ =	sdelay $0x1  }
0x4a6: {  	[tilespmem:v18+s22+$0x0] =	vst.idx.msk $0xffff, v17  }
0x4a7: {  	v17 =	vld.idx.msk [tilespmem:v20+s17+$0x0], $0xffff;
	_ =	sdelay $0x1  }
0x4a8: {  	v18 =	vor.u32 v13, v16  }
0x4a9: {  	v19 =	vor.u32 v14, v19;
	_ =	sdelay $0x1  }
0x4aa: {  	v17 =	vmul.f32 $8.000000000e+00, v17;
	_ =	sdelay $0x1  }
0x4ab: {  	[tilespmem:v18+s22+$0x0] =	vst.idx.msk $0xffff, v17  }
0x4ac: {  	s25 =	simm.s32 $0x3;
	v17 =	vld.idx.msk [tilespmem:v19+s17+$0x0], $0xffff  }
0x4ad: {  	v18 =	vadd.s32 s25, v0  }
0x4ae: {  	v16 =	vor.u32 v15, v16;
	v19 =	vand.u32 $0x3F, v18  }
0x4af: {  	v20 =	vor.u32 v1, v19;
	_ =	sdelay $0x1  }
0x4b0: {  	v17 =	vmul.f32 $8.000000000e+00, v17;
	_ =	sdelay $0x1  }
0x4b1: {  	[tilespmem:v16+s22+$0x0] =	vst.idx.msk $0xffff, v17  }
0x4b2: {  	v16 =	vshll.u32 v18, $0x7;
	v17 =	vld.idx.msk [tilespmem:v20+s17+$0x0], $0xffff  }
0x4b3: {  	v16 =	vand.u32 $0x1F80, v16  }
0x4b4: {  	v18 =	vor.u32 v0, v16  }
0x4b5: {  	v20 =	vor.u32 v2, v19;
	_ =	sdelay $0x1  }
0x4b6: {  	v17 =	vmul.f32 $8.000000000e+00, v17;
	_ =	sdelay $0x1  }
0x4b7: {  	[tilespmem:v18+s22+$0x0] =	vst.idx.msk $0xffff, v17  }
0x4b8: {  	v17 =	vld.idx.msk [tilespmem:v20+s17+$0x0], $0xffff;
	_ =	sdelay $0x1  }
0x4b9: {  	v18 =	vor.u32 v3, v16  }
0x4ba: {  	v20 =	vor.u32 v4, v19;
	_ =	sdelay $0x1  }
0x4bb: {  	v17 =	vmul.f32 $8.000000000e+00, v17;
	_ =	sdelay $0x1  }
0x4bc: {  	[tilespmem:v18+s22+$0x0] =	vst.idx.msk $0xffff, v17  }
0x4bd: {  	v17 =	vld.idx.msk [tilespmem:v20+s17+$0x0], $0xffff;
	_ =	sdelay $0x1  }
0x4be: {  	v18 =	vor.u32 v5, v16  }
0x4bf: {  	v20 =	vor.u32 v6, v19;
	_ =	sdelay $0x1  }
0x4c0: {  	v17 =	vmul.f32 $8.000000000e+00, v17;
	_ =	sdelay $0x1  }
0x4c1: {  	[tilespmem:v18+s22+$0x0] =	vst.idx.msk $0xffff, v17  }
0x4c2: {  	v17 =	vld.idx.msk [tilespmem:v20+s17+$0x0], $0xffff;
	_ =	sdelay $0x1  }
0x4c3: {  	v18 =	vor.u32 v7, v16  }
0x4c4: {  	v20 =	vor.u32 v8, v19;
	_ =	sdelay $0x1  }
0x4c5: {  	v17 =	vmul.f32 $8.000000000e+00, v17;
	_ =	sdelay $0x1  }
0x4c6: {  	[tilespmem:v18+s22+$0x0] =	vst.idx.msk $0xffff, v17  }
0x4c7: {  	v17 =	vld.idx.msk [tilespmem:v20+s17+$0x0], $0xffff;
	_ =	sdelay $0x1  }
0x4c8: {  	v18 =	vor.u32 v9, v16  }
0x4c9: {  	v20 =	vor.u32 v10, v19;
	_ =	sdelay $0x1  }
0x4ca: {  	v17 =	vmul.f32 $8.000000000e+00, v17;
	_ =	sdelay $0x1  }
0x4cb: {  	[tilespmem:v18+s22+$0x0] =	vst.idx.msk $0xffff, v17  }
0x4cc: {  	v17 =	vld.idx.msk [tilespmem:v20+s17+$0x0], $0xffff;
	_ =	sdelay $0x1  }
0x4cd: {  	v18 =	vor.u32 v11, v16  }
0x4ce: {  	v20 =	vor.u32 v12, v19;
	_ =	sdelay $0x1  }
0x4cf: {  	v17 =	vmul.f32 $8.000000000e+00, v17;
	_ =	sdelay $0x1  }
0x4d0: {  	[tilespmem:v18+s22+$0x0] =	vst.idx.msk $0xffff, v17  }
0x4d1: {  	v17 =	vld.idx.msk [tilespmem:v20+s17+$0x0], $0xffff;
	_ =	sdelay $0x1  }
0x4d2: {  	v18 =	vor.u32 v13, v16  }
0x4d3: {  	v19 =	vor.u32 v14, v19;
	_ =	sdelay $0x1  }
0x4d4: {  	v17 =	vmul.f32 $8.000000000e+00, v17;
	_ =	sdelay $0x1  }
0x4d5: {  	[tilespmem:v18+s22+$0x0] =	vst.idx.msk $0xffff, v17  }
0x4d6: {  	s3 =	simm.s32 $0x4;
	v20 =	vld.idx.msk [tilespmem:v19+s17+$0x0], $0xffff  }
0x4d7: {  	v18 =	vadd.s32 s3, v0  }
0x4d8: {  	v17 =	vand.u32 $0x3F, v18;
	v19 =	vor.u32 v15, v16  }
0x4d9: {  	v21 =	vshll.u32 v18, $0x7;
	v18 =	vor.u32 v1, v17;
	_ =	sdelay $0x1  }
0x4da: {  	s5 =	simm.s32 $0x8;
	v16 =	vand.u32 $0x1F80, v21;
	v20 =	vmul.f32 $8.000000000e+00, v20  }
.LBB2_7:
0x4db: {  	_ = 	snop  }
0x4dc: {  	p0 =	slt.u32 s5, $0x3C;
	s8 =	smov.u32 s5;
	s5 =	sadd.s32 $0x4, s5;
	[tilespmem:v19+s22+$0x0] =	vst.idx.msk $0xffff, v20  }
0x4dd: {  	v18 =	vld.idx.msk [tilespmem:v18+s17+$0x0], $0xffff;
	_ =	sdelay $0x2  }
0x4de: {  	v19 =	vor.u32 v0, v16  }
0x4df: {  	v20 =	vor.u32 v2, v17;
	_ =	sdelay $0x1  }
0x4e0: {  	v18 =	vmul.f32 $8.000000000e+00, v18;
	_ =	sdelay $0x1  }
0x4e1: {  	[tilespmem:v19+s22+$0x0] =	vst.idx.msk $0xffff, v18  }
0x4e2: {  	v18 =	vld.idx.msk [tilespmem:v20+s17+$0x0], $0xffff;
	_ =	sdelay $0x2  }
0x4e3: {  	v19 =	vor.u32 v3, v16  }
0x4e4: {  	v20 =	vor.u32 v4, v17;
	_ =	sdelay $0x1  }
0x4e5: {  	v18 =	vmul.f32 $8.000000000e+00, v18;
	_ =	sdelay $0x1  }
0x4e6: {  	[tilespmem:v19+s22+$0x0] =	vst.idx.msk $0xffff, v18  }
0x4e7: {  	v18 =	vld.idx.msk [tilespmem:v20+s17+$0x0], $0xffff;
	_ =	sdelay $0x2  }
0x4e8: {  	v19 =	vor.u32 v5, v16  }
0x4e9: {  	v20 =	vor.u32 v6, v17;
	_ =	sdelay $0x1  }
0x4ea: {  	v18 =	vmul.f32 $8.000000000e+00, v18;
	_ =	sdelay $0x1  }
0x4eb: {  	[tilespmem:v19+s22+$0x0] =	vst.idx.msk $0xffff, v18  }
0x4ec: {  	v18 =	vld.idx.msk [tilespmem:v20+s17+$0x0], $0xffff;
	_ =	sdelay $0x2  }
0x4ed: {  	v19 =	vor.u32 v7, v16  }
0x4ee: {  	v20 =	vor.u32 v8, v17;
	_ =	sdelay $0x1  }
0x4ef: {  	v18 =	vmul.f32 $8.000000000e+00, v18;
	_ =	sdelay $0x1  }
0x4f0: {  	[tilespmem:v19+s22+$0x0] =	vst.idx.msk $0xffff, v18  }
0x4f1: {  	v18 =	vld.idx.msk [tilespmem:v20+s17+$0x0], $0xffff;
	_ =	sdelay $0x2  }
0x4f2: {  	v19 =	vor.u32 v9, v16  }
0x4f3: {  	v20 =	vor.u32 v10, v17;
	_ =	sdelay $0x1  }
0x4f4: {  	v18 =	vmul.f32 $8.000000000e+00, v18;
	_ =	sdelay $0x1  }
0x4f5: {  	[tilespmem:v19+s22+$0x0] =	vst.idx.msk $0xffff, v18  }
0x4f6: {  	v18 =	vld.idx.msk [tilespmem:v20+s17+$0x0], $0xffff;
	_ =	sdelay $0x2  }
0x4f7: {  	v19 =	vor.u32 v11, v16  }
0x4f8: {  	v20 =	vor.u32 v12, v17;
	_ =	sdelay $0x1  }
0x4f9: {  	v18 =	vmul.f32 $8.000000000e+00, v18;
	_ =	sdelay $0x1  }
0x4fa: {  	[tilespmem:v19+s22+$0x0] =	vst.idx.msk $0xffff, v18  }
0x4fb: {  	v18 =	vld.idx.msk [tilespmem:v20+s17+$0x0], $0xffff;
	_ =	sdelay $0x2  }
0x4fc: {  	v19 =	vor.u32 v13, v16  }
0x4fd: {  	v17 =	vor.u32 v14, v17;
	_ =	sdelay $0x1  }
0x4fe: {  	v18 =	vmul.f32 $8.000000000e+00, v18;
	_ =	sdelay $0x1  }
0x4ff: {  	[tilespmem:v19+s22+$0x0] =	vst.idx.msk $0xffff, v18  }
0x500: {  	v17 =	vld.idx.msk [tilespmem:v17+s17+$0x0], $0xffff  }
0x501: {  	s9 =	sadd.s32 $0x1, s3  }
0x502: {  	v18 =	vadd.s32 s9, v0  }
0x503: {  	v16 =	vor.u32 v15, v16;
	v19 =	vand.u32 $0x3F, v18;
	v18 =	vshll.u32 v18, $0x7  }
0x504: {  	v20 =	vor.u32 v1, v19;
	v18 =	vand.u32 $0x1F80, v18;
	_ =	sdelay $0x1  }
0x505: {  	v17 =	vmul.f32 $8.000000000e+00, v17;
	_ =	sdelay $0x1  }
0x506: {  	[tilespmem:v16+s22+$0x0] =	vst.idx.msk $0xffff, v17  }
0x507: {  	v16 =	vld.idx.msk [tilespmem:v20+s17+$0x0], $0xffff;
	_ =	sdelay $0x2  }
0x508: {  	v17 =	vor.u32 v0, v18  }
0x509: {  	v20 =	vor.u32 v2, v19;
	_ =	sdelay $0x1  }
0x50a: {  	v16 =	vmul.f32 $8.000000000e+00, v16;
	_ =	sdelay $0x1  }
0x50b: {  	[tilespmem:v17+s22+$0x0] =	vst.idx.msk $0xffff, v16  }
0x50c: {  	v16 =	vld.idx.msk [tilespmem:v20+s17+$0x0], $0xffff;
	_ =	sdelay $0x2  }
0x50d: {  	v17 =	vor.u32 v3, v18  }
0x50e: {  	v20 =	vor.u32 v4, v19;
	_ =	sdelay $0x1  }
0x50f: {  	v16 =	vmul.f32 $8.000000000e+00, v16;
	_ =	sdelay $0x1  }
0x510: {  	[tilespmem:v17+s22+$0x0] =	vst.idx.msk $0xffff, v16  }
0x511: {  	v16 =	vld.idx.msk [tilespmem:v20+s17+$0x0], $0xffff;
	_ =	sdelay $0x2  }
0x512: {  	v17 =	vor.u32 v5, v18  }
0x513: {  	v20 =	vor.u32 v6, v19;
	_ =	sdelay $0x1  }
0x514: {  	v16 =	vmul.f32 $8.000000000e+00, v16;
	_ =	sdelay $0x1  }
0x515: {  	[tilespmem:v17+s22+$0x0] =	vst.idx.msk $0xffff, v16  }
0x516: {  	v16 =	vld.idx.msk [tilespmem:v20+s17+$0x0], $0xffff;
	_ =	sdelay $0x2  }
0x517: {  	v17 =	vor.u32 v7, v18  }
0x518: {  	v20 =	vor.u32 v8, v19;
	_ =	sdelay $0x1  }
0x519: {  	v16 =	vmul.f32 $8.000000000e+00, v16;
	_ =	sdelay $0x1  }
0x51a: {  	[tilespmem:v17+s22+$0x0] =	vst.idx.msk $0xffff, v16  }
0x51b: {  	v16 =	vld.idx.msk [tilespmem:v20+s17+$0x0], $0xffff;
	_ =	sdelay $0x2  }
0x51c: {  	v17 =	vor.u32 v9, v18  }
0x51d: {  	v20 =	vor.u32 v10, v19;
	_ =	sdelay $0x1  }
0x51e: {  	v16 =	vmul.f32 $8.000000000e+00, v16;
	_ =	sdelay $0x1  }
0x51f: {  	[tilespmem:v17+s22+$0x0] =	vst.idx.msk $0xffff, v16  }
0x520: {  	v16 =	vld.idx.msk [tilespmem:v20+s17+$0x0], $0xffff;
	_ =	sdelay $0x2  }
0x521: {  	v17 =	vor.u32 v11, v18  }
0x522: {  	v20 =	vor.u32 v12, v19;
	_ =	sdelay $0x1  }
0x523: {  	v16 =	vmul.f32 $8.000000000e+00, v16;
	_ =	sdelay $0x1  }
0x524: {  	[tilespmem:v17+s22+$0x0] =	vst.idx.msk $0xffff, v16  }
0x525: {  	v16 =	vld.idx.msk [tilespmem:v20+s17+$0x0], $0xffff;
	_ =	sdelay $0x2  }
0x526: {  	v17 =	vor.u32 v13, v18  }
0x527: {  	v19 =	vor.u32 v14, v19;
	_ =	sdelay $0x1  }
0x528: {  	v16 =	vmul.f32 $8.000000000e+00, v16;
	_ =	sdelay $0x1  }
0x529: {  	[tilespmem:v17+s22+$0x0] =	vst.idx.msk $0xffff, v16  }
0x52a: {  	v16 =	vld.idx.msk [tilespmem:v19+s17+$0x0], $0xffff  }
0x52b: {  	s9 =	sadd.s32 $0x2, s3  }
0x52c: {  	v17 =	vadd.s32 s9, v0  }
0x52d: {  	v18 =	vor.u32 v15, v18;
	v19 =	vand.u32 $0x3F, v17;
	v17 =	vshll.u32 v17, $0x7  }
0x52e: {  	v20 =	vor.u32 v1, v19;
	v17 =	vand.u32 $0x1F80, v17;
	_ =	sdelay $0x1  }
0x52f: {  	v16 =	vmul.f32 $8.000000000e+00, v16;
	_ =	sdelay $0x1  }
0x530: {  	[tilespmem:v18+s22+$0x0] =	vst.idx.msk $0xffff, v16  }
0x531: {  	v16 =	vld.idx.msk [tilespmem:v20+s17+$0x0], $0xffff;
	_ =	sdelay $0x2  }
0x532: {  	v18 =	vor.u32 v0, v17  }
0x533: {  	v20 =	vor.u32 v2, v19;
	_ =	sdelay $0x1  }
0x534: {  	v16 =	vmul.f32 $8.000000000e+00, v16;
	_ =	sdelay $0x1  }
0x535: {  	[tilespmem:v18+s22+$0x0] =	vst.idx.msk $0xffff, v16  }
0x536: {  	v16 =	vld.idx.msk [tilespmem:v20+s17+$0x0], $0xffff;
	_ =	sdelay $0x2  }
0x537: {  	v18 =	vor.u32 v3, v17  }
0x538: {  	v20 =	vor.u32 v4, v19;
	_ =	sdelay $0x1  }
0x539: {  	v16 =	vmul.f32 $8.000000000e+00, v16;
	_ =	sdelay $0x1  }
0x53a: {  	[tilespmem:v18+s22+$0x0] =	vst.idx.msk $0xffff, v16  }
0x53b: {  	v16 =	vld.idx.msk [tilespmem:v20+s17+$0x0], $0xffff;
	_ =	sdelay $0x2  }
0x53c: {  	v18 =	vor.u32 v5, v17  }
0x53d: {  	v20 =	vor.u32 v6, v19;
	_ =	sdelay $0x1  }
0x53e: {  	v16 =	vmul.f32 $8.000000000e+00, v16;
	_ =	sdelay $0x1  }
0x53f: {  	[tilespmem:v18+s22+$0x0] =	vst.idx.msk $0xffff, v16  }
0x540: {  	v16 =	vld.idx.msk [tilespmem:v20+s17+$0x0], $0xffff;
	_ =	sdelay $0x2  }
0x541: {  	v18 =	vor.u32 v7, v17  }
0x542: {  	v20 =	vor.u32 v8, v19;
	_ =	sdelay $0x1  }
0x543: {  	v16 =	vmul.f32 $8.000000000e+00, v16;
	_ =	sdelay $0x1  }
0x544: {  	[tilespmem:v18+s22+$0x0] =	vst.idx.msk $0xffff, v16  }
0x545: {  	v16 =	vld.idx.msk [tilespmem:v20+s17+$0x0], $0xffff;
	_ =	sdelay $0x2  }
0x546: {  	v18 =	vor.u32 v9, v17  }
0x547: {  	v20 =	vor.u32 v10, v19;
	_ =	sdelay $0x1  }
0x548: {  	v16 =	vmul.f32 $8.000000000e+00, v16;
	_ =	sdelay $0x1  }
0x549: {  	[tilespmem:v18+s22+$0x0] =	vst.idx.msk $0xffff, v16  }
0x54a: {  	v16 =	vld.idx.msk [tilespmem:v20+s17+$0x0], $0xffff;
	_ =	sdelay $0x2  }
0x54b: {  	v18 =	vor.u32 v11, v17  }
0x54c: {  	v20 =	vor.u32 v12, v19;
	_ =	sdelay $0x1  }
0x54d: {  	v16 =	vmul.f32 $8.000000000e+00, v16;
	_ =	sdelay $0x1  }
0x54e: {  	[tilespmem:v18+s22+$0x0] =	vst.idx.msk $0xffff, v16  }
0x54f: {  	v16 =	vld.idx.msk [tilespmem:v20+s17+$0x0], $0xffff;
	_ =	sdelay $0x2  }
0x550: {  	v18 =	vor.u32 v13, v17  }
0x551: {  	v19 =	vor.u32 v14, v19;
	_ =	sdelay $0x1  }
0x552: {  	v16 =	vmul.f32 $8.000000000e+00, v16;
	_ =	sdelay $0x1  }
0x553: {  	[tilespmem:v18+s22+$0x0] =	vst.idx.msk $0xffff, v16  }
0x554: {  	v16 =	vld.idx.msk [tilespmem:v19+s17+$0x0], $0xffff  }
0x555: {  	s9 =	sadd.s32 $0x3, s3;
	s3 =	smov.u32 s8  }
0x556: {  	v18 =	vadd.s32 s9, v0  }
0x557: {  	v17 =	vor.u32 v15, v17;
	v19 =	vand.u32 $0x3F, v18;
	v18 =	vshll.u32 v18, $0x7  }
0x558: {  	v20 =	vor.u32 v1, v19;
	v18 =	vand.u32 $0x1F80, v18;
	_ =	sdelay $0x1  }
0x559: {  	v16 =	vmul.f32 $8.000000000e+00, v16;
	_ =	sdelay $0x1  }
0x55a: {  	[tilespmem:v17+s22+$0x0] =	vst.idx.msk $0xffff, v16  }
0x55b: {  	v16 =	vld.idx.msk [tilespmem:v20+s17+$0x0], $0xffff;
	_ =	sdelay $0x2  }
0x55c: {  	v17 =	vor.u32 v0, v18  }
0x55d: {  	v20 =	vor.u32 v2, v19;
	_ =	sdelay $0x1  }
0x55e: {  	v16 =	vmul.f32 $8.000000000e+00, v16;
	_ =	sdelay $0x1  }
0x55f: {  	[tilespmem:v17+s22+$0x0] =	vst.idx.msk $0xffff, v16  }
0x560: {  	v16 =	vld.idx.msk [tilespmem:v20+s17+$0x0], $0xffff;
	_ =	sdelay $0x2  }
0x561: {  	v17 =	vor.u32 v3, v18  }
0x562: {  	v20 =	vor.u32 v4, v19;
	_ =	sdelay $0x1  }
0x563: {  	v16 =	vmul.f32 $8.000000000e+00, v16;
	_ =	sdelay $0x1  }
0x564: {  	[tilespmem:v17+s22+$0x0] =	vst.idx.msk $0xffff, v16  }
0x565: {  	v16 =	vld.idx.msk [tilespmem:v20+s17+$0x0], $0xffff;
	_ =	sdelay $0x2  }
0x566: {  	v17 =	vor.u32 v5, v18  }
0x567: {  	v20 =	vor.u32 v6, v19;
	_ =	sdelay $0x1  }
0x568: {  	v16 =	vmul.f32 $8.000000000e+00, v16;
	_ =	sdelay $0x1  }
0x569: {  	[tilespmem:v17+s22+$0x0] =	vst.idx.msk $0xffff, v16  }
0x56a: {  	v16 =	vld.idx.msk [tilespmem:v20+s17+$0x0], $0xffff;
	_ =	sdelay $0x2  }
0x56b: {  	v17 =	vor.u32 v7, v18  }
0x56c: {  	v20 =	vor.u32 v8, v19;
	_ =	sdelay $0x1  }
0x56d: {  	v16 =	vmul.f32 $8.000000000e+00, v16;
	_ =	sdelay $0x1  }
0x56e: {  	[tilespmem:v17+s22+$0x0] =	vst.idx.msk $0xffff, v16  }
0x56f: {  	v16 =	vld.idx.msk [tilespmem:v20+s17+$0x0], $0xffff;
	_ =	sdelay $0x2  }
0x570: {  	v17 =	vor.u32 v9, v18  }
0x571: {  	v20 =	vor.u32 v10, v19;
	_ =	sdelay $0x1  }
0x572: {  	v16 =	vmul.f32 $8.000000000e+00, v16;
	_ =	sdelay $0x1  }
0x573: {  	[tilespmem:v17+s22+$0x0] =	vst.idx.msk $0xffff, v16  }
0x574: {  	v16 =	vld.idx.msk [tilespmem:v20+s17+$0x0], $0xffff;
	_ =	sdelay $0x2  }
0x575: {  	v17 =	vor.u32 v11, v18  }
0x576: {  	v20 =	vor.u32 v12, v19;
	_ =	sdelay $0x1  }
0x577: {  	v16 =	vmul.f32 $8.000000000e+00, v16;
	_ =	sdelay $0x1  }
0x578: {  	[tilespmem:v17+s22+$0x0] =	vst.idx.msk $0xffff, v16  }
0x579: {  	v16 =	vld.idx.msk [tilespmem:v20+s17+$0x0], $0xffff;
	_ =	sdelay $0x2  }
0x57a: {  	v17 =	vor.u32 v13, v18  }
0x57b: {  	v19 =	vor.u32 v14, v19;
	_ =	sdelay $0x1  }
0x57c: {  	v16 =	vmul.f32 $8.000000000e+00, v16;
	_ =	sdelay $0x1  }
0x57d: {  	[tilespmem:v17+s22+$0x0] =	vst.idx.msk $0xffff, v16  }
0x57e: {  	v20 =	vld.idx.msk [tilespmem:v19+s17+$0x0], $0xffff;
	_ =	sdelay $0x1  }
.Ltmp4:
0x57f: {  	v16 =	vadd.s32 s3, v0;
	(pc) =	sbr.rel @p0 .LBB2_7-.Ltmp4, $3  }
0x580: {  	v17 =	vand.u32 $0x3F, v16;
	v16 =	vshll.u32 v16, $0x7;
	v19 =	vor.u32 v15, v18  }
0x581: {  	v18 =	vor.u32 v1, v17;
	v16 =	vand.u32 $0x1F80, v16;
	_ =	sdelay $0x1  }
0x582: {  	v20 =	vmul.f32 $8.000000000e+00, v20  }
0x583: {  	_ =	sdelay $0x3  }
0x584: {  	[tilespmem:v19+s22+$0x0] =	vst.idx.msk $0xffff, v20  }
0x585: {  	v18 =	vld.idx.msk [tilespmem:v18+s17+$0x0], $0xffff;
	_ =	sdelay $0x1  }
0x586: {  	v19 =	vor.u32 v0, v16  }
0x587: {  	v20 =	vor.u32 v2, v17;
	_ =	sdelay $0x1  }
0x588: {  	v18 =	vmul.f32 $8.000000000e+00, v18;
	_ =	sdelay $0x1  }
0x589: {  	[tilespmem:v19+s22+$0x0] =	vst.idx.msk $0xffff, v18  }
0x58a: {  	v18 =	vld.idx.msk [tilespmem:v20+s17+$0x0], $0xffff;
	_ =	sdelay $0x1  }
0x58b: {  	v19 =	vor.u32 v3, v16  }
0x58c: {  	v20 =	vor.u32 v4, v17;
	_ =	sdelay $0x1  }
0x58d: {  	v18 =	vmul.f32 $8.000000000e+00, v18;
	_ =	sdelay $0x1  }
0x58e: {  	[tilespmem:v19+s22+$0x0] =	vst.idx.msk $0xffff, v18  }
0x58f: {  	v18 =	vld.idx.msk [tilespmem:v20+s17+$0x0], $0xffff;
	_ =	sdelay $0x1  }
0x590: {  	v19 =	vor.u32 v5, v16  }
0x591: {  	v20 =	vor.u32 v6, v17;
	_ =	sdelay $0x1  }
0x592: {  	v18 =	vmul.f32 $8.000000000e+00, v18;
	_ =	sdelay $0x1  }
0x593: {  	[tilespmem:v19+s22+$0x0] =	vst.idx.msk $0xffff, v18  }
0x594: {  	v18 =	vld.idx.msk [tilespmem:v20+s17+$0x0], $0xffff;
	_ =	sdelay $0x1  }
0x595: {  	v19 =	vor.u32 v7, v16  }
0x596: {  	v20 =	vor.u32 v8, v17;
	_ =	sdelay $0x1  }
0x597: {  	v18 =	vmul.f32 $8.000000000e+00, v18;
	_ =	sdelay $0x1  }
0x598: {  	[tilespmem:v19+s22+$0x0] =	vst.idx.msk $0xffff, v18  }
0x599: {  	v18 =	vld.idx.msk [tilespmem:v20+s17+$0x0], $0xffff;
	_ =	sdelay $0x1  }
0x59a: {  	v19 =	vor.u32 v9, v16  }
0x59b: {  	v20 =	vor.u32 v10, v17;
	_ =	sdelay $0x1  }
0x59c: {  	v18 =	vmul.f32 $8.000000000e+00, v18;
	_ =	sdelay $0x1  }
0x59d: {  	[tilespmem:v19+s22+$0x0] =	vst.idx.msk $0xffff, v18  }
0x59e: {  	v18 =	vld.idx.msk [tilespmem:v20+s17+$0x0], $0xffff;
	_ =	sdelay $0x1  }
0x59f: {  	v19 =	vor.u32 v11, v16  }
0x5a0: {  	v20 =	vor.u32 v12, v17;
	_ =	sdelay $0x1  }
0x5a1: {  	v18 =	vmul.f32 $8.000000000e+00, v18;
	_ =	sdelay $0x1  }
0x5a2: {  	[tilespmem:v19+s22+$0x0] =	vst.idx.msk $0xffff, v18  }
0x5a3: {  	v18 =	vld.idx.msk [tilespmem:v20+s17+$0x0], $0xffff;
	_ =	sdelay $0x1  }
0x5a4: {  	v19 =	vor.u32 v13, v16  }
0x5a5: {  	v17 =	vor.u32 v14, v17;
	_ =	sdelay $0x1  }
0x5a6: {  	v18 =	vmul.f32 $8.000000000e+00, v18;
	_ =	sdelay $0x1  }
0x5a7: {  	[tilespmem:v19+s22+$0x0] =	vst.idx.msk $0xffff, v18  }
0x5a8: {  	s5 =	sadd.s32 $0x1, s3;
	v17 =	vld.idx.msk [tilespmem:v17+s17+$0x0], $0xffff  }
0x5a9: {  	v18 =	vadd.s32 s5, v0  }
0x5aa: {  	v16 =	vor.u32 v15, v16;
	v19 =	vand.u32 $0x3F, v18  }
0x5ab: {  	v20 =	vor.u32 v1, v19;
	_ =	sdelay $0x1  }
0x5ac: {  	v17 =	vmul.f32 $8.000000000e+00, v17;
	_ =	sdelay $0x1  }
0x5ad: {  	[tilespmem:v16+s22+$0x0] =	vst.idx.msk $0xffff, v17  }
0x5ae: {  	v16 =	vshll.u32 v18, $0x7;
	v17 =	vld.idx.msk [tilespmem:v20+s17+$0x0], $0xffff  }
0x5af: {  	v16 =	vand.u32 $0x1F80, v16  }
0x5b0: {  	v18 =	vor.u32 v0, v16  }
0x5b1: {  	v20 =	vor.u32 v2, v19;
	_ =	sdelay $0x1  }
0x5b2: {  	v17 =	vmul.f32 $8.000000000e+00, v17;
	_ =	sdelay $0x1  }
0x5b3: {  	[tilespmem:v18+s22+$0x0] =	vst.idx.msk $0xffff, v17  }
0x5b4: {  	v17 =	vld.idx.msk [tilespmem:v20+s17+$0x0], $0xffff;
	_ =	sdelay $0x1  }
0x5b5: {  	v18 =	vor.u32 v3, v16  }
0x5b6: {  	v20 =	vor.u32 v4, v19;
	_ =	sdelay $0x1  }
0x5b7: {  	v17 =	vmul.f32 $8.000000000e+00, v17;
	_ =	sdelay $0x1  }
0x5b8: {  	[tilespmem:v18+s22+$0x0] =	vst.idx.msk $0xffff, v17  }
0x5b9: {  	v17 =	vld.idx.msk [tilespmem:v20+s17+$0x0], $0xffff;
	_ =	sdelay $0x1  }
0x5ba: {  	v18 =	vor.u32 v5, v16  }
0x5bb: {  	v20 =	vor.u32 v6, v19;
	_ =	sdelay $0x1  }
0x5bc: {  	v17 =	vmul.f32 $8.000000000e+00, v17;
	_ =	sdelay $0x1  }
0x5bd: {  	[tilespmem:v18+s22+$0x0] =	vst.idx.msk $0xffff, v17  }
0x5be: {  	v17 =	vld.idx.msk [tilespmem:v20+s17+$0x0], $0xffff;
	_ =	sdelay $0x1  }
0x5bf: {  	v18 =	vor.u32 v7, v16  }
0x5c0: {  	v20 =	vor.u32 v8, v19;
	_ =	sdelay $0x1  }
0x5c1: {  	v17 =	vmul.f32 $8.000000000e+00, v17;
	_ =	sdelay $0x1  }
0x5c2: {  	[tilespmem:v18+s22+$0x0] =	vst.idx.msk $0xffff, v17  }
0x5c3: {  	v17 =	vld.idx.msk [tilespmem:v20+s17+$0x0], $0xffff;
	_ =	sdelay $0x1  }
0x5c4: {  	v18 =	vor.u32 v9, v16  }
0x5c5: {  	v20 =	vor.u32 v10, v19;
	_ =	sdelay $0x1  }
0x5c6: {  	v17 =	vmul.f32 $8.000000000e+00, v17;
	_ =	sdelay $0x1  }
0x5c7: {  	[tilespmem:v18+s22+$0x0] =	vst.idx.msk $0xffff, v17  }
0x5c8: {  	v17 =	vld.idx.msk [tilespmem:v20+s17+$0x0], $0xffff;
	_ =	sdelay $0x1  }
0x5c9: {  	v18 =	vor.u32 v11, v16  }
0x5ca: {  	v20 =	vor.u32 v12, v19;
	_ =	sdelay $0x1  }
0x5cb: {  	v17 =	vmul.f32 $8.000000000e+00, v17;
	_ =	sdelay $0x1  }
0x5cc: {  	[tilespmem:v18+s22+$0x0] =	vst.idx.msk $0xffff, v17  }
0x5cd: {  	v17 =	vld.idx.msk [tilespmem:v20+s17+$0x0], $0xffff;
	_ =	sdelay $0x1  }
0x5ce: {  	v18 =	vor.u32 v13, v16  }
0x5cf: {  	v19 =	vor.u32 v14, v19;
	_ =	sdelay $0x1  }
0x5d0: {  	v17 =	vmul.f32 $8.000000000e+00, v17;
	_ =	sdelay $0x1  }
0x5d1: {  	[tilespmem:v18+s22+$0x0] =	vst.idx.msk $0xffff, v17  }
0x5d2: {  	s9 =	sadd.s32 $0x2, s3;
	v17 =	vld.idx.msk [tilespmem:v19+s17+$0x0], $0xffff  }
0x5d3: {  	v18 =	vadd.s32 s9, v0  }
0x5d4: {  	v16 =	vor.u32 v15, v16;
	v19 =	vand.u32 $0x3F, v18  }
0x5d5: {  	v20 =	vor.u32 v1, v19;
	_ =	sdelay $0x1  }
0x5d6: {  	v17 =	vmul.f32 $8.000000000e+00, v17;
	_ =	sdelay $0x1  }
0x5d7: {  	[tilespmem:v16+s22+$0x0] =	vst.idx.msk $0xffff, v17  }
0x5d8: {  	v16 =	vshll.u32 v18, $0x7;
	v17 =	vld.idx.msk [tilespmem:v20+s17+$0x0], $0xffff  }
0x5d9: {  	v16 =	vand.u32 $0x1F80, v16  }
0x5da: {  	v18 =	vor.u32 v0, v16  }
0x5db: {  	v20 =	vor.u32 v2, v19;
	_ =	sdelay $0x1  }
0x5dc: {  	v17 =	vmul.f32 $8.000000000e+00, v17;
	_ =	sdelay $0x1  }
0x5dd: {  	[tilespmem:v18+s22+$0x0] =	vst.idx.msk $0xffff, v17  }
0x5de: {  	v17 =	vld.idx.msk [tilespmem:v20+s17+$0x0], $0xffff;
	_ =	sdelay $0x1  }
0x5df: {  	v18 =	vor.u32 v3, v16  }
0x5e0: {  	v20 =	vor.u32 v4, v19;
	_ =	sdelay $0x1  }
0x5e1: {  	v17 =	vmul.f32 $8.000000000e+00, v17;
	_ =	sdelay $0x1  }
0x5e2: {  	[tilespmem:v18+s22+$0x0] =	vst.idx.msk $0xffff, v17  }
0x5e3: {  	v17 =	vld.idx.msk [tilespmem:v20+s17+$0x0], $0xffff;
	_ =	sdelay $0x1  }
0x5e4: {  	v18 =	vor.u32 v5, v16  }
0x5e5: {  	v20 =	vor.u32 v6, v19;
	_ =	sdelay $0x1  }
0x5e6: {  	v17 =	vmul.f32 $8.000000000e+00, v17;
	_ =	sdelay $0x1  }
0x5e7: {  	[tilespmem:v18+s22+$0x0] =	vst.idx.msk $0xffff, v17  }
0x5e8: {  	v17 =	vld.idx.msk [tilespmem:v20+s17+$0x0], $0xffff;
	_ =	sdelay $0x1  }
0x5e9: {  	v18 =	vor.u32 v7, v16  }
0x5ea: {  	v20 =	vor.u32 v8, v19;
	_ =	sdelay $0x1  }
0x5eb: {  	v17 =	vmul.f32 $8.000000000e+00, v17;
	_ =	sdelay $0x1  }
0x5ec: {  	[tilespmem:v18+s22+$0x0] =	vst.idx.msk $0xffff, v17  }
0x5ed: {  	v17 =	vld.idx.msk [tilespmem:v20+s17+$0x0], $0xffff;
	_ =	sdelay $0x1  }
0x5ee: {  	v18 =	vor.u32 v9, v16  }
0x5ef: {  	v20 =	vor.u32 v10, v19;
	_ =	sdelay $0x1  }
0x5f0: {  	v17 =	vmul.f32 $8.000000000e+00, v17;
	_ =	sdelay $0x1  }
0x5f1: {  	[tilespmem:v18+s22+$0x0] =	vst.idx.msk $0xffff, v17  }
0x5f2: {  	v17 =	vld.idx.msk [tilespmem:v20+s17+$0x0], $0xffff;
	_ =	sdelay $0x1  }
0x5f3: {  	v18 =	vor.u32 v11, v16  }
0x5f4: {  	v20 =	vor.u32 v12, v19;
	_ =	sdelay $0x1  }
0x5f5: {  	v17 =	vmul.f32 $8.000000000e+00, v17;
	_ =	sdelay $0x1  }
0x5f6: {  	[tilespmem:v18+s22+$0x0] =	vst.idx.msk $0xffff, v17  }
0x5f7: {  	v17 =	vld.idx.msk [tilespmem:v20+s17+$0x0], $0xffff;
	_ =	sdelay $0x1  }
0x5f8: {  	v18 =	vor.u32 v13, v16  }
0x5f9: {  	v19 =	vor.u32 v14, v19;
	_ =	sdelay $0x1  }
0x5fa: {  	v17 =	vmul.f32 $8.000000000e+00, v17;
	_ =	sdelay $0x1  }
0x5fb: {  	[tilespmem:v18+s22+$0x0] =	vst.idx.msk $0xffff, v17  }
0x5fc: {  	s25 =	sadd.s32 $0x3, s3;
	v17 =	vld.idx.msk [tilespmem:v19+s17+$0x0], $0xffff  }
0x5fd: {  	v18 =	vadd.s32 s25, v0  }
0x5fe: {  	v16 =	vor.u32 v15, v16;
	v19 =	vand.u32 $0x3F, v18  }
0x5ff: {  	v20 =	vor.u32 v1, v19;
	_ =	sdelay $0x1  }
0x600: {  	v17 =	vmul.f32 $8.000000000e+00, v17;
	_ =	sdelay $0x1  }
0x601: {  	[tilespmem:v16+s22+$0x0] =	vst.idx.msk $0xffff, v17  }
0x602: {  	v16 =	vshll.u32 v18, $0x7;
	v17 =	vld.idx.msk [tilespmem:v20+s17+$0x0], $0xffff  }
0x603: {  	v16 =	vand.u32 $0x1F80, v16  }
0x604: {  	v18 =	vor.u32 v0, v16  }
0x605: {  	v20 =	vor.u32 v2, v19;
	_ =	sdelay $0x1  }
0x606: {  	v17 =	vmul.f32 $8.000000000e+00, v17;
	_ =	sdelay $0x1  }
0x607: {  	[tilespmem:v18+s22+$0x0] =	vst.idx.msk $0xffff, v17  }
0x608: {  	v17 =	vld.idx.msk [tilespmem:v20+s17+$0x0], $0xffff;
	_ =	sdelay $0x1  }
0x609: {  	v18 =	vor.u32 v3, v16  }
0x60a: {  	v20 =	vor.u32 v4, v19;
	_ =	sdelay $0x1  }
0x60b: {  	v17 =	vmul.f32 $8.000000000e+00, v17;
	_ =	sdelay $0x1  }
0x60c: {  	[tilespmem:v18+s22+$0x0] =	vst.idx.msk $0xffff, v17  }
0x60d: {  	v17 =	vld.idx.msk [tilespmem:v20+s17+$0x0], $0xffff;
	_ =	sdelay $0x1  }
0x60e: {  	v18 =	vor.u32 v5, v16  }
0x60f: {  	v20 =	vor.u32 v6, v19;
	_ =	sdelay $0x1  }
0x610: {  	v17 =	vmul.f32 $8.000000000e+00, v17;
	_ =	sdelay $0x1  }
0x611: {  	[tilespmem:v18+s22+$0x0] =	vst.idx.msk $0xffff, v17  }
0x612: {  	v17 =	vld.idx.msk [tilespmem:v20+s17+$0x0], $0xffff;
	_ =	sdelay $0x1  }
0x613: {  	v18 =	vor.u32 v7, v16  }
0x614: {  	v20 =	vor.u32 v8, v19;
	_ =	sdelay $0x1  }
0x615: {  	v17 =	vmul.f32 $8.000000000e+00, v17;
	_ =	sdelay $0x1  }
0x616: {  	[tilespmem:v18+s22+$0x0] =	vst.idx.msk $0xffff, v17  }
0x617: {  	v17 =	vld.idx.msk [tilespmem:v20+s17+$0x0], $0xffff;
	_ =	sdelay $0x1  }
0x618: {  	v18 =	vor.u32 v9, v16  }
0x619: {  	v20 =	vor.u32 v10, v19;
	_ =	sdelay $0x1  }
0x61a: {  	v17 =	vmul.f32 $8.000000000e+00, v17;
	_ =	sdelay $0x1  }
0x61b: {  	[tilespmem:v18+s22+$0x0] =	vst.idx.msk $0xffff, v17  }
0x61c: {  	v17 =	vld.idx.msk [tilespmem:v20+s17+$0x0], $0xffff;
	_ =	sdelay $0x1  }
0x61d: {  	v18 =	vor.u32 v11, v16  }
0x61e: {  	v20 =	vor.u32 v12, v19;
	_ =	sdelay $0x1  }
0x61f: {  	v17 =	vmul.f32 $8.000000000e+00, v17;
	_ =	sdelay $0x1  }
0x620: {  	[tilespmem:v18+s22+$0x0] =	vst.idx.msk $0xffff, v17  }
0x621: {  	v17 =	vld.idx.msk [tilespmem:v20+s17+$0x0], $0xffff;
	_ =	sdelay $0x1  }
0x622: {  	v18 =	vor.u32 v13, v16  }
0x623: {  	v19 =	vor.u32 v14, v19;
	_ =	sdelay $0x1  }
0x624: {  	v17 =	vmul.f32 $8.000000000e+00, v17;
	_ =	sdelay $0x1  }
0x625: {  	[tilespmem:v18+s22+$0x0] =	vst.idx.msk $0xffff, v17  }
0x626: {  	v17 =	vld.idx.msk [tilespmem:v19+s17+$0x0], $0xffff;
	_ =	sdelay $0x1  }
0x627: {  	v16 =	vor.u32 v15, v16;
	_ =	sdelay $0x1  }
0x628: {  	s0 =	sshll.u32 s0, $0x12  }
0x629: {  	s0 =	sor.u32 s6, s0;
	v17 =	vmul.f32 $8.000000000e+00, v17  }
0x62a: {  	s0 =	sshrl.u32 s0, $0x3  }
0x62b: {  	p0 =	seq.s32 s31, $0x31;
	s0 =	sadd.s32 s2, s0;
	[tilespmem:v16+s22+$0x0] =	vst.idx.msk $0xffff, v17  }
0x62c: {  	[hbm4b:s0+s15] =	stream.strided.scatter [tilespmem:s22], [sflag:$0x7], $0x2000, s16, s15, $0x38;
	[tilespmem:$0x1E400] =	vst v63  }
0x62d: {  	s0 =	sshll.u32 @!p0 s31, $0x9  }
0x62e: {  	s0 =	sand.u32 @!p0 $0x3FFFFE00, s0  }
0x62f: {  	s3 =	simm.s32 @!p0 $0x80;
	s5 =	simm.s32 @!p0 $0x6400;
	s0 =	sadd.s32 @!p0 $0x200, s0  }
0x630: {  	[tilespmem:s5], [sflag:$0x1] =	stream.indirect.gather @!p0 [hbm4b:s4+s3], $0x80, s0, s3, $0xb8;
	[tilespmem:$0x1E400] =	vst v63  }
0x631: {  	p1 =	seq.s32 @!p0 s31, $0x0;
	s5 =	simm.s32 $0x0  }
0x632: {  	p1 =	por p0, !p1;
	v16 =	vadd.s32 s5, v0  }
0x633: {  	_ =	swait.ge @p1 [sflag:s29], $0x2000;
	v17 =	vand.u32 $0x3F, v16  }
0x634: {  	[sflag:s29] =	ssyncset.done @p1 $0x0;
	v18 =	vor.u32 v1, v17  }
0x635: {  	[sflag:s29] =	ssyncadd.s32 @p1 $0xFFFFE000  }
0x636: {  	_ =	swait.ge [sflag:s23], $0x4000  }
0x637: {  	[sflag:s23] =	ssyncset.done $0x0  }
0x638: {  	[sflag:s23] =	ssyncadd.s32 $0xFFFFC000  }
0x639: {  	v16 =	vshll.u32 v16, $0x7;
	v18 =	vld.idx.msk [tilespmem:v18+s20+$0x0], $0xffff  }
0x63a: {  	v16 =	vand.u32 $0x1F80, v16  }
0x63b: {  	v19 =	vor.u32 v0, v16  }
0x63c: {  	v20 =	vor.u32 v2, v17;
	_ =	sdelay $0x1  }
0x63d: {  	v18 =	vmul.f32 $8.000000000e+00, v18;
	_ =	sdelay $0x1  }
0x63e: {  	[tilespmem:v19+s24+$0x0] =	vst.idx.msk $0xffff, v18  }
0x63f: {  	v18 =	vld.idx.msk [tilespmem:v20+s20+$0x0], $0xffff;
	_ =	sdelay $0x1  }
0x640: {  	v19 =	vor.u32 v3, v16  }
0x641: {  	v20 =	vor.u32 v4, v17;
	_ =	sdelay $0x1  }
0x642: {  	v18 =	vmul.f32 $8.000000000e+00, v18;
	_ =	sdelay $0x1  }
0x643: {  	[tilespmem:v19+s24+$0x0] =	vst.idx.msk $0xffff, v18  }
0x644: {  	v18 =	vld.idx.msk [tilespmem:v20+s20+$0x0], $0xffff;
	_ =	sdelay $0x1  }
0x645: {  	v19 =	vor.u32 v5, v16  }
0x646: {  	v20 =	vor.u32 v6, v17;
	_ =	sdelay $0x1  }
0x647: {  	v18 =	vmul.f32 $8.000000000e+00, v18;
	_ =	sdelay $0x1  }
0x648: {  	[tilespmem:v19+s24+$0x0] =	vst.idx.msk $0xffff, v18  }
0x649: {  	v18 =	vld.idx.msk [tilespmem:v20+s20+$0x0], $0xffff;
	_ =	sdelay $0x1  }
0x64a: {  	v19 =	vor.u32 v7, v16  }
0x64b: {  	v20 =	vor.u32 v8, v17;
	_ =	sdelay $0x1  }
0x64c: {  	v18 =	vmul.f32 $8.000000000e+00, v18;
	_ =	sdelay $0x1  }
0x64d: {  	[tilespmem:v19+s24+$0x0] =	vst.idx.msk $0xffff, v18  }
0x64e: {  	v18 =	vld.idx.msk [tilespmem:v20+s20+$0x0], $0xffff;
	_ =	sdelay $0x1  }
0x64f: {  	v19 =	vor.u32 v9, v16  }
0x650: {  	v20 =	vor.u32 v10, v17;
	_ =	sdelay $0x1  }
0x651: {  	v18 =	vmul.f32 $8.000000000e+00, v18;
	_ =	sdelay $0x1  }
0x652: {  	[tilespmem:v19+s24+$0x0] =	vst.idx.msk $0xffff, v18  }
0x653: {  	v18 =	vld.idx.msk [tilespmem:v20+s20+$0x0], $0xffff;
	_ =	sdelay $0x1  }
0x654: {  	v19 =	vor.u32 v11, v16  }
0x655: {  	v20 =	vor.u32 v12, v17;
	_ =	sdelay $0x1  }
0x656: {  	v18 =	vmul.f32 $8.000000000e+00, v18;
	_ =	sdelay $0x1  }
0x657: {  	[tilespmem:v19+s24+$0x0] =	vst.idx.msk $0xffff, v18  }
0x658: {  	v18 =	vld.idx.msk [tilespmem:v20+s20+$0x0], $0xffff;
	_ =	sdelay $0x1  }
0x659: {  	v19 =	vor.u32 v13, v16  }
0x65a: {  	v17 =	vor.u32 v14, v17;
	_ =	sdelay $0x1  }
0x65b: {  	v18 =	vmul.f32 $8.000000000e+00, v18;
	_ =	sdelay $0x1  }
0x65c: {  	[tilespmem:v19+s24+$0x0] =	vst.idx.msk $0xffff, v18  }
0x65d: {  	s8 =	simm.s32 $0x1;
	v17 =	vld.idx.msk [tilespmem:v17+s20+$0x0], $0xffff  }
0x65e: {  	v18 =	vadd.s32 s8, v0  }
0x65f: {  	v16 =	vor.u32 v15, v16;
	v19 =	vand.u32 $0x3F, v18  }
0x660: {  	v20 =	vor.u32 v1, v19;
	_ =	sdelay $0x1  }
0x661: {  	v17 =	vmul.f32 $8.000000000e+00, v17;
	_ =	sdelay $0x1  }
0x662: {  	[tilespmem:v16+s24+$0x0] =	vst.idx.msk $0xffff, v17  }
0x663: {  	v16 =	vshll.u32 v18, $0x7;
	v17 =	vld.idx.msk [tilespmem:v20+s20+$0x0], $0xffff  }
0x664: {  	v16 =	vand.u32 $0x1F80, v16  }
0x665: {  	v18 =	vor.u32 v0, v16  }
0x666: {  	v20 =	vor.u32 v2, v19;
	_ =	sdelay $0x1  }
0x667: {  	v17 =	vmul.f32 $8.000000000e+00, v17;
	_ =	sdelay $0x1  }
0x668: {  	[tilespmem:v18+s24+$0x0] =	vst.idx.msk $0xffff, v17  }
0x669: {  	v17 =	vld.idx.msk [tilespmem:v20+s20+$0x0], $0xffff;
	_ =	sdelay $0x1  }
0x66a: {  	v18 =	vor.u32 v3, v16  }
0x66b: {  	v20 =	vor.u32 v4, v19;
	_ =	sdelay $0x1  }
0x66c: {  	v17 =	vmul.f32 $8.000000000e+00, v17;
	_ =	sdelay $0x1  }
0x66d: {  	[tilespmem:v18+s24+$0x0] =	vst.idx.msk $0xffff, v17  }
0x66e: {  	v17 =	vld.idx.msk [tilespmem:v20+s20+$0x0], $0xffff;
	_ =	sdelay $0x1  }
0x66f: {  	v18 =	vor.u32 v5, v16  }
0x670: {  	v20 =	vor.u32 v6, v19;
	_ =	sdelay $0x1  }
0x671: {  	v17 =	vmul.f32 $8.000000000e+00, v17;
	_ =	sdelay $0x1  }
0x672: {  	[tilespmem:v18+s24+$0x0] =	vst.idx.msk $0xffff, v17  }
0x673: {  	v17 =	vld.idx.msk [tilespmem:v20+s20+$0x0], $0xffff;
	_ =	sdelay $0x1  }
0x674: {  	v18 =	vor.u32 v7, v16  }
0x675: {  	v20 =	vor.u32 v8, v19;
	_ =	sdelay $0x1  }
0x676: {  	v17 =	vmul.f32 $8.000000000e+00, v17;
	_ =	sdelay $0x1  }
0x677: {  	[tilespmem:v18+s24+$0x0] =	vst.idx.msk $0xffff, v17  }
0x678: {  	v17 =	vld.idx.msk [tilespmem:v20+s20+$0x0], $0xffff;
	_ =	sdelay $0x1  }
0x679: {  	v18 =	vor.u32 v9, v16  }
0x67a: {  	v20 =	vor.u32 v10, v19;
	_ =	sdelay $0x1  }
0x67b: {  	v17 =	vmul.f32 $8.000000000e+00, v17;
	_ =	sdelay $0x1  }
0x67c: {  	[tilespmem:v18+s24+$0x0] =	vst.idx.msk $0xffff, v17  }
0x67d: {  	v17 =	vld.idx.msk [tilespmem:v20+s20+$0x0], $0xffff;
	_ =	sdelay $0x1  }
0x67e: {  	v18 =	vor.u32 v11, v16  }
0x67f: {  	v20 =	vor.u32 v12, v19;
	_ =	sdelay $0x1  }
0x680: {  	v17 =	vmul.f32 $8.000000000e+00, v17;
	_ =	sdelay $0x1  }
0x681: {  	[tilespmem:v18+s24+$0x0] =	vst.idx.msk $0xffff, v17  }
0x682: {  	v17 =	vld.idx.msk [tilespmem:v20+s20+$0x0], $0xffff;
	_ =	sdelay $0x1  }
0x683: {  	v18 =	vor.u32 v13, v16  }
0x684: {  	v19 =	vor.u32 v14, v19;
	_ =	sdelay $0x1  }
0x685: {  	v17 =	vmul.f32 $8.000000000e+00, v17;
	_ =	sdelay $0x1  }
0x686: {  	[tilespmem:v18+s24+$0x0] =	vst.idx.msk $0xffff, v17  }
0x687: {  	s9 =	simm.s32 $0x2;
	v17 =	vld.idx.msk [tilespmem:v19+s20+$0x0], $0xffff  }
0x688: {  	v18 =	vadd.s32 s9, v0  }
0x689: {  	v16 =	vor.u32 v15, v16;
	v19 =	vand.u32 $0x3F, v18  }
0x68a: {  	v20 =	vor.u32 v1, v19;
	_ =	sdelay $0x1  }
0x68b: {  	v17 =	vmul.f32 $8.000000000e+00, v17;
	_ =	sdelay $0x1  }
0x68c: {  	[tilespmem:v16+s24+$0x0] =	vst.idx.msk $0xffff, v17  }
0x68d: {  	v16 =	vshll.u32 v18, $0x7;
	v17 =	vld.idx.msk [tilespmem:v20+s20+$0x0], $0xffff  }
0x68e: {  	v16 =	vand.u32 $0x1F80, v16  }
0x68f: {  	v18 =	vor.u32 v0, v16  }
0x690: {  	v20 =	vor.u32 v2, v19;
	_ =	sdelay $0x1  }
0x691: {  	v17 =	vmul.f32 $8.000000000e+00, v17;
	_ =	sdelay $0x1  }
0x692: {  	[tilespmem:v18+s24+$0x0] =	vst.idx.msk $0xffff, v17  }
0x693: {  	v17 =	vld.idx.msk [tilespmem:v20+s20+$0x0], $0xffff;
	_ =	sdelay $0x1  }
0x694: {  	v18 =	vor.u32 v3, v16  }
0x695: {  	v20 =	vor.u32 v4, v19;
	_ =	sdelay $0x1  }
0x696: {  	v17 =	vmul.f32 $8.000000000e+00, v17;
	_ =	sdelay $0x1  }
0x697: {  	[tilespmem:v18+s24+$0x0] =	vst.idx.msk $0xffff, v17  }
0x698: {  	v17 =	vld.idx.msk [tilespmem:v20+s20+$0x0], $0xffff;
	_ =	sdelay $0x1  }
0x699: {  	v18 =	vor.u32 v5, v16  }
0x69a: {  	v20 =	vor.u32 v6, v19;
	_ =	sdelay $0x1  }
0x69b: {  	v17 =	vmul.f32 $8.000000000e+00, v17;
	_ =	sdelay $0x1  }
0x69c: {  	[tilespmem:v18+s24+$0x0] =	vst.idx.msk $0xffff, v17  }
0x69d: {  	v17 =	vld.idx.msk [tilespmem:v20+s20+$0x0], $0xffff;
	_ =	sdelay $0x1  }
0x69e: {  	v18 =	vor.u32 v7, v16  }
0x69f: {  	v20 =	vor.u32 v8, v19;
	_ =	sdelay $0x1  }
0x6a0: {  	v17 =	vmul.f32 $8.000000000e+00, v17;
	_ =	sdelay $0x1  }
0x6a1: {  	[tilespmem:v18+s24+$0x0] =	vst.idx.msk $0xffff, v17  }
0x6a2: {  	v17 =	vld.idx.msk [tilespmem:v20+s20+$0x0], $0xffff;
	_ =	sdelay $0x1  }
0x6a3: {  	v18 =	vor.u32 v9, v16  }
0x6a4: {  	v20 =	vor.u32 v10, v19;
	_ =	sdelay $0x1  }
0x6a5: {  	v17 =	vmul.f32 $8.000000000e+00, v17;
	_ =	sdelay $0x1  }
0x6a6: {  	[tilespmem:v18+s24+$0x0] =	vst.idx.msk $0xffff, v17  }
0x6a7: {  	v17 =	vld.idx.msk [tilespmem:v20+s20+$0x0], $0xffff;
	_ =	sdelay $0x1  }
0x6a8: {  	v18 =	vor.u32 v11, v16  }
0x6a9: {  	v20 =	vor.u32 v12, v19;
	_ =	sdelay $0x1  }
0x6aa: {  	v17 =	vmul.f32 $8.000000000e+00, v17;
	_ =	sdelay $0x1  }
0x6ab: {  	[tilespmem:v18+s24+$0x0] =	vst.idx.msk $0xffff, v17  }
0x6ac: {  	v17 =	vld.idx.msk [tilespmem:v20+s20+$0x0], $0xffff;
	_ =	sdelay $0x1  }
0x6ad: {  	v18 =	vor.u32 v13, v16  }
0x6ae: {  	v19 =	vor.u32 v14, v19;
	_ =	sdelay $0x1  }
0x6af: {  	v17 =	vmul.f32 $8.000000000e+00, v17;
	_ =	sdelay $0x1  }
0x6b0: {  	[tilespmem:v18+s24+$0x0] =	vst.idx.msk $0xffff, v17  }
0x6b1: {  	s25 =	simm.s32 $0x3;
	v17 =	vld.idx.msk [tilespmem:v19+s20+$0x0], $0xffff  }
0x6b2: {  	v18 =	vadd.s32 s25, v0  }
0x6b3: {  	v16 =	vor.u32 v15, v16;
	v19 =	vand.u32 $0x3F, v18  }
0x6b4: {  	v20 =	vor.u32 v1, v19;
	_ =	sdelay $0x1  }
0x6b5: {  	v17 =	vmul.f32 $8.000000000e+00, v17;
	_ =	sdelay $0x1  }
0x6b6: {  	[tilespmem:v16+s24+$0x0] =	vst.idx.msk $0xffff, v17  }
0x6b7: {  	v16 =	vshll.u32 v18, $0x7;
	v17 =	vld.idx.msk [tilespmem:v20+s20+$0x0], $0xffff  }
0x6b8: {  	v16 =	vand.u32 $0x1F80, v16  }
0x6b9: {  	v18 =	vor.u32 v0, v16  }
0x6ba: {  	v20 =	vor.u32 v2, v19;
	_ =	sdelay $0x1  }
0x6bb: {  	v17 =	vmul.f32 $8.000000000e+00, v17;
	_ =	sdelay $0x1  }
0x6bc: {  	[tilespmem:v18+s24+$0x0] =	vst.idx.msk $0xffff, v17  }
0x6bd: {  	v17 =	vld.idx.msk [tilespmem:v20+s20+$0x0], $0xffff;
	_ =	sdelay $0x1  }
0x6be: {  	v18 =	vor.u32 v3, v16  }
0x6bf: {  	v20 =	vor.u32 v4, v19;
	_ =	sdelay $0x1  }
0x6c0: {  	v17 =	vmul.f32 $8.000000000e+00, v17;
	_ =	sdelay $0x1  }
0x6c1: {  	[tilespmem:v18+s24+$0x0] =	vst.idx.msk $0xffff, v17  }
0x6c2: {  	v17 =	vld.idx.msk [tilespmem:v20+s20+$0x0], $0xffff;
	_ =	sdelay $0x1  }
0x6c3: {  	v18 =	vor.u32 v5, v16  }
0x6c4: {  	v20 =	vor.u32 v6, v19;
	_ =	sdelay $0x1  }
0x6c5: {  	v17 =	vmul.f32 $8.000000000e+00, v17;
	_ =	sdelay $0x1  }
0x6c6: {  	[tilespmem:v18+s24+$0x0] =	vst.idx.msk $0xffff, v17  }
0x6c7: {  	v17 =	vld.idx.msk [tilespmem:v20+s20+$0x0], $0xffff;
	_ =	sdelay $0x1  }
0x6c8: {  	v18 =	vor.u32 v7, v16  }
0x6c9: {  	v20 =	vor.u32 v8, v19;
	_ =	sdelay $0x1  }
0x6ca: {  	v17 =	vmul.f32 $8.000000000e+00, v17;
	_ =	sdelay $0x1  }
0x6cb: {  	[tilespmem:v18+s24+$0x0] =	vst.idx.msk $0xffff, v17  }
0x6cc: {  	v17 =	vld.idx.msk [tilespmem:v20+s20+$0x0], $0xffff;
	_ =	sdelay $0x1  }
0x6cd: {  	v18 =	vor.u32 v9, v16  }
0x6ce: {  	v20 =	vor.u32 v10, v19;
	_ =	sdelay $0x1  }
0x6cf: {  	v17 =	vmul.f32 $8.000000000e+00, v17;
	_ =	sdelay $0x1  }
0x6d0: {  	[tilespmem:v18+s24+$0x0] =	vst.idx.msk $0xffff, v17  }
0x6d1: {  	v17 =	vld.idx.msk [tilespmem:v20+s20+$0x0], $0xffff;
	_ =	sdelay $0x1  }
0x6d2: {  	v18 =	vor.u32 v11, v16  }
0x6d3: {  	v20 =	vor.u32 v12, v19;
	_ =	sdelay $0x1  }
0x6d4: {  	v17 =	vmul.f32 $8.000000000e+00, v17;
	_ =	sdelay $0x1  }
0x6d5: {  	[tilespmem:v18+s24+$0x0] =	vst.idx.msk $0xffff, v17  }
0x6d6: {  	v17 =	vld.idx.msk [tilespmem:v20+s20+$0x0], $0xffff;
	_ =	sdelay $0x1  }
0x6d7: {  	v18 =	vor.u32 v13, v16  }
0x6d8: {  	v19 =	vor.u32 v14, v19;
	_ =	sdelay $0x1  }
0x6d9: {  	v17 =	vmul.f32 $8.000000000e+00, v17;
	_ =	sdelay $0x1  }
0x6da: {  	[tilespmem:v18+s24+$0x0] =	vst.idx.msk $0xffff, v17  }
0x6db: {  	s0 =	simm.s32 $0x4;
	v20 =	vld.idx.msk [tilespmem:v19+s20+$0x0], $0xffff  }
0x6dc: {  	v18 =	vadd.s32 s0, v0  }
0x6dd: {  	v17 =	vand.u32 $0x3F, v18;
	v19 =	vor.u32 v15, v16  }
0x6de: {  	v21 =	vshll.u32 v18, $0x7;
	v18 =	vor.u32 v1, v17;
	_ =	sdelay $0x1  }
0x6df: {  	s3 =	simm.s32 $0x8;
	v16 =	vand.u32 $0x1F80, v21;
	v20 =	vmul.f32 $8.000000000e+00, v20  }
.LBB2_9:
0x6e0: {  	_ = 	snop  }
0x6e1: {  	p1 =	slt.u32 s3, $0x3C;
	s5 =	smov.u32 s3;
	s3 =	sadd.s32 $0x4, s3;
	[tilespmem:v19+s24+$0x0] =	vst.idx.msk $0xffff, v20  }
0x6e2: {  	v18 =	vld.idx.msk [tilespmem:v18+s20+$0x0], $0xffff;
	_ =	sdelay $0x2  }
0x6e3: {  	v19 =	vor.u32 v0, v16  }
0x6e4: {  	v20 =	vor.u32 v2, v17;
	_ =	sdelay $0x1  }
0x6e5: {  	v18 =	vmul.f32 $8.000000000e+00, v18;
	_ =	sdelay $0x1  }
0x6e6: {  	[tilespmem:v19+s24+$0x0] =	vst.idx.msk $0xffff, v18  }
0x6e7: {  	v18 =	vld.idx.msk [tilespmem:v20+s20+$0x0], $0xffff;
	_ =	sdelay $0x2  }
0x6e8: {  	v19 =	vor.u32 v3, v16  }
0x6e9: {  	v20 =	vor.u32 v4, v17;
	_ =	sdelay $0x1  }
0x6ea: {  	v18 =	vmul.f32 $8.000000000e+00, v18;
	_ =	sdelay $0x1  }
0x6eb: {  	[tilespmem:v19+s24+$0x0] =	vst.idx.msk $0xffff, v18  }
0x6ec: {  	v18 =	vld.idx.msk [tilespmem:v20+s20+$0x0], $0xffff;
	_ =	sdelay $0x2  }
0x6ed: {  	v19 =	vor.u32 v5, v16  }
0x6ee: {  	v20 =	vor.u32 v6, v17;
	_ =	sdelay $0x1  }
0x6ef: {  	v18 =	vmul.f32 $8.000000000e+00, v18;
	_ =	sdelay $0x1  }
0x6f0: {  	[tilespmem:v19+s24+$0x0] =	vst.idx.msk $0xffff, v18  }
0x6f1: {  	v18 =	vld.idx.msk [tilespmem:v20+s20+$0x0], $0xffff;
	_ =	sdelay $0x2  }
0x6f2: {  	v19 =	vor.u32 v7, v16  }
0x6f3: {  	v20 =	vor.u32 v8, v17;
	_ =	sdelay $0x1  }
0x6f4: {  	v18 =	vmul.f32 $8.000000000e+00, v18;
	_ =	sdelay $0x1  }
0x6f5: {  	[tilespmem:v19+s24+$0x0] =	vst.idx.msk $0xffff, v18  }
0x6f6: {  	v18 =	vld.idx.msk [tilespmem:v20+s20+$0x0], $0xffff;
	_ =	sdelay $0x2  }
0x6f7: {  	v19 =	vor.u32 v9, v16  }
0x6f8: {  	v20 =	vor.u32 v10, v17;
	_ =	sdelay $0x1  }
0x6f9: {  	v18 =	vmul.f32 $8.000000000e+00, v18;
	_ =	sdelay $0x1  }
0x6fa: {  	[tilespmem:v19+s24+$0x0] =	vst.idx.msk $0xffff, v18  }
0x6fb: {  	v18 =	vld.idx.msk [tilespmem:v20+s20+$0x0], $0xffff;
	_ =	sdelay $0x2  }
0x6fc: {  	v19 =	vor.u32 v11, v16  }
0x6fd: {  	v20 =	vor.u32 v12, v17;
	_ =	sdelay $0x1  }
0x6fe: {  	v18 =	vmul.f32 $8.000000000e+00, v18;
	_ =	sdelay $0x1  }
0x6ff: {  	[tilespmem:v19+s24+$0x0] =	vst.idx.msk $0xffff, v18  }
0x700: {  	v18 =	vld.idx.msk [tilespmem:v20+s20+$0x0], $0xffff;
	_ =	sdelay $0x2  }
0x701: {  	v19 =	vor.u32 v13, v16  }
0x702: {  	v17 =	vor.u32 v14, v17;
	_ =	sdelay $0x1  }
0x703: {  	v18 =	vmul.f32 $8.000000000e+00, v18;
	_ =	sdelay $0x1  }
0x704: {  	[tilespmem:v19+s24+$0x0] =	vst.idx.msk $0xffff, v18  }
0x705: {  	v17 =	vld.idx.msk [tilespmem:v17+s20+$0x0], $0xffff  }
0x706: {  	s8 =	sadd.s32 $0x1, s0  }
0x707: {  	v18 =	vadd.s32 s8, v0  }
0x708: {  	v16 =	vor.u32 v15, v16;
	v19 =	vand.u32 $0x3F, v18;
	v18 =	vshll.u32 v18, $0x7  }
0x709: {  	v20 =	vor.u32 v1, v19;
	v18 =	vand.u32 $0x1F80, v18;
	_ =	sdelay $0x1  }
0x70a: {  	v17 =	vmul.f32 $8.000000000e+00, v17;
	_ =	sdelay $0x1  }
0x70b: {  	[tilespmem:v16+s24+$0x0] =	vst.idx.msk $0xffff, v17  }
0x70c: {  	v16 =	vld.idx.msk [tilespmem:v20+s20+$0x0], $0xffff;
	_ =	sdelay $0x2  }
0x70d: {  	v17 =	vor.u32 v0, v18  }
0x70e: {  	v20 =	vor.u32 v2, v19;
	_ =	sdelay $0x1  }
0x70f: {  	v16 =	vmul.f32 $8.000000000e+00, v16;
	_ =	sdelay $0x1  }
0x710: {  	[tilespmem:v17+s24+$0x0] =	vst.idx.msk $0xffff, v16  }
0x711: {  	v16 =	vld.idx.msk [tilespmem:v20+s20+$0x0], $0xffff;
	_ =	sdelay $0x2  }
0x712: {  	v17 =	vor.u32 v3, v18  }
0x713: {  	v20 =	vor.u32 v4, v19;
	_ =	sdelay $0x1  }
0x714: {  	v16 =	vmul.f32 $8.000000000e+00, v16;
	_ =	sdelay $0x1  }
0x715: {  	[tilespmem:v17+s24+$0x0] =	vst.idx.msk $0xffff, v16  }
0x716: {  	v16 =	vld.idx.msk [tilespmem:v20+s20+$0x0], $0xffff;
	_ =	sdelay $0x2  }
0x717: {  	v17 =	vor.u32 v5, v18  }
0x718: {  	v20 =	vor.u32 v6, v19;
	_ =	sdelay $0x1  }
0x719: {  	v16 =	vmul.f32 $8.000000000e+00, v16;
	_ =	sdelay $0x1  }
0x71a: {  	[tilespmem:v17+s24+$0x0] =	vst.idx.msk $0xffff, v16  }
0x71b: {  	v16 =	vld.idx.msk [tilespmem:v20+s20+$0x0], $0xffff;
	_ =	sdelay $0x2  }
0x71c: {  	v17 =	vor.u32 v7, v18  }
0x71d: {  	v20 =	vor.u32 v8, v19;
	_ =	sdelay $0x1  }
0x71e: {  	v16 =	vmul.f32 $8.000000000e+00, v16;
	_ =	sdelay $0x1  }
0x71f: {  	[tilespmem:v17+s24+$0x0] =	vst.idx.msk $0xffff, v16  }
0x720: {  	v16 =	vld.idx.msk [tilespmem:v20+s20+$0x0], $0xffff;
	_ =	sdelay $0x2  }
0x721: {  	v17 =	vor.u32 v9, v18  }
0x722: {  	v20 =	vor.u32 v10, v19;
	_ =	sdelay $0x1  }
0x723: {  	v16 =	vmul.f32 $8.000000000e+00, v16;
	_ =	sdelay $0x1  }
0x724: {  	[tilespmem:v17+s24+$0x0] =	vst.idx.msk $0xffff, v16  }
0x725: {  	v16 =	vld.idx.msk [tilespmem:v20+s20+$0x0], $0xffff;
	_ =	sdelay $0x2  }
0x726: {  	v17 =	vor.u32 v11, v18  }
0x727: {  	v20 =	vor.u32 v12, v19;
	_ =	sdelay $0x1  }
0x728: {  	v16 =	vmul.f32 $8.000000000e+00, v16;
	_ =	sdelay $0x1  }
0x729: {  	[tilespmem:v17+s24+$0x0] =	vst.idx.msk $0xffff, v16  }
0x72a: {  	v16 =	vld.idx.msk [tilespmem:v20+s20+$0x0], $0xffff;
	_ =	sdelay $0x2  }
0x72b: {  	v17 =	vor.u32 v13, v18  }
0x72c: {  	v19 =	vor.u32 v14, v19;
	_ =	sdelay $0x1  }
0x72d: {  	v16 =	vmul.f32 $8.000000000e+00, v16;
	_ =	sdelay $0x1  }
0x72e: {  	[tilespmem:v17+s24+$0x0] =	vst.idx.msk $0xffff, v16  }
0x72f: {  	v16 =	vld.idx.msk [tilespmem:v19+s20+$0x0], $0xffff  }
0x730: {  	s8 =	sadd.s32 $0x2, s0  }
0x731: {  	v17 =	vadd.s32 s8, v0  }
0x732: {  	v18 =	vor.u32 v15, v18;
	v19 =	vand.u32 $0x3F, v17;
	v17 =	vshll.u32 v17, $0x7  }
0x733: {  	v20 =	vor.u32 v1, v19;
	v17 =	vand.u32 $0x1F80, v17;
	_ =	sdelay $0x1  }
0x734: {  	v16 =	vmul.f32 $8.000000000e+00, v16;
	_ =	sdelay $0x1  }
0x735: {  	[tilespmem:v18+s24+$0x0] =	vst.idx.msk $0xffff, v16  }
0x736: {  	v16 =	vld.idx.msk [tilespmem:v20+s20+$0x0], $0xffff;
	_ =	sdelay $0x2  }
0x737: {  	v18 =	vor.u32 v0, v17  }
0x738: {  	v20 =	vor.u32 v2, v19;
	_ =	sdelay $0x1  }
0x739: {  	v16 =	vmul.f32 $8.000000000e+00, v16;
	_ =	sdelay $0x1  }
0x73a: {  	[tilespmem:v18+s24+$0x0] =	vst.idx.msk $0xffff, v16  }
0x73b: {  	v16 =	vld.idx.msk [tilespmem:v20+s20+$0x0], $0xffff;
	_ =	sdelay $0x2  }
0x73c: {  	v18 =	vor.u32 v3, v17  }
0x73d: {  	v20 =	vor.u32 v4, v19;
	_ =	sdelay $0x1  }
0x73e: {  	v16 =	vmul.f32 $8.000000000e+00, v16;
	_ =	sdelay $0x1  }
0x73f: {  	[tilespmem:v18+s24+$0x0] =	vst.idx.msk $0xffff, v16  }
0x740: {  	v16 =	vld.idx.msk [tilespmem:v20+s20+$0x0], $0xffff;
	_ =	sdelay $0x2  }
0x741: {  	v18 =	vor.u32 v5, v17  }
0x742: {  	v20 =	vor.u32 v6, v19;
	_ =	sdelay $0x1  }
0x743: {  	v16 =	vmul.f32 $8.000000000e+00, v16;
	_ =	sdelay $0x1  }
0x744: {  	[tilespmem:v18+s24+$0x0] =	vst.idx.msk $0xffff, v16  }
0x745: {  	v16 =	vld.idx.msk [tilespmem:v20+s20+$0x0], $0xffff;
	_ =	sdelay $0x2  }
0x746: {  	v18 =	vor.u32 v7, v17  }
0x747: {  	v20 =	vor.u32 v8, v19;
	_ =	sdelay $0x1  }
0x748: {  	v16 =	vmul.f32 $8.000000000e+00, v16;
	_ =	sdelay $0x1  }
0x749: {  	[tilespmem:v18+s24+$0x0] =	vst.idx.msk $0xffff, v16  }
0x74a: {  	v16 =	vld.idx.msk [tilespmem:v20+s20+$0x0], $0xffff;
	_ =	sdelay $0x2  }
0x74b: {  	v18 =	vor.u32 v9, v17  }
0x74c: {  	v20 =	vor.u32 v10, v19;
	_ =	sdelay $0x1  }
0x74d: {  	v16 =	vmul.f32 $8.000000000e+00, v16;
	_ =	sdelay $0x1  }
0x74e: {  	[tilespmem:v18+s24+$0x0] =	vst.idx.msk $0xffff, v16  }
0x74f: {  	v16 =	vld.idx.msk [tilespmem:v20+s20+$0x0], $0xffff;
	_ =	sdelay $0x2  }
0x750: {  	v18 =	vor.u32 v11, v17  }
0x751: {  	v20 =	vor.u32 v12, v19;
	_ =	sdelay $0x1  }
0x752: {  	v16 =	vmul.f32 $8.000000000e+00, v16;
	_ =	sdelay $0x1  }
0x753: {  	[tilespmem:v18+s24+$0x0] =	vst.idx.msk $0xffff, v16  }
0x754: {  	v16 =	vld.idx.msk [tilespmem:v20+s20+$0x0], $0xffff;
	_ =	sdelay $0x2  }
0x755: {  	v18 =	vor.u32 v13, v17  }
0x756: {  	v19 =	vor.u32 v14, v19;
	_ =	sdelay $0x1  }
0x757: {  	v16 =	vmul.f32 $8.000000000e+00, v16;
	_ =	sdelay $0x1  }
0x758: {  	[tilespmem:v18+s24+$0x0] =	vst.idx.msk $0xffff, v16  }
0x759: {  	v16 =	vld.idx.msk [tilespmem:v19+s20+$0x0], $0xffff  }
0x75a: {  	s8 =	sadd.s32 $0x3, s0;
	s0 =	smov.u32 s5  }
0x75b: {  	v18 =	vadd.s32 s8, v0  }
0x75c: {  	v17 =	vor.u32 v15, v17;
	v19 =	vand.u32 $0x3F, v18;
	v18 =	vshll.u32 v18, $0x7  }
0x75d: {  	v20 =	vor.u32 v1, v19;
	v18 =	vand.u32 $0x1F80, v18;
	_ =	sdelay $0x1  }
0x75e: {  	v16 =	vmul.f32 $8.000000000e+00, v16;
	_ =	sdelay $0x1  }
0x75f: {  	[tilespmem:v17+s24+$0x0] =	vst.idx.msk $0xffff, v16  }
0x760: {  	v16 =	vld.idx.msk [tilespmem:v20+s20+$0x0], $0xffff;
	_ =	sdelay $0x2  }
0x761: {  	v17 =	vor.u32 v0, v18  }
0x762: {  	v20 =	vor.u32 v2, v19;
	_ =	sdelay $0x1  }
0x763: {  	v16 =	vmul.f32 $8.000000000e+00, v16;
	_ =	sdelay $0x1  }
0x764: {  	[tilespmem:v17+s24+$0x0] =	vst.idx.msk $0xffff, v16  }
0x765: {  	v16 =	vld.idx.msk [tilespmem:v20+s20+$0x0], $0xffff;
	_ =	sdelay $0x2  }
0x766: {  	v17 =	vor.u32 v3, v18  }
0x767: {  	v20 =	vor.u32 v4, v19;
	_ =	sdelay $0x1  }
0x768: {  	v16 =	vmul.f32 $8.000000000e+00, v16;
	_ =	sdelay $0x1  }
0x769: {  	[tilespmem:v17+s24+$0x0] =	vst.idx.msk $0xffff, v16  }
0x76a: {  	v16 =	vld.idx.msk [tilespmem:v20+s20+$0x0], $0xffff;
	_ =	sdelay $0x2  }
0x76b: {  	v17 =	vor.u32 v5, v18  }
0x76c: {  	v20 =	vor.u32 v6, v19;
	_ =	sdelay $0x1  }
0x76d: {  	v16 =	vmul.f32 $8.000000000e+00, v16;
	_ =	sdelay $0x1  }
0x76e: {  	[tilespmem:v17+s24+$0x0] =	vst.idx.msk $0xffff, v16  }
0x76f: {  	v16 =	vld.idx.msk [tilespmem:v20+s20+$0x0], $0xffff;
	_ =	sdelay $0x2  }
0x770: {  	v17 =	vor.u32 v7, v18  }
0x771: {  	v20 =	vor.u32 v8, v19;
	_ =	sdelay $0x1  }
0x772: {  	v16 =	vmul.f32 $8.000000000e+00, v16;
	_ =	sdelay $0x1  }
0x773: {  	[tilespmem:v17+s24+$0x0] =	vst.idx.msk $0xffff, v16  }
0x774: {  	v16 =	vld.idx.msk [tilespmem:v20+s20+$0x0], $0xffff;
	_ =	sdelay $0x2  }
0x775: {  	v17 =	vor.u32 v9, v18  }
0x776: {  	v20 =	vor.u32 v10, v19;
	_ =	sdelay $0x1  }
0x777: {  	v16 =	vmul.f32 $8.000000000e+00, v16;
	_ =	sdelay $0x1  }
0x778: {  	[tilespmem:v17+s24+$0x0] =	vst.idx.msk $0xffff, v16  }
0x779: {  	v16 =	vld.idx.msk [tilespmem:v20+s20+$0x0], $0xffff;
	_ =	sdelay $0x2  }
0x77a: {  	v17 =	vor.u32 v11, v18  }
0x77b: {  	v20 =	vor.u32 v12, v19;
	_ =	sdelay $0x1  }
0x77c: {  	v16 =	vmul.f32 $8.000000000e+00, v16;
	_ =	sdelay $0x1  }
0x77d: {  	[tilespmem:v17+s24+$0x0] =	vst.idx.msk $0xffff, v16  }
0x77e: {  	v16 =	vld.idx.msk [tilespmem:v20+s20+$0x0], $0xffff;
	_ =	sdelay $0x2  }
0x77f: {  	v17 =	vor.u32 v13, v18  }
0x780: {  	v19 =	vor.u32 v14, v19;
	_ =	sdelay $0x1  }
0x781: {  	v16 =	vmul.f32 $8.000000000e+00, v16;
	_ =	sdelay $0x1  }
0x782: {  	[tilespmem:v17+s24+$0x0] =	vst.idx.msk $0xffff, v16  }
0x783: {  	v20 =	vld.idx.msk [tilespmem:v19+s20+$0x0], $0xffff;
	_ =	sdelay $0x1  }
.Ltmp5:
0x784: {  	v16 =	vadd.s32 s0, v0;
	(pc) =	sbr.rel @p1 .LBB2_9-.Ltmp5, $3  }
0x785: {  	v17 =	vand.u32 $0x3F, v16;
	v16 =	vshll.u32 v16, $0x7;
	v19 =	vor.u32 v15, v18  }
0x786: {  	v18 =	vor.u32 v1, v17;
	v16 =	vand.u32 $0x1F80, v16;
	_ =	sdelay $0x1  }
0x787: {  	v20 =	vmul.f32 $8.000000000e+00, v20  }
0x788: {  	_ =	sdelay $0x3  }
0x789: {  	[tilespmem:v19+s24+$0x0] =	vst.idx.msk $0xffff, v20  }
0x78a: {  	v18 =	vld.idx.msk [tilespmem:v18+s20+$0x0], $0xffff;
	_ =	sdelay $0x1  }
0x78b: {  	v43 =	vor.u32 v0, v16  }
0x78c: {  	v44 =	vor.u32 v2, v17;
	_ =	sdelay $0x1  }
0x78d: {  	v18 =	vmul.f32 $8.000000000e+00, v18;
	_ =	sdelay $0x1  }
0x78e: {  	[tilespmem:v43+s24+$0x0] =	vst.idx.msk $0xffff, v18  }
0x78f: {  	v18 =	vld.idx.msk [tilespmem:v44+s20+$0x0], $0xffff;
	_ =	sdelay $0x1  }
0x790: {  	v45 =	vor.u32 v3, v16  }
0x791: {  	v46 =	vor.u32 v4, v17;
	_ =	sdelay $0x1  }
0x792: {  	v18 =	vmul.f32 $8.000000000e+00, v18;
	_ =	sdelay $0x1  }
0x793: {  	[tilespmem:v45+s24+$0x0] =	vst.idx.msk $0xffff, v18  }
0x794: {  	v18 =	vld.idx.msk [tilespmem:v46+s20+$0x0], $0xffff;
	_ =	sdelay $0x1  }
0x795: {  	v47 =	vor.u32 v5, v16  }
0x796: {  	v48 =	vor.u32 v6, v17;
	_ =	sdelay $0x1  }
0x797: {  	v18 =	vmul.f32 $8.000000000e+00, v18;
	_ =	sdelay $0x1  }
0x798: {  	[tilespmem:v47+s24+$0x0] =	vst.idx.msk $0xffff, v18  }
0x799: {  	v18 =	vld.idx.msk [tilespmem:v48+s20+$0x0], $0xffff;
	_ =	sdelay $0x1  }
0x79a: {  	v49 =	vor.u32 v7, v16  }
0x79b: {  	v50 =	vor.u32 v8, v17;
	_ =	sdelay $0x1  }
0x79c: {  	v18 =	vmul.f32 $8.000000000e+00, v18;
	_ =	sdelay $0x1  }
0x79d: {  	[tilespmem:v49+s24+$0x0] =	vst.idx.msk $0xffff, v18  }
0x79e: {  	v18 =	vld.idx.msk [tilespmem:v50+s20+$0x0], $0xffff;
	_ =	sdelay $0x1  }
0x79f: {  	v51 =	vor.u32 v9, v16  }
0x7a0: {  	v52 =	vor.u32 v10, v17;
	_ =	sdelay $0x1  }
0x7a1: {  	v18 =	vmul.f32 $8.000000000e+00, v18;
	_ =	sdelay $0x1  }
0x7a2: {  	[tilespmem:v51+s24+$0x0] =	vst.idx.msk $0xffff, v18  }
0x7a3: {  	v18 =	vld.idx.msk [tilespmem:v52+s20+$0x0], $0xffff;
	_ =	sdelay $0x1  }
0x7a4: {  	v53 =	vor.u32 v11, v16  }
0x7a5: {  	v54 =	vor.u32 v12, v17;
	_ =	sdelay $0x1  }
0x7a6: {  	v18 =	vmul.f32 $8.000000000e+00, v18;
	_ =	sdelay $0x1  }
0x7a7: {  	[tilespmem:v53+s24+$0x0] =	vst.idx.msk $0xffff, v18  }
0x7a8: {  	v18 =	vld.idx.msk [tilespmem:v54+s20+$0x0], $0xffff;
	_ =	sdelay $0x1  }
0x7a9: {  	v55 =	vor.u32 v13, v16  }
0x7aa: {  	v17 =	vor.u32 v14, v17;
	_ =	sdelay $0x1  }
0x7ab: {  	v18 =	vmul.f32 $8.000000000e+00, v18;
	_ =	sdelay $0x1  }
0x7ac: {  	[tilespmem:v55+s24+$0x0] =	vst.idx.msk $0xffff, v18  }
0x7ad: {  	s3 =	sadd.s32 $0x1, s0;
	v17 =	vld.idx.msk [tilespmem:v17+s20+$0x0], $0xffff  }
0x7ae: {  	v56 =	vadd.s32 s3, v0  }
0x7af: {  	v16 =	vor.u32 v15, v16;
	v57 =	vand.u32 $0x3F, v56  }
0x7b0: {  	v58 =	vor.u32 v1, v57;
	_ =	sdelay $0x1  }
0x7b1: {  	v17 =	vmul.f32 $8.000000000e+00, v17;
	_ =	sdelay $0x1  }
0x7b2: {  	[tilespmem:v16+s24+$0x0] =	vst.idx.msk $0xffff, v17  }
0x7b3: {  	v16 =	vshll.u32 v56, $0x7;
	v17 =	vld.idx.msk [tilespmem:v58+s20+$0x0], $0xffff  }
0x7b4: {  	v16 =	vand.u32 $0x1F80, v16  }
0x7b5: {  	v59 =	vor.u32 v0, v16  }
0x7b6: {  	v60 =	vor.u32 v2, v57;
	_ =	sdelay $0x1  }
0x7b7: {  	v17 =	vmul.f32 $8.000000000e+00, v17;
	_ =	sdelay $0x1  }
0x7b8: {  	[tilespmem:v59+s24+$0x0] =	vst.idx.msk $0xffff, v17  }
0x7b9: {  	v17 =	vld.idx.msk [tilespmem:v60+s20+$0x0], $0xffff;
	_ =	sdelay $0x1  }
0x7ba: {  	v61 =	vor.u32 v3, v16  }
0x7bb: {  	v62 =	vor.u32 v4, v57;
	_ =	sdelay $0x1  }
0x7bc: {  	v17 =	vmul.f32 $8.000000000e+00, v17;
	_ =	sdelay $0x1  }
0x7bd: {  	[tilespmem:v61+s24+$0x0] =	vst.idx.msk $0xffff, v17  }
0x7be: {  	v17 =	vld.idx.msk [tilespmem:v62+s20+$0x0], $0xffff;
	_ =	sdelay $0x1  }
0x7bf: {  	v63 =	vor.u32 v5, v16  }
0x7c0: {  	v24 =	vor.u32 v6, v57;
	_ =	sdelay $0x1  }
0x7c1: {  	v17 =	vmul.f32 $8.000000000e+00, v17;
	_ =	sdelay $0x1  }
0x7c2: {  	[tilespmem:v63+s24+$0x0] =	vst.idx.msk $0xffff, v17  }
0x7c3: {  	v17 =	vld.idx.msk [tilespmem:v24+s20+$0x0], $0xffff;
	_ =	sdelay $0x1  }
0x7c4: {  	v25 =	vor.u32 v7, v16  }
0x7c5: {  	v26 =	vor.u32 v8, v57;
	_ =	sdelay $0x1  }
0x7c6: {  	v17 =	vmul.f32 $8.000000000e+00, v17;
	_ =	sdelay $0x1  }
0x7c7: {  	[tilespmem:v25+s24+$0x0] =	vst.idx.msk $0xffff, v17  }
0x7c8: {  	v17 =	vld.idx.msk [tilespmem:v26+s20+$0x0], $0xffff;
	_ =	sdelay $0x1  }
0x7c9: {  	v27 =	vor.u32 v9, v16  }
0x7ca: {  	v28 =	vor.u32 v10, v57;
	_ =	sdelay $0x1  }
0x7cb: {  	v17 =	vmul.f32 $8.000000000e+00, v17;
	_ =	sdelay $0x1  }
0x7cc: {  	[tilespmem:v27+s24+$0x0] =	vst.idx.msk $0xffff, v17  }
0x7cd: {  	v17 =	vld.idx.msk [tilespmem:v28+s20+$0x0], $0xffff;
	_ =	sdelay $0x1  }
0x7ce: {  	v29 =	vor.u32 v11, v16  }
0x7cf: {  	v30 =	vor.u32 v12, v57;
	_ =	sdelay $0x1  }
0x7d0: {  	v17 =	vmul.f32 $8.000000000e+00, v17;
	_ =	sdelay $0x1  }
0x7d1: {  	[tilespmem:v29+s24+$0x0] =	vst.idx.msk $0xffff, v17  }
0x7d2: {  	v17 =	vld.idx.msk [tilespmem:v30+s20+$0x0], $0xffff;
	_ =	sdelay $0x1  }
0x7d3: {  	v31 =	vor.u32 v13, v16  }
0x7d4: {  	v19 =	vor.u32 v14, v57;
	_ =	sdelay $0x1  }
0x7d5: {  	v17 =	vmul.f32 $8.000000000e+00, v17;
	_ =	sdelay $0x1  }
0x7d6: {  	[tilespmem:v31+s24+$0x0] =	vst.idx.msk $0xffff, v17  }
0x7d7: {  	s8 =	sadd.s32 $0x2, s0;
	v17 =	vld.idx.msk [tilespmem:v19+s20+$0x0], $0xffff  }
0x7d8: {  	v32 =	vadd.s32 s8, v0  }
0x7d9: {  	v33 =	vand.u32 $0x3F, v32;
	v16 =	vor.u32 v15, v16  }
0x7da: {  	v34 =	vor.u32 v1, v33;
	_ =	sdelay $0x1  }
0x7db: {  	v17 =	vmul.f32 $8.000000000e+00, v17;
	_ =	sdelay $0x1  }
0x7dc: {  	[tilespmem:v16+s24+$0x0] =	vst.idx.msk $0xffff, v17  }
0x7dd: {  	v16 =	vshll.u32 v32, $0x7;
	v17 =	vld.idx.msk [tilespmem:v34+s20+$0x0], $0xffff  }
0x7de: {  	v16 =	vand.u32 $0x1F80, v16  }
0x7df: {  	v35 =	vor.u32 v0, v16  }
0x7e0: {  	v36 =	vor.u32 v2, v33;
	_ =	sdelay $0x1  }
0x7e1: {  	v17 =	vmul.f32 $8.000000000e+00, v17;
	_ =	sdelay $0x1  }
0x7e2: {  	[tilespmem:v35+s24+$0x0] =	vst.idx.msk $0xffff, v17  }
0x7e3: {  	v17 =	vld.idx.msk [tilespmem:v36+s20+$0x0], $0xffff;
	_ =	sdelay $0x1  }
0x7e4: {  	v37 =	vor.u32 v3, v16  }
0x7e5: {  	v38 =	vor.u32 v4, v33;
	_ =	sdelay $0x1  }
0x7e6: {  	v17 =	vmul.f32 $8.000000000e+00, v17;
	_ =	sdelay $0x1  }
0x7e7: {  	[tilespmem:v37+s24+$0x0] =	vst.idx.msk $0xffff, v17  }
0x7e8: {  	v17 =	vld.idx.msk [tilespmem:v38+s20+$0x0], $0xffff;
	_ =	sdelay $0x1  }
0x7e9: {  	v39 =	vor.u32 v5, v16  }
0x7ea: {  	v40 =	vor.u32 v6, v33;
	_ =	sdelay $0x1  }
0x7eb: {  	v17 =	vmul.f32 $8.000000000e+00, v17;
	_ =	sdelay $0x1  }
0x7ec: {  	[tilespmem:v39+s24+$0x0] =	vst.idx.msk $0xffff, v17  }
0x7ed: {  	v17 =	vld.idx.msk [tilespmem:v40+s20+$0x0], $0xffff;
	_ =	sdelay $0x1  }
0x7ee: {  	v41 =	vor.u32 v7, v16  }
0x7ef: {  	v42 =	vor.u32 v8, v33;
	_ =	sdelay $0x1  }
0x7f0: {  	v17 =	vmul.f32 $8.000000000e+00, v17;
	_ =	sdelay $0x1  }
0x7f1: {  	[tilespmem:v41+s24+$0x0] =	vst.idx.msk $0xffff, v17  }
0x7f2: {  	v17 =	vld.idx.msk [tilespmem:v42+s20+$0x0], $0xffff;
	_ =	sdelay $0x1  }
0x7f3: {  	v43 =	vor.u32 v9, v16  }
0x7f4: {  	v44 =	vor.u32 v10, v33;
	_ =	sdelay $0x1  }
0x7f5: {  	v17 =	vmul.f32 $8.000000000e+00, v17;
	_ =	sdelay $0x1  }
0x7f6: {  	[tilespmem:v43+s24+$0x0] =	vst.idx.msk $0xffff, v17  }
0x7f7: {  	v17 =	vld.idx.msk [tilespmem:v44+s20+$0x0], $0xffff;
	_ =	sdelay $0x1  }
0x7f8: {  	v45 =	vor.u32 v11, v16  }
0x7f9: {  	v46 =	vor.u32 v12, v33;
	_ =	sdelay $0x1  }
0x7fa: {  	v17 =	vmul.f32 $8.000000000e+00, v17;
	_ =	sdelay $0x1  }
0x7fb: {  	[tilespmem:v45+s24+$0x0] =	vst.idx.msk $0xffff, v17  }
0x7fc: {  	v17 =	vld.idx.msk [tilespmem:v46+s20+$0x0], $0xffff;
	_ =	sdelay $0x1  }
0x7fd: {  	v47 =	vor.u32 v13, v16  }
0x7fe: {  	v19 =	vor.u32 v14, v33;
	_ =	sdelay $0x1  }
0x7ff: {  	v17 =	vmul.f32 $8.000000000e+00, v17;
	_ =	sdelay $0x1  }
0x800: {  	[tilespmem:v47+s24+$0x0] =	vst.idx.msk $0xffff, v17  }
0x801: {  	s9 =	sadd.s32 $0x3, s0;
	v17 =	vld.idx.msk [tilespmem:v19+s20+$0x0], $0xffff  }
0x802: {  	v48 =	vadd.s32 s9, v0  }
0x803: {  	v49 =	vand.u32 $0x3F, v48;
	v16 =	vor.u32 v15, v16  }
0x804: {  	v50 =	vor.u32 v1, v49;
	_ =	sdelay $0x1  }
0x805: {  	v17 =	vmul.f32 $8.000000000e+00, v17;
	_ =	sdelay $0x1  }
0x806: {  	[tilespmem:v16+s24+$0x0] =	vst.idx.msk $0xffff, v17  }
0x807: {  	v16 =	vshll.u32 v48, $0x7;
	v17 =	vld.idx.msk [tilespmem:v50+s20+$0x0], $0xffff  }
0x808: {  	v16 =	vand.u32 $0x1F80, v16  }
0x809: {  	v51 =	vor.u32 v0, v16  }
0x80a: {  	v52 =	vor.u32 v2, v49;
	_ =	sdelay $0x1  }
0x80b: {  	v17 =	vmul.f32 $8.000000000e+00, v17;
	_ =	sdelay $0x1  }
0x80c: {  	[tilespmem:v51+s24+$0x0] =	vst.idx.msk $0xffff, v17  }
0x80d: {  	v17 =	vld.idx.msk [tilespmem:v52+s20+$0x0], $0xffff;
	_ =	sdelay $0x1  }
0x80e: {  	v53 =	vor.u32 v3, v16  }
0x80f: {  	v54 =	vor.u32 v4, v49;
	_ =	sdelay $0x1  }
0x810: {  	v17 =	vmul.f32 $8.000000000e+00, v17;
	_ =	sdelay $0x1  }
0x811: {  	[tilespmem:v53+s24+$0x0] =	vst.idx.msk $0xffff, v17  }
0x812: {  	v17 =	vld.idx.msk [tilespmem:v54+s20+$0x0], $0xffff;
	_ =	sdelay $0x1  }
0x813: {  	v55 =	vor.u32 v5, v16  }
0x814: {  	v56 =	vor.u32 v6, v49;
	_ =	sdelay $0x1  }
0x815: {  	v17 =	vmul.f32 $8.000000000e+00, v17;
	_ =	sdelay $0x1  }
0x816: {  	[tilespmem:v55+s24+$0x0] =	vst.idx.msk $0xffff, v17  }
0x817: {  	v17 =	vld.idx.msk [tilespmem:v56+s20+$0x0], $0xffff;
	_ =	sdelay $0x1  }
0x818: {  	v57 =	vor.u32 v7, v16  }
0x819: {  	v58 =	vor.u32 v8, v49;
	_ =	sdelay $0x1  }
0x81a: {  	v17 =	vmul.f32 $8.000000000e+00, v17;
	_ =	sdelay $0x1  }
0x81b: {  	[tilespmem:v57+s24+$0x0] =	vst.idx.msk $0xffff, v17  }
0x81c: {  	v17 =	vld.idx.msk [tilespmem:v58+s20+$0x0], $0xffff;
	_ =	sdelay $0x1  }
0x81d: {  	v59 =	vor.u32 v9, v16  }
0x81e: {  	v60 =	vor.u32 v10, v49;
	_ =	sdelay $0x1  }
0x81f: {  	v17 =	vmul.f32 $8.000000000e+00, v17;
	_ =	sdelay $0x1  }
0x820: {  	[tilespmem:v59+s24+$0x0] =	vst.idx.msk $0xffff, v17  }
0x821: {  	v17 =	vld.idx.msk [tilespmem:v60+s20+$0x0], $0xffff;
	_ =	sdelay $0x1  }
0x822: {  	v61 =	vor.u32 v11, v16  }
0x823: {  	v62 =	vor.u32 v12, v49;
	_ =	sdelay $0x1  }
0x824: {  	v17 =	vmul.f32 $8.000000000e+00, v17;
	_ =	sdelay $0x1  }
0x825: {  	[tilespmem:v61+s24+$0x0] =	vst.idx.msk $0xffff, v17  }
0x826: {  	v17 =	vld.idx.msk [tilespmem:v62+s20+$0x0], $0xffff;
	_ =	sdelay $0x1  }
0x827: {  	v63 =	vor.u32 v13, v16  }
0x828: {  	v19 =	vor.u32 v14, v49;
	_ =	sdelay $0x1  }
0x829: {  	v17 =	vmul.f32 $8.000000000e+00, v17;
	_ =	sdelay $0x1  }
0x82a: {  	[tilespmem:v63+s24+$0x0] =	vst.idx.msk $0xffff, v17  }
0x82b: {  	v17 =	vld.idx.msk [tilespmem:v19+s20+$0x0], $0xffff;
	_ =	sdelay $0x1  }
0x82c: {  	v16 =	vor.u32 v15, v16;
	_ =	sdelay $0x1  }
.Ltmp6:
0x82d: {  	s25 =	sshll.u32 s1, $0x12;
	(pc) =	sbr.rel @p0 .LBB2_12-.Ltmp6, $4  }
0x82e: {  	s0 =	sor.u32 s6, s25;
	v17 =	vmul.f32 $8.000000000e+00, v17  }
0x82f: {  	s0 =	sshrl.u32 s0, $0x3  }
0x830: {  	s0 =	sadd.s32 s2, s0;
	[tilespmem:v16+s24+$0x0] =	vst.idx.msk $0xffff, v17  }
0x831: {  	[hbm4b:s0+s15] =	stream.strided.scatter [tilespmem:s24], [sflag:$0x8], $0x2000, s16, s15, $0x38;
	[tilespmem:$0x1E400] =	vst v63  }
.Ltmp7:
0x832: {  	(pc) =	sbr.rel .LBB2_2-.Ltmp7, $4  }
0x833: {  	s0 =	sshll.u32 s31, $0x9  }
0x834: {  	s0 =	sand.u32 $0x3FFFFE00, s0  }
0x835: {  	s31 =	sadd.s32 $0x1, s31;
	s0 =	sadd.s32 $0x280, s0  }
0x836: {  	[tilespmem:s12], [sflag:$0x2] =	stream.indirect.gather [hbm4b:s4+s10], $0x80, s0, s10, $0xb8;
	[tilespmem:$0x1E400] =	vst v63  }
.LBB2_13:
0x837: {  	_ =	sfence.sel $0x180000  }
0x838: {  	[bflag:$0x0] =	sbarrier.arrive $0xFFFF  }
0x839: {  	_ =	strace $0x90000047  }
0x83a: {  	s0 =	stileid.u32;
	[bflag:$0x2] =	sbarrier.arrive $0xFFFF  }
0x83b: {  	p0 =	sne.s32 s0, $0x0;
	s0 =	rddreg [dreg:$0x2]  }
0x83c: {  	s0 =	sadd.s32 @!p0 $0x100000, s0  }
0x83d: {  	[sflag:s0] =	ssyncadd.tile.s32 @!p0 $0x1;
	_ =	shalt  }
.Lfunc_end2:
_tile_overlayer_lowered:
.L_overlay_start_2:
0x83e: {  	(tag) =	ssettag $0x2  }
0x83f: {  	s0 =	rddreg [dreg:$0x0];
	s2 =	stileid.u32  }
0x840: {  	s1 =	rddreg [dreg:$0x1];
	p0 =	sne.s32 s2, $0x0  }
0x841: {  	s3 =	rddreg [dreg:$0x2];
	[bflag:$0x3] =	sbarrier.arrive $0xFFFF;
	s2 =	simm.s32 @!p0 $0x1C09  }
0x842: {  	[timem:s3], [sflag:s2] =	dma.local @!p0 [hbm:s0], s1  }
0x843: {  	s0 =	simm.s32 @!p0 $0x9  }
0x844: {  	_ =	swait.ge @!p0 [sflag:s0], s1  }
0x845: {  	s1 =	ssub.s32 @!p0 $0x0, s1;
	[sflag:s0] =	ssyncset.done @!p0 $0x0  }
0x846: {  	[sflag:s0] =	ssyncadd.s32 @!p0 s1  }
0x847: {  	[bflag:$0x3] =	sbarrier.arrive $0xFFFF  }
0x848: {  	_ =	shalt  }

</sc_bundles>
